<compile_context>
chip_gen: v7x
topology: tpu7x:2x2x1
jax: 0.10.2.dev20260603
libtpu: 0.0.44.dev20260713+nightly
codegen_flags: <defaults>
</compile_context>

<pallas_src>
import functools
import math

import jax
import jax.numpy as jnp
from jax import lax
from jax.experimental import pallas as pl
from jax.experimental.pallas import tpu as pltpu
from jax.experimental.pallas import tpu_sc as plsc

HEIGHT = 260
B = 2
N = 4096
KB = 9
KL = 16
ROWS = 256
NT = N // ROWS
TD = 128


def _ln(x, g, b, eps=1e-5):
    m = jnp.mean(x, axis=-1, keepdims=True)
    v = jnp.mean((x - m) ** 2, axis=-1, keepdims=True)
    return (x - m) / jnp.sqrt(v + eps) * g + b


def _gelu(x):
    c = math.sqrt(2.0 / math.pi)
    return 0.5 * x * (1.0 + jnp.tanh(c * (x + 0.044715 * (x * x * x))))


def _sigmoid(x):
    return 1.0 / (1.0 + jnp.exp(-x))


def _softplus(x):
    return jnp.maximum(x, 0.0) + jnp.log1p(jnp.exp(-jnp.abs(x)))


def _full_spec(shape):
    nd = len(shape)
    return pl.BlockSpec(shape, lambda *_: (0,) * nd)


def _knn_body(x_ref, xt_ref, ball_ref, knn_ref):
    i = pl.program_id(1)
    r2 = (5.0 / HEIGHT) ** 2
    xr = x_ref[0]
    xt = xt_ref[0]
    r3 = xr[:, 0:3]
    c3 = xt[0:3, :]
    aa3 = jnp.sum(r3 * r3, axis=1, keepdims=True)
    bb3 = jnp.sum(c3 * c3, axis=0, keepdims=True)
    d2 = (aa3 + bb3) - 2.0 * jnp.dot(r3, c3)
    r2_ = xr[:, 1:3]
    c2_ = xt[1:3, :]
    aa2 = jnp.sum(r2_ * r2_, axis=1, keepdims=True)
    bb2 = jnp.sum(c2_ * c2_, axis=0, keepdims=True)
    d2xy = (aa2 + bb2) - 2.0 * jnp.dot(r2_, c2_)
    col = lax.broadcasted_iota(jnp.int32, (ROWS, N), 1)
    rowid = i * ROWS + lax.broadcasted_iota(jnp.int32, (ROWS, 1), 0)
    keys = jnp.where(d2xy <= r2, col, N)
    for k in range(KB):
        m = jnp.min(keys, axis=1, keepdims=True)
        ball_ref[0, :, k : k + 1] = jnp.where(m >= N, rowid, m)
        keys = jnp.where(keys == m, N, keys)
    for k in range(KB, 16):
        ball_ref[0, :, k : k + 1] = rowid
    dk = d2
    for k in range(KL):
        m = jnp.min(dk, axis=1, keepdims=True)
        cand = jnp.where(dk == m, col, N)
        c = jnp.min(cand, axis=1, keepdims=True)
        knn_ref[0, :, k : k + 1] = c
        dk = jnp.where(col == c, jnp.float32(jnp.inf), dk)


def _tc_knn(xytp, xytp_t):
    return pl.pallas_call(
        _knn_body,
        grid=(B, NT),
        in_specs=[
            pl.BlockSpec((1, ROWS, 4), lambda b, i: (b, i, 0)),
            pl.BlockSpec((1, 4, N), lambda b, i: (b, 0, 0)),
        ],
        out_specs=[
            pl.BlockSpec((1, ROWS, 16), lambda b, i: (b, i, 0)),
            pl.BlockSpec((1, ROWS, 16), lambda b, i: (b, i, 0)),
        ],
        out_shape=[
            jax.ShapeDtypeStruct((B, N, 16), jnp.int32),
            jax.ShapeDtypeStruct((B, N, 16), jnp.int32),
        ],
    )(xytp, xytp_t)


def _sc_gather(table, idx):
    M = idx.shape[0]
    D = table.shape[1]
    chunk = 128
    nw = 32
    per_w = M // nw
    nch = per_w // chunk
    mesh = plsc.VectorSubcoreMesh(core_axis_name="c", subcore_axis_name="s")

    @functools.partial(
        pl.kernel,
        out_type=jax.ShapeDtypeStruct((M, D), jnp.float32),
        mesh=mesh,
        scratch_types=[
            pltpu.VMEM((chunk,), jnp.int32),
            pltpu.VMEM((chunk, D), jnp.float32),
            pltpu.SemaphoreType.DMA,
        ],
    )
    def gk(tab_hbm, idx_hbm, out_hbm, idx_v, rows_v, sem):
        wid = lax.axis_index("s") * 2 + lax.axis_index("c")
        base = wid * per_w

        def body(c, carry):
            off = base + c * chunk
            pltpu.sync_copy(idx_hbm.at[pl.ds(off, chunk)], idx_v)
            pltpu.async_copy(tab_hbm.at[idx_v], rows_v, sem).wait()
            pltpu.sync_copy(rows_v, out_hbm.at[pl.ds(off, chunk)])
            return carry

        lax.fori_loop(0, nch, body, 0)

    return gk(table, idx)


def _embed_body(x_ref, g_ref, spw1, spb1, spw2, spb2, tepw, tepb, tenw, tenb,
                projw, elg, elb, n1g, n1b, ltw, ltb, pew1,
                main_ref, table_ref):
    xr = x_ref[0]
    g = g_ref[0]
    xy = xr[:, 1:3]
    xyrep = jnp.concatenate([xy] * KB, axis=1)
    delta = xyrep - g
    h = _gelu(jnp.dot(delta, spw1[...]) + spb1[...])
    fsp = jnp.dot(h, spw2[...]) + spb2[...]
    ts = xr[:, 0:1]
    pn = xr[:, 3:4]
    fte = (ts * tepw[...] + tepb[...]) * pn + (ts * tenw[...] + tenb[...]) * (1.0 - pn)
    pw = projw[...]
    f = jnp.dot(fsp, pw[0:32]) + jnp.dot(fte, pw[32:64])
    feats = _ln(f, elg[...], elb[...])
    x1 = _ln(feats, n1g[...], n1b[...])
    lt = jnp.dot(x1, ltw[...]) + ltb[...]
    u = jnp.dot(xr, pew1[...])
    main_ref[0, :, 0:32] = feats
    main_ref[0, :, 32:64] = lt[:, 0:32]
    main_ref[0, :, 64:68] = u
    table_ref[0, :, 0:4] = u
    table_ref[0, :, 4:36] = lt[:, 32:64]
    table_ref[0, :, 36:68] = lt[:, 64:96]


def _tc_embed(xytp, g1, pp):
    params = [pp['sp_w1'], pp['sp_b1'], pp['sp_w2'], pp['sp_b2'],
              pp['te_pos_w'], pp['te_pos_b'], pp['te_neg_w'], pp['te_neg_b'],
              pp['proj_w'], pp['emb_ln_g'], pp['emb_ln_b'],
              pp['norm1_g'], pp['norm1_b'], pp['lt_w'], pp['lt_b'], pp['pe_w1']]
    return pl.pallas_call(
        _embed_body,
        grid=(B, NT),
        in_specs=[
            pl.BlockSpec((1, ROWS, 4), lambda b, i: (b, i, 0)),
            pl.BlockSpec((1, ROWS, 2 * KB), lambda b, i: (b, i, 0)),
        ] + [_full_spec(p.shape) for p in params],
        out_specs=[
            pl.BlockSpec((1, ROWS, 128), lambda b, i: (b, i, 0)),
            pl.BlockSpec((1, ROWS, TD), lambda b, i: (b, i, 0)),
        ],
        out_shape=[
            jax.ShapeDtypeStruct((B, N, 128), jnp.float32),
            jax.ShapeDtypeStruct((B, N, TD), jnp.float32),
        ],
    )(xytp, g1, *params)


def _stats_body(gu_ref, urep_ref, b1rep_ref, out_ref):
    gu = gu_ref[...]
    t1 = (urep_ref[...] - gu) + b1rep_ref[...]

    def fold(x):
        s = x[:, 0:4]
        for k in range(1, KL):
            s = s + x[:, 4 * k : 4 * k + 4]
        return s

    cnt = float(B * N * KL)
    s1 = jnp.sum(t1, axis=0, keepdims=True)
    m = fold(s1) / cnt
    s2 = jnp.sum(t1 * t1, axis=0, keepdims=True)
    v = fold(s2) / cnt - m * m
    out_ref[0:1, 0:4] = m
    out_ref[1:2, 0:4] = v


def _tc_stats(gu, u, b1):
    return pl.pallas_call(
        _stats_body,
        in_specs=[_full_spec(gu.shape), _full_spec(u.shape), _full_spec(b1.shape)],
        out_specs=_full_spec((8, 128)),
        out_shape=jax.ShapeDtypeStruct((8, 128), jnp.float32),
    )(gu, u, b1)


def _attn_body(m_ref, g_ref, st_ref, b1, bng, bnb, pew2, peb2, llg, llb,
               out_ref):
    mn = m_ref[0]
    varphi = mn[:, 32:64]
    u = mn[:, 64:68]
    g = g_ref[0]
    mm = st_ref[0:1, 0:4]
    vv = st_ref[1:2, 0:4]
    inv = 1.0 / jnp.sqrt(vv + 1e-5)
    scale = 1.0 / math.sqrt(32.0)
    tks = []
    vals = []
    for k in range(KL):
        gk = g[:, k * TD : (k + 1) * TD]
        gu = gk[:, 0:4]
        psi = gk[:, 4:36]
        alpha = gk[:, 36:68]
        t1 = u - gu + b1[...]
        t1 = (t1 - mm) * inv * bng[...] + bnb[...]
        t1 = jnp.maximum(t1, 0.0)
        delta = jnp.dot(t1, pew2[...]) + peb2[...]
        tks.append(_ln(varphi - psi + delta, llg[...], llb[...]) * scale)
        vals.append(alpha + delta)
    mx = tks[0]
    for k in range(1, KL):
        mx = jnp.maximum(mx, tks[k])
    ssum = jnp.zeros((ROWS, 32), jnp.float32)
    osum = jnp.zeros((ROWS, 32), jnp.float32)
    for k in range(KL):
        e = jnp.exp(tks[k] - mx)
        ssum = ssum + e
        osum = osum + e * vals[k]
    out_ref[0] = osum / ssum


def _tc_attn(main, gtab, stats, pp):
    params = [pp['pe_b1'], pp['pe_bn_g'], pp['pe_bn_b'], pp['pe_w2'],
              pp['pe_b2'], pp['local_ln_g'], pp['local_ln_b']]
    return pl.pallas_call(
        _attn_body,
        grid=(B, NT),
        in_specs=[
            pl.BlockSpec((1, ROWS, 128), lambda b, i: (b, i, 0)),
            pl.BlockSpec((1, ROWS, KL * TD), lambda b, i: (b, i, 0)),
            _full_spec((8, 128)),
        ] + [_full_spec(p.shape) for p in params],
        out_specs=pl.BlockSpec((1, ROWS, 32), lambda b, i: (b, i, 0)),
        out_shape=jax.ShapeDtypeStruct((B, N, 32), jnp.float32),
    )(main, gtab, stats, *params)


def _mamba_body(a_ref, f_ref, ipw, cwT, cb, xwdt, xwB, xwC, dtw, dtb, alogT,
                dp, opw, n2g, n2b, w1, b1, w2, b2, hwT, hb,
                out_ref, dts, xcs, bs, cs, ys):
    AT = -jnp.exp(alogT[...])
    ones_row = jnp.ones((1, 64), jnp.float32)
    for bb in range(B):
        xb = a_ref[bb]
        xz = jnp.dot(xb, ipw[...])
        xc = xz[:, 0:64]
        zg = xz[:, 64:128]
        cw = cwT[...]
        acc = xc * cw[3:4]
        for j in range(1, 4):
            sh = jnp.concatenate(
                [jnp.zeros((j, 64), jnp.float32), xc[0 : N - j]], axis=0)
            acc = acc + sh * cw[3 - j : 4 - j]
        xconv = acc + cb[...]
        xconv = xconv * _sigmoid(xconv)
        dtr = jnp.dot(xconv, xwdt[...])
        dt = _softplus(jnp.dot(dtr, dtw[...]) + dtb[...])
        Bm = jnp.dot(xconv, xwB[...])
        Cm = jnp.dot(xconv, xwC[...])
        dts[...] = dt
        xcs[...] = xconv
        bs[...] = Bm
        cs[...] = Cm

        def step(t, h):
            dtr_ = dts[pl.ds(t, 1), :]
            xtr = xcs[pl.ds(t, 1), :]
            br = bs[pl.ds(t, 1), :]
            cr = cs[pl.ds(t, 1), :]
            bmat = lax.dot_general(br, ones_row, (((0,), (0,)), ((), ())),
                                   preferred_element_type=jnp.float32)
            h = jnp.exp(AT * dtr_) * h + bmat * (dtr_ * xtr)
            ys[pl.ds(t, 1), :] = jnp.dot(cr, h,
                                         preferred_element_type=jnp.float32)
            return h

        lax.fori_loop(0, N, step, jnp.zeros((64, 64), jnp.float32))
        y = ys[...]
        y = y + xconv * dp[...]
        y = y * (zg * _sigmoid(zg))
        attn = jnp.dot(y, opw[...])
        fa = attn + f_ref[bb]
        h2 = _ln(fa, n2g[...], n2b[...])
        mlp = jnp.dot(_gelu(jnp.dot(h2, w1[...]) + b1[...]), w2[...]) + b2[...]
        fa = mlp + fa
        o = jnp.sum(fa * hwT[...], axis=1, keepdims=True) + hb[...]
        out_ref[bb] = jnp.broadcast_to(o, (N, 8))


def _tc_mamba(attn_l, feats, pp):
    params = [pp['in_proj_w'], pp['conv_w_T'], pp['conv_b'],
              pp['xw_dt'], pp['xw_B'], pp['xw_C'],
              pp['dt_proj_w'], pp['dt_proj_b'], pp['A_log_T'], pp['Dp'],
              pp['out_proj_w'], pp['norm2_g'], pp['norm2_b'],
              pp['mlp_w1'], pp['mlp_b1'], pp['mlp_w2'], pp['mlp_b2'],
              pp['head_w_T'], pp['head_b']]
    return pl.pallas_call(
        _mamba_body,
        in_specs=[_full_spec((B, N, 32)), _full_spec((B, N, 32))]
        + [_full_spec(p.shape) for p in params],
        out_specs=_full_spec((B, N, 8)),
        out_shape=jax.ShapeDtypeStruct((B, N, 8), jnp.float32),
        scratch_shapes=[
            pltpu.VMEM((N, 64), jnp.float32),
            pltpu.VMEM((N, 64), jnp.float32),
            pltpu.VMEM((N, 64), jnp.float32),
            pltpu.VMEM((N, 64), jnp.float32),
            pltpu.VMEM((N, 64), jnp.float32),
        ],
    )(attn_l, feats, *params)


def _row(v):
    return v.reshape(1, -1)


def kernel(xytp, params):
    p = dict(params)
    for k in ['sp_b1', 'sp_b2', 'te_pos_b', 'te_neg_b', 'emb_ln_g', 'emb_ln_b',
              'norm1_g', 'norm1_b', 'lt_b', 'pe_b1', 'pe_bn_g', 'pe_bn_b',
              'pe_b2', 'local_ln_g', 'local_ln_b', 'conv_b', 'dt_proj_b',
              'Dp', 'norm2_g', 'norm2_b', 'mlp_b1', 'mlp_b2']:
        p[k] = _row(p[k])
    p['conv_w_T'] = p['conv_w'].T
    p['xw_dt'] = p['x_proj_w'][:, 0:2]
    p['xw_B'] = p['x_proj_w'][:, 2:66]
    p['xw_C'] = p['x_proj_w'][:, 66:130]
    p['head_w_T'] = p['head_w'].T
    p['A_log_T'] = p['A_log'].T
    p['head_b'] = _row(p['head_b'])

    xytp_t = xytp.transpose(0, 2, 1)
    ball, knn = _tc_knn(xytp, xytp_t)

    offs = (jnp.arange(B, dtype=jnp.int32) * N)[:, None, None]
    g1_idx = (ball[..., :KB] + offs).reshape(-1)
    xy_pad = jnp.pad(xytp[..., 1:3].reshape(B * N, 2), ((0, 0), (0, 126)))
    gxy = _sc_gather(xy_pad, g1_idx)
    g1 = gxy.reshape(B, N, KB, 128)[..., :2].reshape(B, N, KB * 2)

    main, table = _tc_embed(xytp, g1, p)

    g2_idx = (knn + offs).reshape(-1)
    gtab = _sc_gather(table.reshape(B * N, TD), g2_idx)

    stats = _tc_stats(gtab[:, 0:4].reshape(B * N, 4 * KL),
                      jnp.tile(main[..., 64:68].reshape(B * N, 4), (1, KL)),
                      jnp.tile(p['pe_b1'], (1, KL)))
    attn_l = _tc_attn(main, gtab.reshape(B, N, KL * TD), stats, p)
    outp = _tc_mamba(attn_l, main[..., 0:32], p)
    return outp[..., 0:1]

# --- scband reference (transcript-rebuilt; emitter-appended) ---
"""Pipeline reference for scband-edformer-plus-40303973105903 (READ-ONLY COPY).

The authoritative reference and input builder live on the scoring server;
editing this copy changes nothing except your own understanding.
"""

import jax, jax.numpy as jnp
import numpy as np
import math

HEIGHT = 260
WIDTH = 346
B = 2
N = 4096
K_BALL = 9
K_L = 16
D_MODEL = 32
D_INNER = 64
D_STATE = 64
D_CONV = 4
DT_RANK = 2


def _ln(x, g, b, eps=1e-5):
    m = jnp.mean(x, axis=-1, keepdims=True)
    v = jnp.mean((x - m) ** 2, axis=-1, keepdims=True)
    return (x - m) / jnp.sqrt(v + eps) * g + b


def _knn_gather(x, idx):
    return jax.vmap(lambda xb, ib: xb[ib])(x, idx)


def _pdist2(a, b):
    aa = jnp.sum(a * a, -1)
    bb = jnp.sum(b * b, -1)
    ab = jnp.einsum('bnd,bmd->bnm', a, b)
    return aa[:, :, None] + bb[:, None, :] - 2.0 * ab


def _mlp(x, w1, b1, w2, b2):
    return jax.nn.gelu(x @ w1 + b1) @ w2 + b2


def setup_inputs(seed: int = 0):
    key = jax.random.key(seed)
    ks = jax.random.split(key, 32)
    xytp = jax.random.uniform(ks[0], (B, N, 4), dtype=jnp.float32)

    def w(k, shape, s=0.05):
        return s * jax.random.normal(k, shape, dtype=jnp.float32)
    z = lambda *s: jnp.zeros(s, dtype=jnp.float32)
    o = lambda *s: jnp.ones(s, dtype=jnp.float32)
    params = {
        'sp_w1': w(ks[1], (2 * K_BALL, 64)), 'sp_b1': z(64),
        'sp_w2': w(ks[2], (64, 32)), 'sp_b2': z(32),
        'te_pos_w': w(ks[3], (1, 32)), 'te_pos_b': z(32),
        'te_neg_w': w(ks[4], (1, 32)), 'te_neg_b': z(32),
        'proj_w': w(ks[5], (64, 32)),
        'emb_ln_g': o(32), 'emb_ln_b': z(32),
        'norm1_g': o(32), 'norm1_b': z(32),
        'norm2_g': o(32), 'norm2_b': z(32),
        'pe_w1': w(ks[6], (4, 4)), 'pe_b1': z(4),
        'pe_bn_g': o(4), 'pe_bn_b': z(4),
        'pe_w2': w(ks[7], (4, 32)), 'pe_b2': z(32),
        'lt_w': w(ks[8], (32, 96)), 'lt_b': z(96),
        'local_ln_g': o(32), 'local_ln_b': z(32),
        'in_proj_w': w(ks[9], (D_MODEL, 2 * D_INNER)),
        'conv_w': w(ks[10], (D_INNER, D_CONV), 0.2), 'conv_b': z(D_INNER),
        'x_proj_w': w(ks[11], (D_INNER, DT_RANK + 2 * D_STATE)),
        'dt_proj_w': w(ks[12], (DT_RANK, D_INNER), 0.5),
        'dt_proj_b': jnp.full((D_INNER,), -2.0, dtype=jnp.float32),
        'A_log': jnp.log(jnp.tile(jnp.arange(1, D_STATE + 1, dtype=jnp.float32)[None, :], (D_INNER, 1))),
        'Dp': o(D_INNER),
        'out_proj_w': w(ks[13], (D_INNER, D_MODEL)),
        'mlp_w1': w(ks[14], (32, 128)), 'mlp_b1': z(128),
        'mlp_w2': w(ks[15], (128, 32)), 'mlp_b2': z(32),
        'head_w': w(ks[16], (32, 1)), 'head_b': z(1),
    }
    return {'xytp': xytp, 'params': params}


def _ball_query_idx(xyt, radius, K):
    d2 = _pdist2(xyt, xyt)
    n = xyt.shape[1]
    col = jnp.arange(n, dtype=jnp.int32)[None, None, :]
    keys = jnp.where(d2 <= radius * radius, col, n).astype(jnp.int32)
    negv, _ = jax.lax.top_k(-keys, K)
    idx = -negv
    idx = jnp.where(idx == n, -1, idx)
    return idx


def _knn_idx(xyt, K):
    d2 = _pdist2(xyt, xyt)
    _, idx = jax.lax.top_k(-d2, K)
    return idx


def _spatiotemporal_embedding(xytp, p):
    b, n, _ = xytp.shape
    xyt = jax.lax.stop_gradient(jnp.concatenate([jnp.zeros_like(xytp[..., :1]), xytp[..., 1:3]], -1))
    idx = _ball_query_idx(xyt, 5.0 / HEIGHT, K_BALL)
    self_idx = jnp.broadcast_to(jnp.arange(n, dtype=jnp.int32)[None, :, None], idx.shape)
    idx = jnp.where(idx == -1, self_idx, idx)
    xy = xytp[..., 1:3]
    delta = xy[:, :, None, :] - _knn_gather(xy, idx)
    Fsp = _mlp(delta.reshape(b, n, -1), p['sp_w1'], p['sp_b1'], p['sp_w2'], p['sp_b2'])
    xytp_d = jax.lax.stop_gradient(xytp)
    pn = xytp_d[..., 3:4]
    ts = xytp_d[..., 0:1]
    Fte = (ts @ p['te_pos_w'] + p['te_pos_b']) * pn + (ts @ p['te_neg_w'] + p['te_neg_b']) * (1.0 - pn)
    F = jnp.concatenate([Fsp, Fte], -1) @ p['proj_w']
    return _ln(F, p['emb_ln_g'], p['emb_ln_b'])


def _position_encoder(x, p):
    x = x @ p['pe_w1'] + p['pe_b1']
    m = jnp.mean(x, axis=(0, 1, 2), keepdims=True)
    v = jnp.mean((x - m) ** 2, axis=(0, 1, 2), keepdims=True)
    x = (x - m) / jnp.sqrt(v + 1e-5) * p['pe_bn_g'] + p['pe_bn_b']
    x = jax.nn.relu(x)
    return x @ p['pe_w2'] + p['pe_b2']


def _lxformer(xytp, feats, p):
    xyt = jax.lax.stop_gradient(xytp[..., :3])
    idx = _knn_idx(xyt, K_L)
    delta = _position_encoder(xytp[:, :, None, :] - _knn_gather(xytp, idx), p)
    lt = feats @ p['lt_w'] + p['lt_b']
    c = lt.shape[-1] // 3
    varphi, psi, alpha = lt[..., :c], lt[..., c:2 * c], lt[..., 2 * c:]
    psi = _knn_gather(psi, idx)
    alpha = _knn_gather(alpha, idx)
    t = _ln(varphi[:, :, None, :] - psi + delta, p['local_ln_g'], p['local_ln_b']) / math.sqrt(32.0)
    attn = jax.nn.softmax(t, axis=2) * (alpha + delta)
    return jnp.sum(attn, axis=2)


def _mamba(x, p):
    b, L, _ = x.shape
    xz = x @ p['in_proj_w']
    xc, zg = xz[..., :D_INNER], xz[..., D_INNER:]
    xp = jnp.pad(xc, ((0, 0), (D_CONV - 1, 0), (0, 0)))
    acc = jnp.zeros_like(xc)
    for k in range(D_CONV):
        acc = acc + xp[:, k:k + L, :] * p['conv_w'][:, k][None, None, :]
    xconv = acc + p['conv_b']
    xconv = xconv * jax.nn.sigmoid(xconv)
    xdbl = xconv @ p['x_proj_w']
    dt = xdbl[..., :DT_RANK]
    Bm = xdbl[..., DT_RANK:DT_RANK + D_STATE]
    Cm = xdbl[..., DT_RANK + D_STATE:]
    dt = jax.nn.softplus(dt @ p['dt_proj_w'] + p['dt_proj_b'])
    A = -jnp.exp(p['A_log'])

    def step(h, inp):
        dt_t, B_t, C_t, x_t = inp
        dA = jnp.exp(dt_t[:, :, None] * A[None, :, :])
        dBu = (dt_t * x_t)[:, :, None] * B_t[:, None, :]
        h = dA * h + dBu
        y = jnp.sum(h * C_t[:, None, :], -1)
        return h, y
    h0 = jnp.zeros((b, D_INNER, D_STATE), dtype=x.dtype)
    _, ys = jax.lax.scan(step, h0, (dt.transpose(1, 0, 2), Bm.transpose(1, 0, 2), Cm.transpose(1, 0, 2), xconv.transpose(1, 0, 2)))
    y = ys.transpose(1, 0, 2)
    y = y + xconv * p['Dp'][None, None, :]
    y = y * (zg * jax.nn.sigmoid(zg))
    return y @ p['out_proj_w']


def forward(xytp, p):
    feats = _spatiotemporal_embedding(xytp, p)
    attn_l = _lxformer(xytp, _ln(feats, p['norm1_g'], p['norm1_b']), p)
    attn = _mamba(attn_l, p)
    fa = attn + feats
    fa = _mlp(_ln(fa, p['norm2_g'], p['norm2_b']), p['mlp_w1'], p['mlp_b1'], p['mlp_w2'], p['mlp_b2']) + fa
    return fa @ p['head_w'] + p['head_b']


def reference(xytp, params):
    return forward(xytp, params)

if __name__ == "__main__":
    import jax
    _d = setup_inputs()
    print(jax.jit(kernel)(*tuple(_d.values())))

</pallas_src>

<mosaic_0001>
#map = affine_map<(d0, d1) -> (0, 0)>
#map1 = affine_map<(d0, d1) -> (0)>
module attributes {stable_mosaic.version = 14 : i64} {
  func.func @gk(%arg0: i32, %arg1: i32, %arg2: memref<8192x128xf32, #tpu.memory_space<hbm>>, %arg3: memref<73728xi32, #tpu.memory_space<hbm>>, %arg4: memref<73728x128xf32, #tpu.memory_space<hbm>>, %arg5: memref<128xi32, #tpu.memory_space<vmem>>, %arg6: memref<128x128xf32, #tpu.memory_space<vmem>>, %arg7: memref<!tpu.dma_semaphore, #tpu.memory_space<semaphore_mem>>) attributes {dimension_semantics = [#tpu.dimension_semantics<core_parallel>, #tpu.dimension_semantics<subcore_parallel>], iteration_bounds = array<i64: 2, 16>, scalar_prefetch = 0 : i64, scratch_operands = 3 : i64, tpu.core_type = #tpu.core_type<sc_vector_subcore>, window_params = [{transform_indices = #map}, {transform_indices = #map1}, {transform_indices = #map}]} {
    %mul3A = arith.constant 2 : i32
    %mul3A_0 = arith.muli %arg1, %mul3A : i32
    %add3A = arith.addi %mul3A_0, %arg0 : i32
    %mul3A_1 = arith.constant 2304 : i32
    %mul3A_2 = arith.muli %add3A, %mul3A_1 : i32
    %scan3A = arith.constant 0 : i32
    %scan3A_3 = arith.constant 0 : i32
    %scan3A_4 = arith.constant 18 : i32
    %scan3A_5 = arith.addi %scan3A_3, %scan3A_4 : i32
    %scan3A_6 = arith.constant 1 : i32
    scf.for %scan3A_8 = %scan3A_3 to %scan3A_5 step %scan3A_6  : i32 {
      %mul3A_9 = arith.constant 128 : i32
      %mul3A_10 = arith.muli %scan3A_8, %mul3A_9 : i32
      %add3A_11 = arith.addi %mul3A_2, %mul3A_10 : i32
      "tpu.region"() ({
        %run_scoped3A = tpu.sem_alloc : memref<!tpu.dma_semaphore, #tpu.memory_space<semaphore_mem>>
        %dma_start3A_16 = tpu.memref_slice %arg3[%add3A_11] : memref<73728xi32, #tpu.memory_space<hbm>> -> memref<128xi32, #tpu.memory_space<hbm>>
        %dma_start3A_17 = tpu.memref_slice %arg3[%add3A_11] : memref<73728xi32, #tpu.memory_space<hbm>> -> memref<128xi32, #tpu.memory_space<hbm>>
        tpu.enqueue_dma source(%dma_start3A_17 : memref<128xi32, #tpu.memory_space<hbm>>) target(%arg5 : memref<128xi32, #tpu.memory_space<vmem>>) target_semaphore(%run_scoped3A : memref<!tpu.dma_semaphore, #tpu.memory_space<semaphore_mem>>)
        %dma_wait3A_18 = tpu.memref_slice %arg3[%add3A_11] : memref<73728xi32, #tpu.memory_space<hbm>> -> memref<128xi32, #tpu.memory_space<hbm>>
        %dma_wait3A_19 = tpu.memref_slice %arg3[%add3A_11] : memref<73728xi32, #tpu.memory_space<hbm>> -> memref<128xi32, #tpu.memory_space<hbm>>
        tpu.wait_dma2 semaphore(%run_scoped3A : memref<!tpu.dma_semaphore, #tpu.memory_space<semaphore_mem>>) src(%dma_wait3A_19 : memref<128xi32, #tpu.memory_space<hbm>>) dst(%arg5 : memref<128xi32, #tpu.memory_space<vmem>>)
        tpu.yield
      }) : () -> ()
      %dma_start3A = arith.constant 0 : i32
      %dma_start3A_12 = arith.constant 0 : i32
      %dma_start3A_13 = tpu.memref_slice %arg2[%dma_start3A, %dma_start3A_12] : memref<8192x128xf32, #tpu.memory_space<hbm>> -> memref<8192x128xf32, #tpu.memory_space<hbm>>
      tpu.enqueue_indirect_dma source(%dma_start3A_13 : memref<8192x128xf32, #tpu.memory_space<hbm>>) target(%arg6 : memref<128x128xf32, #tpu.memory_space<vmem>>) offsets(%arg5 : memref<128xi32, #tpu.memory_space<vmem>>) semaphore(%arg7 : memref<!tpu.dma_semaphore, #tpu.memory_space<semaphore_mem>>)
      %dma_wait3A = arith.constant 0 : i32
      %dma_wait3A_14 = arith.constant 0 : i32
      %dma_wait3A_15 = tpu.memref_slice %arg2[%dma_wait3A, %dma_wait3A_14] : memref<8192x128xf32, #tpu.memory_space<hbm>> -> memref<8192x128xf32, #tpu.memory_space<hbm>>
      tpu.wait_indirect_dma semaphore(%arg7 : memref<!tpu.dma_semaphore, #tpu.memory_space<semaphore_mem>>) src(%dma_wait3A_15 : memref<8192x128xf32, #tpu.memory_space<hbm>>) dst(%arg6 : memref<128x128xf32, #tpu.memory_space<vmem>>)
      "tpu.region"() ({
        %run_scoped3A = tpu.sem_alloc : memref<!tpu.dma_semaphore, #tpu.memory_space<semaphore_mem>>
        %dma_start3A_16 = arith.constant 0 : i32
        %dma_start3A_17 = tpu.memref_slice %arg4[%add3A_11, %dma_start3A_16] : memref<73728x128xf32, #tpu.memory_space<hbm>> -> memref<128x128xf32, #tpu.memory_space<hbm>>
        %dma_start3A_18 = arith.constant 0 : i32
        %dma_start3A_19 = tpu.memref_slice %arg4[%add3A_11, %dma_start3A_18] : memref<73728x128xf32, #tpu.memory_space<hbm>> -> memref<128x128xf32, #tpu.memory_space<hbm>>
        tpu.enqueue_dma source(%arg6 : memref<128x128xf32, #tpu.memory_space<vmem>>) target(%dma_start3A_19 : memref<128x128xf32, #tpu.memory_space<hbm>>) target_semaphore(%run_scoped3A : memref<!tpu.dma_semaphore, #tpu.memory_space<semaphore_mem>>)
        %dma_wait3A_20 = arith.constant 0 : i32
        %dma_wait3A_21 = tpu.memref_slice %arg4[%add3A_11, %dma_wait3A_20] : memref<73728x128xf32, #tpu.memory_space<hbm>> -> memref<128x128xf32, #tpu.memory_space<hbm>>
        %dma_wait3A_22 = arith.constant 0 : i32
        %dma_wait3A_23 = tpu.memref_slice %arg4[%add3A_11, %dma_wait3A_22] : memref<73728x128xf32, #tpu.memory_space<hbm>> -> memref<128x128xf32, #tpu.memory_space<hbm>>
        tpu.wait_dma2 semaphore(%run_scoped3A : memref<!tpu.dma_semaphore, #tpu.memory_space<semaphore_mem>>) src(%arg6 : memref<128x128xf32, #tpu.memory_space<vmem>>) dst(%dma_wait3A_23 : memref<128x128xf32, #tpu.memory_space<hbm>>)
        tpu.yield
      }) : () -> ()
    }
    %scan3A_7 = arith.constant 18 : i32
    return
  }
}

#map = affine_map<(d0, d1) -> (0, 0)>
#map1 = affine_map<(d0, d1) -> (0)>
module attributes {stable_mosaic.version = 14 : i64} {
  func.func @gk(%arg0: i32, %arg1: i32, %arg2: memref<8192x128xf32, #tpu.memory_space<hbm>>, %arg3: memref<131072xi32, #tpu.memory_space<hbm>>, %arg4: memref<131072x128xf32, #tpu.memory_space<hbm>>, %arg5: memref<128xi32, #tpu.memory_space<vmem>>, %arg6: memref<128x128xf32, #tpu.memory_space<vmem>>, %arg7: memref<!tpu.dma_semaphore, #tpu.memory_space<semaphore_mem>>) attributes {dimension_semantics = [#tpu.dimension_semantics<core_parallel>, #tpu.dimension_semantics<subcore_parallel>], iteration_bounds = array<i64: 2, 16>, scalar_prefetch = 0 : i64, scratch_operands = 3 : i64, tpu.core_type = #tpu.core_type<sc_vector_subcore>, window_params = [{transform_indices = #map}, {transform_indices = #map1}, {transform_indices = #map}]} {
    %mul3A = arith.constant 2 : i32
    %mul3A_0 = arith.muli %arg1, %mul3A : i32
    %add3A = arith.addi %mul3A_0, %arg0 : i32
    %mul3A_1 = arith.constant 4096 : i32
    %mul3A_2 = arith.muli %add3A, %mul3A_1 : i32
    %scan3A = arith.constant 0 : i32
    %scan3A_3 = arith.constant 0 : i32
    %scan3A_4 = arith.constant 32 : i32
    %scan3A_5 = arith.addi %scan3A_3, %scan3A_4 : i32
    %scan3A_6 = arith.constant 1 : i32
    scf.for %scan3A_8 = %scan3A_3 to %scan3A_5 step %scan3A_6  : i32 {
      %mul3A_9 = arith.constant 128 : i32
      %mul3A_10 = arith.muli %scan3A_8, %mul3A_9 : i32
      %add3A_11 = arith.addi %mul3A_2, %mul3A_10 : i32
      "tpu.region"() ({
        %run_scoped3A = tpu.sem_alloc : memref<!tpu.dma_semaphore, #tpu.memory_space<semaphore_mem>>
        %dma_start3A_16 = tpu.memref_slice %arg3[%add3A_11] : memref<131072xi32, #tpu.memory_space<hbm>> -> memref<128xi32, #tpu.memory_space<hbm>>
        %dma_start3A_17 = tpu.memref_slice %arg3[%add3A_11] : memref<131072xi32, #tpu.memory_space<hbm>> -> memref<128xi32, #tpu.memory_space<hbm>>
        tpu.enqueue_dma source(%dma_start3A_17 : memref<128xi32, #tpu.memory_space<hbm>>) target(%arg5 : memref<128xi32, #tpu.memory_space<vmem>>) target_semaphore(%run_scoped3A : memref<!tpu.dma_semaphore, #tpu.memory_space<semaphore_mem>>)
        %dma_wait3A_18 = tpu.memref_slice %arg3[%add3A_11] : memref<131072xi32, #tpu.memory_space<hbm>> -> memref<128xi32, #tpu.memory_space<hbm>>
        %dma_wait3A_19 = tpu.memref_slice %arg3[%add3A_11] : memref<131072xi32, #tpu.memory_space<hbm>> -> memref<128xi32, #tpu.memory_space<hbm>>
        tpu.wait_dma2 semaphore(%run_scoped3A : memref<!tpu.dma_semaphore, #tpu.memory_space<semaphore_mem>>) src(%dma_wait3A_19 : memref<128xi32, #tpu.memory_space<hbm>>) dst(%arg5 : memref<128xi32, #tpu.memory_space<vmem>>)
        tpu.yield
      }) : () -> ()
      %dma_start3A = arith.constant 0 : i32
      %dma_start3A_12 = arith.constant 0 : i32
      %dma_start3A_13 = tpu.memref_slice %arg2[%dma_start3A, %dma_start3A_12] : memref<8192x128xf32, #tpu.memory_space<hbm>> -> memref<8192x128xf32, #tpu.memory_space<hbm>>
      tpu.enqueue_indirect_dma source(%dma_start3A_13 : memref<8192x128xf32, #tpu.memory_space<hbm>>) target(%arg6 : memref<128x128xf32, #tpu.memory_space<vmem>>) offsets(%arg5 : memref<128xi32, #tpu.memory_space<vmem>>) semaphore(%arg7 : memref<!tpu.dma_semaphore, #tpu.memory_space<semaphore_mem>>)
      %dma_wait3A = arith.constant 0 : i32
      %dma_wait3A_14 = arith.constant 0 : i32
      %dma_wait3A_15 = tpu.memref_slice %arg2[%dma_wait3A, %dma_wait3A_14] : memref<8192x128xf32, #tpu.memory_space<hbm>> -> memref<8192x128xf32, #tpu.memory_space<hbm>>
      tpu.wait_indirect_dma semaphore(%arg7 : memref<!tpu.dma_semaphore, #tpu.memory_space<semaphore_mem>>) src(%dma_wait3A_15 : memref<8192x128xf32, #tpu.memory_space<hbm>>) dst(%arg6 : memref<128x128xf32, #tpu.memory_space<vmem>>)
      "tpu.region"() ({
        %run_scoped3A = tpu.sem_alloc : memref<!tpu.dma_semaphore, #tpu.memory_space<semaphore_mem>>
        %dma_start3A_16 = arith.constant 0 : i32
        %dma_start3A_17 = tpu.memref_slice %arg4[%add3A_11, %dma_start3A_16] : memref<131072x128xf32, #tpu.memory_space<hbm>> -> memref<128x128xf32, #tpu.memory_space<hbm>>
        %dma_start3A_18 = arith.constant 0 : i32
        %dma_start3A_19 = tpu.memref_slice %arg4[%add3A_11, %dma_start3A_18] : memref<131072x128xf32, #tpu.memory_space<hbm>> -> memref<128x128xf32, #tpu.memory_space<hbm>>
        tpu.enqueue_dma source(%arg6 : memref<128x128xf32, #tpu.memory_space<vmem>>) target(%dma_start3A_19 : memref<128x128xf32, #tpu.memory_space<hbm>>) target_semaphore(%run_scoped3A : memref<!tpu.dma_semaphore, #tpu.memory_space<semaphore_mem>>)
        %dma_wait3A_20 = arith.constant 0 : i32
        %dma_wait3A_21 = tpu.memref_slice %arg4[%add3A_11, %dma_wait3A_20] : memref<131072x128xf32, #tpu.memory_space<hbm>> -> memref<128x128xf32, #tpu.memory_space<hbm>>
        %dma_wait3A_22 = arith.constant 0 : i32
        %dma_wait3A_23 = tpu.memref_slice %arg4[%add3A_11, %dma_wait3A_22] : memref<131072x128xf32, #tpu.memory_space<hbm>> -> memref<128x128xf32, #tpu.memory_space<hbm>>
        tpu.wait_dma2 semaphore(%run_scoped3A : memref<!tpu.dma_semaphore, #tpu.memory_space<semaphore_mem>>) src(%arg6 : memref<128x128xf32, #tpu.memory_space<vmem>>) dst(%dma_wait3A_23 : memref<128x128xf32, #tpu.memory_space<hbm>>)
        tpu.yield
      }) : () -> ()
    }
    %scan3A_7 = arith.constant 32 : i32
    return
  }
}

module attributes {stable_mosaic.version = 14 : i64} {
  func.func @_knn_body(%arg0: i32, %arg1: i32, %arg2: memref<1x256x4xf32, #tpu.memory_space<vmem>>, %arg3: memref<1x4x4096xf32, #tpu.memory_space<vmem>>, %arg4: memref<1x256x16xi32, #tpu.memory_space<vmem>>, %arg5: memref<1x256x16xi32, #tpu.memory_space<vmem>>) attributes {dimension_semantics = [#tpu.dimension_semantics<arbitrary>, #tpu.dimension_semantics<arbitrary>], iteration_bounds = array<i64: 2, 16>, scalar_prefetch = 0 : i64, scratch_operands = 0 : i64, tpu.core_type = #tpu.core_type<tc>, window_params = [{transform_indices = @transform_0, window_bounds = array<i64: 1, 256, 4>}, {transform_indices = @transform_1, window_bounds = array<i64: 1, 4, 4096>}, {transform_indices = @transform_2, window_bounds = array<i64: 1, 256, 16>}, {transform_indices = @transform_3, window_bounds = array<i64: 1, 256, 16>}]} {
    %get3A = arith.constant 0 : index
    %get3A_0 = arith.constant 0 : index
    %get3A_1 = arith.constant 0 : index
    %get3A_2 = vector.load %arg2[%get3A, %get3A_0, %get3A_1] : memref<1x256x4xf32, #tpu.memory_space<vmem>>, vector<1x256x4xf32>
    %get3A_3 = vector.shape_cast %get3A_2 : vector<1x256x4xf32> to vector<256x4xf32>
    %get3A_4 = arith.constant 0 : index
    %get3A_5 = arith.constant 0 : index
    %get3A_6 = arith.constant 0 : index
    %get3A_7 = vector.load %arg3[%get3A_4, %get3A_5, %get3A_6] : memref<1x4x4096xf32, #tpu.memory_space<vmem>>, vector<1x4x4096xf32>
    %get3A_8 = vector.shape_cast %get3A_7 : vector<1x4x4096xf32> to vector<4x4096xf32>
    %slice3A = vector.extract_strided_slice %get3A_3 {offsets = [0, 0], sizes = [256, 3], strides = [1, 1]} : vector<256x4xf32> to vector<256x3xf32>
    %slice3A_9 = vector.extract_strided_slice %get3A_8 {offsets = [0, 0], sizes = [3, 4096], strides = [1, 1]} : vector<4x4096xf32> to vector<3x4096xf32>
    %mul3A = arith.mulf %slice3A, %slice3A : vector<256x3xf32>
    %reduce_sum3A = arith.constant dense<0.000000e+00> : vector<256xf32>
    %reduce_sum3A_10 = vector.multi_reduction <add>, %mul3A, %reduce_sum3A [1] : vector<256x3xf32> to vector<256xf32>
    %broadcast_in_dim3A = vector.shape_cast %reduce_sum3A_10 : vector<256xf32> to vector<256x1xf32>
    %mul3A_11 = arith.mulf %slice3A_9, %slice3A_9 : vector<3x4096xf32>
    %reduce_sum3A_12 = arith.constant dense<0.000000e+00> : vector<4096xf32>
    %reduce_sum3A_13 = vector.multi_reduction <add>, %mul3A_11, %reduce_sum3A_12 [0] : vector<3x4096xf32> to vector<4096xf32>
    %broadcast_in_dim3A_14 = vector.shape_cast %reduce_sum3A_13 : vector<4096xf32> to vector<1x4096xf32>
    %add3A = vector.broadcast %broadcast_in_dim3A : vector<256x1xf32> to vector<256x4096xf32>
    %add3A_15 = vector.broadcast %broadcast_in_dim3A_14 : vector<1x4096xf32> to vector<256x4096xf32>
    %add3A_16 = arith.addf %add3A, %add3A_15 : vector<256x4096xf32>
    %dot_general3A = arith.constant dense<0.000000e+00> : vector<256x4096xf32>
    %dot_general3A_17 = tpu.matmul %slice3A, %slice3A_9, %dot_general3A {dimension_numbers = #tpu.dot_dimension_numbers<[1], [0], [0], [1], [0, 0, 1, 1], [], []>, transpose_lhs_hint = false} : vector<256x3xf32>, vector<3x4096xf32>, vector<256x4096xf32> -> vector<256x4096xf32>
    %mul3A_18 = arith.constant 2.000000e+00 : f32
    %mul3A_19 = vector.broadcast %mul3A_18 : f32 to vector<256x4096xf32>
    %mul3A_20 = arith.mulf %mul3A_19, %dot_general3A_17 : vector<256x4096xf32>
    %sub3A = arith.subf %add3A_16, %mul3A_20 : vector<256x4096xf32>
    %slice3A_21 = vector.extract_strided_slice %get3A_3 {offsets = [0, 1], sizes = [256, 2], strides = [1, 1]} : vector<256x4xf32> to vector<256x2xf32>
    %slice3A_22 = vector.extract_strided_slice %get3A_8 {offsets = [1, 0], sizes = [2, 4096], strides = [1, 1]} : vector<4x4096xf32> to vector<2x4096xf32>
    %mul3A_23 = arith.mulf %slice3A_21, %slice3A_21 : vector<256x2xf32>
    %reduce_sum3A_24 = arith.constant dense<0.000000e+00> : vector<256xf32>
    %reduce_sum3A_25 = vector.multi_reduction <add>, %mul3A_23, %reduce_sum3A_24 [1] : vector<256x2xf32> to vector<256xf32>
    %broadcast_in_dim3A_26 = vector.shape_cast %reduce_sum3A_25 : vector<256xf32> to vector<256x1xf32>
    %mul3A_27 = arith.mulf %slice3A_22, %slice3A_22 : vector<2x4096xf32>
    %reduce_sum3A_28 = arith.constant dense<0.000000e+00> : vector<4096xf32>
    %reduce_sum3A_29 = vector.multi_reduction <add>, %mul3A_27, %reduce_sum3A_28 [0] : vector<2x4096xf32> to vector<4096xf32>
    %broadcast_in_dim3A_30 = vector.shape_cast %reduce_sum3A_29 : vector<4096xf32> to vector<1x4096xf32>
    %add3A_31 = vector.broadcast %broadcast_in_dim3A_26 : vector<256x1xf32> to vector<256x4096xf32>
    %add3A_32 = vector.broadcast %broadcast_in_dim3A_30 : vector<1x4096xf32> to vector<256x4096xf32>
    %add3A_33 = arith.addf %add3A_31, %add3A_32 : vector<256x4096xf32>
    %dot_general3A_34 = arith.constant dense<0.000000e+00> : vector<256x4096xf32>
    %dot_general3A_35 = tpu.matmul %slice3A_21, %slice3A_22, %dot_general3A_34 {dimension_numbers = #tpu.dot_dimension_numbers<[1], [0], [0], [1], [0, 0, 1, 1], [], []>, transpose_lhs_hint = false} : vector<256x2xf32>, vector<2x4096xf32>, vector<256x4096xf32> -> vector<256x4096xf32>
    %mul3A_36 = arith.constant 2.000000e+00 : f32
    %mul3A_37 = vector.broadcast %mul3A_36 : f32 to vector<256x4096xf32>
    %mul3A_38 = arith.mulf %mul3A_37, %dot_general3A_35 : vector<256x4096xf32>
    %sub3A_39 = arith.subf %add3A_33, %mul3A_38 : vector<256x4096xf32>
    %iota3A = tpu.iota {dimensions = array<i32: 1>} : vector<256x4096xi32>
    %mul3A_40 = arith.constant 256 : i32
    %mul3A_41 = arith.muli %arg1, %mul3A_40 : i32
    %iota3A_42 = tpu.iota {dimensions = array<i32: 0>} : vector<256x1xi32>
    %add3A_43 = vector.broadcast %mul3A_41 : i32 to vector<256x1xi32>
    %add3A_44 = arith.addi %add3A_43, %iota3A_42 : vector<256x1xi32>
    %le3A = arith.constant 3.6982249E-4 : f32
    %le3A_45 = vector.broadcast %le3A : f32 to vector<256x4096xf32>
    %le3A_46 = arith.cmpf ole, %sub3A_39, %le3A_45 : vector<256x4096xf32>
    %jit3A = arith.constant 4096 : i32
    %broadcast_in_dim3A_47 = vector.broadcast %jit3A : i32 to vector<256x4096xi32>
    %select_n3A = arith.select %le3A_46, %iota3A, %broadcast_in_dim3A_47 : vector<256x4096xi1>, vector<256x4096xi32>
    %reduce_min3A = arith.constant dense<2147483647> : vector<256xi32>
    %reduce_min3A_48 = vector.multi_reduction <minsi>, %select_n3A, %reduce_min3A [1] : vector<256x4096xi32> to vector<256xi32>
    %broadcast_in_dim3A_49 = vector.shape_cast %reduce_min3A_48 : vector<256xi32> to vector<256x1xi32>
    %ge3A = arith.constant 4096 : i32
    %ge3A_50 = vector.broadcast %ge3A : i32 to vector<256x1xi32>
    %ge3A_51 = arith.cmpi sge, %broadcast_in_dim3A_49, %ge3A_50 : vector<256x1xi32>
    %select_n3A_52 = arith.select %ge3A_51, %add3A_44, %broadcast_in_dim3A_49 : vector<256x1xi1>, vector<256x1xi32>
    %swap3A = arith.constant 0 : index
    %swap3A_53 = arith.constant 0 : index
    %swap3A_54 = arith.constant 0 : index
    %swap3A_55 = vector.load %arg4[%swap3A, %swap3A_53, %swap3A_54] : memref<1x256x16xi32, #tpu.memory_space<vmem>>, vector<1x256x1xi32>
    %swap3A_56 = vector.shape_cast %swap3A_55 : vector<1x256x1xi32> to vector<256x1xi32>
    %swap3A_57 = vector.shape_cast %select_n3A_52 : vector<256x1xi32> to vector<1x256x1xi32>
    tpu.vector_store %arg4[%swap3A, %swap3A_53, %swap3A_54], %swap3A_57 {strides = array<i32>} : memref<1x256x16xi32, #tpu.memory_space<vmem>>, vector<1x256x1xi32>,
    %eq3A = vector.broadcast %broadcast_in_dim3A_49 : vector<256x1xi32> to vector<256x4096xi32>
    %eq3A_58 = arith.cmpi eq, %select_n3A, %eq3A : vector<256x4096xi32>
    %jit3A_59 = arith.constant 4096 : i32
    %broadcast_in_dim3A_60 = vector.broadcast %jit3A_59 : i32 to vector<256x4096xi32>
    %select_n3A_61 = arith.select %eq3A_58, %broadcast_in_dim3A_60, %select_n3A : vector<256x4096xi1>, vector<256x4096xi32>
    %reduce_min3A_62 = arith.constant dense<2147483647> : vector<256xi32>
    %reduce_min3A_63 = vector.multi_reduction <minsi>, %select_n3A_61, %reduce_min3A_62 [1] : vector<256x4096xi32> to vector<256xi32>
    %broadcast_in_dim3A_64 = vector.shape_cast %reduce_min3A_63 : vector<256xi32> to vector<256x1xi32>
    %ge3A_65 = arith.constant 4096 : i32
    %ge3A_66 = vector.broadcast %ge3A_65 : i32 to vector<256x1xi32>
    %ge3A_67 = arith.cmpi sge, %broadcast_in_dim3A_64, %ge3A_66 : vector<256x1xi32>
    %select_n3A_68 = arith.select %ge3A_67, %add3A_44, %broadcast_in_dim3A_64 : vector<256x1xi1>, vector<256x1xi32>
    %swap3A_69 = arith.constant 0 : index
    %swap3A_70 = arith.constant 0 : index
    %swap3A_71 = arith.constant 1 : index
    %swap3A_72 = vector.load %arg4[%swap3A_69, %swap3A_70, %swap3A_71] : memref<1x256x16xi32, #tpu.memory_space<vmem>>, vector<1x256x1xi32>
    %swap3A_73 = vector.shape_cast %swap3A_72 : vector<1x256x1xi32> to vector<256x1xi32>
    %swap3A_74 = vector.shape_cast %select_n3A_68 : vector<256x1xi32> to vector<1x256x1xi32>
    tpu.vector_store %arg4[%swap3A_69, %swap3A_70, %swap3A_71], %swap3A_74 {strides = array<i32>} : memref<1x256x16xi32, #tpu.memory_space<vmem>>, vector<1x256x1xi32>,
    %eq3A_75 = vector.broadcast %broadcast_in_dim3A_64 : vector<256x1xi32> to vector<256x4096xi32>
    %eq3A_76 = arith.cmpi eq, %select_n3A_61, %eq3A_75 : vector<256x4096xi32>
    %jit3A_77 = arith.constant 4096 : i32
    %broadcast_in_dim3A_78 = vector.broadcast %jit3A_77 : i32 to vector<256x4096xi32>
    %select_n3A_79 = arith.select %eq3A_76, %broadcast_in_dim3A_78, %select_n3A_61 : vector<256x4096xi1>, vector<256x4096xi32>
    %reduce_min3A_80 = arith.constant dense<2147483647> : vector<256xi32>
    %reduce_min3A_81 = vector.multi_reduction <minsi>, %select_n3A_79, %reduce_min3A_80 [1] : vector<256x4096xi32> to vector<256xi32>
    %broadcast_in_dim3A_82 = vector.shape_cast %reduce_min3A_81 : vector<256xi32> to vector<256x1xi32>
    %ge3A_83 = arith.constant 4096 : i32
    %ge3A_84 = vector.broadcast %ge3A_83 : i32 to vector<256x1xi32>
    %ge3A_85 = arith.cmpi sge, %broadcast_in_dim3A_82, %ge3A_84 : vector<256x1xi32>
    %select_n3A_86 = arith.select %ge3A_85, %add3A_44, %broadcast_in_dim3A_82 : vector<256x1xi1>, vector<256x1xi32>
    %swap3A_87 = arith.constant 0 : index
    %swap3A_88 = arith.constant 0 : index
    %swap3A_89 = arith.constant 2 : index
    %swap3A_90 = vector.load %arg4[%swap3A_87, %swap3A_88, %swap3A_89] : memref<1x256x16xi32, #tpu.memory_space<vmem>>, vector<1x256x1xi32>
    %swap3A_91 = vector.shape_cast %swap3A_90 : vector<1x256x1xi32> to vector<256x1xi32>
    %swap3A_92 = vector.shape_cast %select_n3A_86 : vector<256x1xi32> to vector<1x256x1xi32>
    tpu.vector_store %arg4[%swap3A_87, %swap3A_88, %swap3A_89], %swap3A_92 {strides = array<i32>} : memref<1x256x16xi32, #tpu.memory_space<vmem>>, vector<1x256x1xi32>,
    %eq3A_93 = vector.broadcast %broadcast_in_dim3A_82 : vector<256x1xi32> to vector<256x4096xi32>
    %eq3A_94 = arith.cmpi eq, %select_n3A_79, %eq3A_93 : vector<256x4096xi32>
    %jit3A_95 = arith.constant 4096 : i32
    %broadcast_in_dim3A_96 = vector.broadcast %jit3A_95 : i32 to vector<256x4096xi32>
    %select_n3A_97 = arith.select %eq3A_94, %broadcast_in_dim3A_96, %select_n3A_79 : vector<256x4096xi1>, vector<256x4096xi32>
    %reduce_min3A_98 = arith.constant dense<2147483647> : vector<256xi32>
    %reduce_min3A_99 = vector.multi_reduction <minsi>, %select_n3A_97, %reduce_min3A_98 [1] : vector<256x4096xi32> to vector<256xi32>
    %broadcast_in_dim3A_100 = vector.shape_cast %reduce_min3A_99 : vector<256xi32> to vector<256x1xi32>
    %ge3A_101 = arith.constant 4096 : i32
    %ge3A_102 = vector.broadcast %ge3A_101 : i32 to vector<256x1xi32>
    %ge3A_103 = arith.cmpi sge, %broadcast_in_dim3A_100, %ge3A_102 : vector<256x1xi32>
    %select_n3A_104 = arith.select %ge3A_103, %add3A_44, %broadcast_in_dim3A_100 : vector<256x1xi1>, vector<256x1xi32>
    %swap3A_105 = arith.constant 0 : index
    %swap3A_106 = arith.constant 0 : index
    %swap3A_107 = arith.constant 3 : index
    %swap3A_108 = vector.load %arg4[%swap3A_105, %swap3A_106, %swap3A_107] : memref<1x256x16xi32, #tpu.memory_space<vmem>>, vector<1x256x1xi32>
    %swap3A_109 = vector.shape_cast %swap3A_108 : vector<1x256x1xi32> to vector<256x1xi32>
    %swap3A_110 = vector.shape_cast %select_n3A_104 : vector<256x1xi32> to vector<1x256x1xi32>
    tpu.vector_store %arg4[%swap3A_105, %swap3A_106, %swap3A_107], %swap3A_110 {strides = array<i32>} : memref<1x256x16xi32, #tpu.memory_space<vmem>>, vector<1x256x1xi32>,
    %eq3A_111 = vector.broadcast %broadcast_in_dim3A_100 : vector<256x1xi32> to vector<256x4096xi32>
    %eq3A_112 = arith.cmpi eq, %select_n3A_97, %eq3A_111 : vector<256x4096xi32>
    %jit3A_113 = arith.constant 4096 : i32
    %broadcast_in_dim3A_114 = vector.broadcast %jit3A_113 : i32 to vector<256x4096xi32>
    %select_n3A_115 = arith.select %eq3A_112, %broadcast_in_dim3A_114, %select_n3A_97 : vector<256x4096xi1>, vector<256x4096xi32>
    %reduce_min3A_116 = arith.constant dense<2147483647> : vector<256xi32>
    %reduce_min3A_117 = vector.multi_reduction <minsi>, %select_n3A_115, %reduce_min3A_116 [1] : vector<256x4096xi32> to vector<256xi32>
    %broadcast_in_dim3A_118 = vector.shape_cast %reduce_min3A_117 : vector<256xi32> to vector<256x1xi32>
    %ge3A_119 = arith.constant 4096 : i32
    %ge3A_120 = vector.broadcast %ge3A_119 : i32 to vector<256x1xi32>
    %ge3A_121 = arith.cmpi sge, %broadcast_in_dim3A_118, %ge3A_120 : vector<256x1xi32>
    %select_n3A_122 = arith.select %ge3A_121, %add3A_44, %broadcast_in_dim3A_118 : vector<256x1xi1>, vector<256x1xi32>
    %swap3A_123 = arith.constant 0 : index
    %swap3A_124 = arith.constant 0 : index
    %swap3A_125 = arith.constant 4 : index
    %swap3A_126 = vector.load %arg4[%swap3A_123, %swap3A_124, %swap3A_125] : memref<1x256x16xi32, #tpu.memory_space<vmem>>, vector<1x256x1xi32>
    %swap3A_127 = vector.shape_cast %swap3A_126 : vector<1x256x1xi32> to vector<256x1xi32>
    %swap3A_128 = vector.shape_cast %select_n3A_122 : vector<256x1xi32> to vector<1x256x1xi32>
    tpu.vector_store %arg4[%swap3A_123, %swap3A_124, %swap3A_125], %swap3A_128 {strides = array<i32>} : memref<1x256x16xi32, #tpu.memory_space<vmem>>, vector<1x256x1xi32>,
    %eq3A_129 = vector.broadcast %broadcast_in_dim3A_118 : vector<256x1xi32> to vector<256x4096xi32>
    %eq3A_130 = arith.cmpi eq, %select_n3A_115, %eq3A_129 : vector<256x4096xi32>
    %jit3A_131 = arith.constant 4096 : i32
    %broadcast_in_dim3A_132 = vector.broadcast %jit3A_131 : i32 to vector<256x4096xi32>
    %select_n3A_133 = arith.select %eq3A_130, %broadcast_in_dim3A_132, %select_n3A_115 : vector<256x4096xi1>, vector<256x4096xi32>
    %reduce_min3A_134 = arith.constant dense<2147483647> : vector<256xi32>
    %reduce_min3A_135 = vector.multi_reduction <minsi>, %select_n3A_133, %reduce_min3A_134 [1] : vector<256x4096xi32> to vector<256xi32>
    %broadcast_in_dim3A_136 = vector.shape_cast %reduce_min3A_135 : vector<256xi32> to vector<256x1xi32>
    %ge3A_137 = arith.constant 4096 : i32
    %ge3A_138 = vector.broadcast %ge3A_137 : i32 to vector<256x1xi32>
    %ge3A_139 = arith.cmpi sge, %broadcast_in_dim3A_136, %ge3A_138 : vector<256x1xi32>
    %select_n3A_140 = arith.select %ge3A_139, %add3A_44, %broadcast_in_dim3A_136 : vector<256x1xi1>, vector<256x1xi32>
    %swap3A_141 = arith.constant 0 : index
    %swap3A_142 = arith.constant 0 : index
    %swap3A_143 = arith.constant 5 : index
    %swap3A_144 = vector.load %arg4[%swap3A_141, %swap3A_142, %swap3A_143] : memref<1x256x16xi32, #tpu.memory_space<vmem>>, vector<1x256x1xi32>
    %swap3A_145 = vector.shape_cast %swap3A_144 : vector<1x256x1xi32> to vector<256x1xi32>
    %swap3A_146 = vector.shape_cast %select_n3A_140 : vector<256x1xi32> to vector<1x256x1xi32>
    tpu.vector_store %arg4[%swap3A_141, %swap3A_142, %swap3A_143], %swap3A_146 {strides = array<i32>} : memref<1x256x16xi32, #tpu.memory_space<vmem>>, vector<1x256x1xi32>,
    %eq3A_147 = vector.broadcast %broadcast_in_dim3A_136 : vector<256x1xi32> to vector<256x4096xi32>
    %eq3A_148 = arith.cmpi eq, %select_n3A_133, %eq3A_147 : vector<256x4096xi32>
    %jit3A_149 = arith.constant 4096 : i32
    %broadcast_in_dim3A_150 = vector.broadcast %jit3A_149 : i32 to vector<256x4096xi32>
    %select_n3A_151 = arith.select %eq3A_148, %broadcast_in_dim3A_150, %select_n3A_133 : vector<256x4096xi1>, vector<256x4096xi32>
    %reduce_min3A_152 = arith.constant dense<2147483647> : vector<256xi32>
    %reduce_min3A_153 = vector.multi_reduction <minsi>, %select_n3A_151, %reduce_min3A_152 [1] : vector<256x4096xi32> to vector<256xi32>
    %broadcast_in_dim3A_154 = vector.shape_cast %reduce_min3A_153 : vector<256xi32> to vector<256x1xi32>
    %ge3A_155 = arith.constant 4096 : i32
    %ge3A_156 = vector.broadcast %ge3A_155 : i32 to vector<256x1xi32>
    %ge3A_157 = arith.cmpi sge, %broadcast_in_dim3A_154, %ge3A_156 : vector<256x1xi32>
    %select_n3A_158 = arith.select %ge3A_157, %add3A_44, %broadcast_in_dim3A_154 : vector<256x1xi1>, vector<256x1xi32>
    %swap3A_159 = arith.constant 0 : index
    %swap3A_160 = arith.constant 0 : index
    %swap3A_161 = arith.constant 6 : index
    %swap3A_162 = vector.load %arg4[%swap3A_159, %swap3A_160, %swap3A_161] : memref<1x256x16xi32, #tpu.memory_space<vmem>>, vector<1x256x1xi32>
    %swap3A_163 = vector.shape_cast %swap3A_162 : vector<1x256x1xi32> to vector<256x1xi32>
    %swap3A_164 = vector.shape_cast %select_n3A_158 : vector<256x1xi32> to vector<1x256x1xi32>
    tpu.vector_store %arg4[%swap3A_159, %swap3A_160, %swap3A_161], %swap3A_164 {strides = array<i32>} : memref<1x256x16xi32, #tpu.memory_space<vmem>>, vector<1x256x1xi32>,
    %eq3A_165 = vector.broadcast %broadcast_in_dim3A_154 : vector<256x1xi32> to vector<256x4096xi32>
    %eq3A_166 = arith.cmpi eq, %select_n3A_151, %eq3A_165 : vector<256x4096xi32>
    %jit3A_167 = arith.constant 4096 : i32
    %broadcast_in_dim3A_168 = vector.broadcast %jit3A_167 : i32 to vector<256x4096xi32>
    %select_n3A_169 = arith.select %eq3A_166, %broadcast_in_dim3A_168, %select_n3A_151 : vector<256x4096xi1>, vector<256x4096xi32>
    %reduce_min3A_170 = arith.constant dense<2147483647> : vector<256xi32>
    %reduce_min3A_171 = vector.multi_reduction <minsi>, %select_n3A_169, %reduce_min3A_170 [1] : vector<256x4096xi32> to vector<256xi32>
    %broadcast_in_dim3A_172 = vector.shape_cast %reduce_min3A_171 : vector<256xi32> to vector<256x1xi32>
    %ge3A_173 = arith.constant 4096 : i32
    %ge3A_174 = vector.broadcast %ge3A_173 : i32 to vector<256x1xi32>
    %ge3A_175 = arith.cmpi sge, %broadcast_in_dim3A_172, %ge3A_174 : vector<256x1xi32>
    %select_n3A_176 = arith.select %ge3A_175, %add3A_44, %broadcast_in_dim3A_172 : vector<256x1xi1>, vector<256x1xi32>
    %swap3A_177 = arith.constant 0 : index
    %swap3A_178 = arith.constant 0 : index
    %swap3A_179 = arith.constant 7 : index
    %swap3A_180 = vector.load %arg4[%swap3A_177, %swap3A_178, %swap3A_179] : memref<1x256x16xi32, #tpu.memory_space<vmem>>, vector<1x256x1xi32>
    %swap3A_181 = vector.shape_cast %swap3A_180 : vector<1x256x1xi32> to vector<256x1xi32>
    %swap3A_182 = vector.shape_cast %select_n3A_176 : vector<256x1xi32> to vector<1x256x1xi32>
    tpu.vector_store %arg4[%swap3A_177, %swap3A_178, %swap3A_179], %swap3A_182 {strides = array<i32>} : memref<1x256x16xi32, #tpu.memory_space<vmem>>, vector<1x256x1xi32>,
    %eq3A_183 = vector.broadcast %broadcast_in_dim3A_172 : vector<256x1xi32> to vector<256x4096xi32>
    %eq3A_184 = arith.cmpi eq, %select_n3A_169, %eq3A_183 : vector<256x4096xi32>
    %jit3A_185 = arith.constant 4096 : i32
    %broadcast_in_dim3A_186 = vector.broadcast %jit3A_185 : i32 to vector<256x4096xi32>
    %select_n3A_187 = arith.select %eq3A_184, %broadcast_in_dim3A_186, %select_n3A_169 : vector<256x4096xi1>, vector<256x4096xi32>
    %reduce_min3A_188 = arith.constant dense<2147483647> : vector<256xi32>
    %reduce_min3A_189 = vector.multi_reduction <minsi>, %select_n3A_187, %reduce_min3A_188 [1] : vector<256x4096xi32> to vector<256xi32>
    %broadcast_in_dim3A_190 = vector.shape_cast %reduce_min3A_189 : vector<256xi32> to vector<256x1xi32>
    %ge3A_191 = arith.constant 4096 : i32
    %ge3A_192 = vector.broadcast %ge3A_191 : i32 to vector<256x1xi32>
    %ge3A_193 = arith.cmpi sge, %broadcast_in_dim3A_190, %ge3A_192 : vector<256x1xi32>
    %select_n3A_194 = arith.select %ge3A_193, %add3A_44, %broadcast_in_dim3A_190 : vector<256x1xi1>, vector<256x1xi32>
    %swap3A_195 = arith.constant 0 : index
    %swap3A_196 = arith.constant 0 : index
    %swap3A_197 = arith.constant 8 : index
    %swap3A_198 = vector.load %arg4[%swap3A_195, %swap3A_196, %swap3A_197] : memref<1x256x16xi32, #tpu.memory_space<vmem>>, vector<1x256x1xi32>
    %swap3A_199 = vector.shape_cast %swap3A_198 : vector<1x256x1xi32> to vector<256x1xi32>
    %swap3A_200 = vector.shape_cast %select_n3A_194 : vector<256x1xi32> to vector<1x256x1xi32>
    tpu.vector_store %arg4[%swap3A_195, %swap3A_196, %swap3A_197], %swap3A_200 {strides = array<i32>} : memref<1x256x16xi32, #tpu.memory_space<vmem>>, vector<1x256x1xi32>,
    %swap3A_201 = arith.constant 0 : index
    %swap3A_202 = arith.constant 0 : index
    %swap3A_203 = arith.constant 9 : index
    %swap3A_204 = vector.load %arg4[%swap3A_201, %swap3A_202, %swap3A_203] : memref<1x256x16xi32, #tpu.memory_space<vmem>>, vector<1x256x1xi32>
    %swap3A_205 = vector.shape_cast %swap3A_204 : vector<1x256x1xi32> to vector<256x1xi32>
    %swap3A_206 = vector.shape_cast %add3A_44 : vector<256x1xi32> to vector<1x256x1xi32>
    tpu.vector_store %arg4[%swap3A_201, %swap3A_202, %swap3A_203], %swap3A_206 {strides = array<i32>} : memref<1x256x16xi32, #tpu.memory_space<vmem>>, vector<1x256x1xi32>,
    %swap3A_207 = arith.constant 0 : index
    %swap3A_208 = arith.constant 0 : index
    %swap3A_209 = arith.constant 10 : index
    %swap3A_210 = vector.load %arg4[%swap3A_207, %swap3A_208, %swap3A_209] : memref<1x256x16xi32, #tpu.memory_space<vmem>>, vector<1x256x1xi32>
    %swap3A_211 = vector.shape_cast %swap3A_210 : vector<1x256x1xi32> to vector<256x1xi32>
    %swap3A_212 = vector.shape_cast %add3A_44 : vector<256x1xi32> to vector<1x256x1xi32>
    tpu.vector_store %arg4[%swap3A_207, %swap3A_208, %swap3A_209], %swap3A_212 {strides = array<i32>} : memref<1x256x16xi32, #tpu.memory_space<vmem>>, vector<1x256x1xi32>,
    %swap3A_213 = arith.constant 0 : index
    %swap3A_214 = arith.constant 0 : index
    %swap3A_215 = arith.constant 11 : index
    %swap3A_216 = vector.load %arg4[%swap3A_213, %swap3A_214, %swap3A_215] : memref<1x256x16xi32, #tpu.memory_space<vmem>>, vector<1x256x1xi32>
    %swap3A_217 = vector.shape_cast %swap3A_216 : vector<1x256x1xi32> to vector<256x1xi32>
    %swap3A_218 = vector.shape_cast %add3A_44 : vector<256x1xi32> to vector<1x256x1xi32>
    tpu.vector_store %arg4[%swap3A_213, %swap3A_214, %swap3A_215], %swap3A_218 {strides = array<i32>} : memref<1x256x16xi32, #tpu.memory_space<vmem>>, vector<1x256x1xi32>,
    %swap3A_219 = arith.constant 0 : index
    %swap3A_220 = arith.constant 0 : index
    %swap3A_221 = arith.constant 12 : index
    %swap3A_222 = vector.load %arg4[%swap3A_219, %swap3A_220, %swap3A_221] : memref<1x256x16xi32, #tpu.memory_space<vmem>>, vector<1x256x1xi32>
    %swap3A_223 = vector.shape_cast %swap3A_222 : vector<1x256x1xi32> to vector<256x1xi32>
    %swap3A_224 = vector.shape_cast %add3A_44 : vector<256x1xi32> to vector<1x256x1xi32>
    tpu.vector_store %arg4[%swap3A_219, %swap3A_220, %swap3A_221], %swap3A_224 {strides = array<i32>} : memref<1x256x16xi32, #tpu.memory_space<vmem>>, vector<1x256x1xi32>,
    %swap3A_225 = arith.constant 0 : index
    %swap3A_226 = arith.constant 0 : index
    %swap3A_227 = arith.constant 13 : index
    %swap3A_228 = vector.load %arg4[%swap3A_225, %swap3A_226, %swap3A_227] : memref<1x256x16xi32, #tpu.memory_space<vmem>>, vector<1x256x1xi32>
    %swap3A_229 = vector.shape_cast %swap3A_228 : vector<1x256x1xi32> to vector<256x1xi32>
    %swap3A_230 = vector.shape_cast %add3A_44 : vector<256x1xi32> to vector<1x256x1xi32>
    tpu.vector_store %arg4[%swap3A_225, %swap3A_226, %swap3A_227], %swap3A_230 {strides = array<i32>} : memref<1x256x16xi32, #tpu.memory_space<vmem>>, vector<1x256x1xi32>,
    %swap3A_231 = arith.constant 0 : index
    %swap3A_232 = arith.constant 0 : index
    %swap3A_233 = arith.constant 14 : index
    %swap3A_234 = vector.load %arg4[%swap3A_231, %swap3A_232, %swap3A_233] : memref<1x256x16xi32, #tpu.memory_space<vmem>>, vector<1x256x1xi32>
    %swap3A_235 = vector.shape_cast %swap3A_234 : vector<1x256x1xi32> to vector<256x1xi32>
    %swap3A_236 = vector.shape_cast %add3A_44 : vector<256x1xi32> to vector<1x256x1xi32>
    tpu.vector_store %arg4[%swap3A_231, %swap3A_232, %swap3A_233], %swap3A_236 {strides = array<i32>} : memref<1x256x16xi32, #tpu.memory_space<vmem>>, vector<1x256x1xi32>,
    %swap3A_237 = arith.constant 0 : index
    %swap3A_238 = arith.constant 0 : index
    %swap3A_239 = arith.constant 15 : index
    %swap3A_240 = vector.load %arg4[%swap3A_237, %swap3A_238, %swap3A_239] : memref<1x256x16xi32, #tpu.memory_space<vmem>>, vector<1x256x1xi32>
    %swap3A_241 = vector.shape_cast %swap3A_240 : vector<1x256x1xi32> to vector<256x1xi32>
    %swap3A_242 = vector.shape_cast %add3A_44 : vector<256x1xi32> to vector<1x256x1xi32>
    tpu.vector_store %arg4[%swap3A_237, %swap3A_238, %swap3A_239], %swap3A_242 {strides = array<i32>} : memref<1x256x16xi32, #tpu.memory_space<vmem>>, vector<1x256x1xi32>,
    %reduce_min3A_243 = arith.constant dense<0x7F800000> : vector<256xf32>
    %reduce_min3A_244 = vector.multi_reduction <minimumf>, %sub3A, %reduce_min3A_243 [1] : vector<256x4096xf32> to vector<256xf32>
    %broadcast_in_dim3A_245 = vector.shape_cast %reduce_min3A_244 : vector<256xf32> to vector<256x1xf32>
    %eq3A_246 = vector.broadcast %broadcast_in_dim3A_245 : vector<256x1xf32> to vector<256x4096xf32>
    %eq3A_247 = arith.cmpf oeq, %sub3A, %eq3A_246 : vector<256x4096xf32>
    %jit3A_248 = arith.constant 4096 : i32
    %broadcast_in_dim3A_249 = vector.broadcast %jit3A_248 : i32 to vector<256x4096xi32>
    %select_n3A_250 = arith.select %eq3A_247, %iota3A, %broadcast_in_dim3A_249 : vector<256x4096xi1>, vector<256x4096xi32>
    %reduce_min3A_251 = arith.constant dense<2147483647> : vector<256xi32>
    %reduce_min3A_252 = vector.multi_reduction <minsi>, %select_n3A_250, %reduce_min3A_251 [1] : vector<256x4096xi32> to vector<256xi32>
    %broadcast_in_dim3A_253 = vector.shape_cast %reduce_min3A_252 : vector<256xi32> to vector<256x1xi32>
    %swap3A_254 = arith.constant 0 : index
    %swap3A_255 = arith.constant 0 : index
    %swap3A_256 = arith.constant 0 : index
    %swap3A_257 = vector.load %arg5[%swap3A_254, %swap3A_255, %swap3A_256] : memref<1x256x16xi32, #tpu.memory_space<vmem>>, vector<1x256x1xi32>
    %swap3A_258 = vector.shape_cast %swap3A_257 : vector<1x256x1xi32> to vector<256x1xi32>
    %swap3A_259 = vector.shape_cast %broadcast_in_dim3A_253 : vector<256x1xi32> to vector<1x256x1xi32>
    tpu.vector_store %arg5[%swap3A_254, %swap3A_255, %swap3A_256], %swap3A_259 {strides = array<i32>} : memref<1x256x16xi32, #tpu.memory_space<vmem>>, vector<1x256x1xi32>,
    %eq3A_260 = vector.broadcast %broadcast_in_dim3A_253 : vector<256x1xi32> to vector<256x4096xi32>
    %eq3A_261 = arith.cmpi eq, %iota3A, %eq3A_260 : vector<256x4096xi32>
    %jit3A_262 = arith.constant 0x7F800000 : f32
    %broadcast_in_dim3A_263 = vector.broadcast %jit3A_262 : f32 to vector<256x4096xf32>
    %select_n3A_264 = arith.select %eq3A_261, %broadcast_in_dim3A_263, %sub3A : vector<256x4096xi1>, vector<256x4096xf32>
    %reduce_min3A_265 = arith.constant dense<0x7F800000> : vector<256xf32>
    %reduce_min3A_266 = vector.multi_reduction <minimumf>, %select_n3A_264, %reduce_min3A_265 [1] : vector<256x4096xf32> to vector<256xf32>
    %broadcast_in_dim3A_267 = vector.shape_cast %reduce_min3A_266 : vector<256xf32> to vector<256x1xf32>
    %eq3A_268 = vector.broadcast %broadcast_in_dim3A_267 : vector<256x1xf32> to vector<256x4096xf32>
    %eq3A_269 = arith.cmpf oeq, %select_n3A_264, %eq3A_268 : vector<256x4096xf32>
    %jit3A_270 = arith.constant 4096 : i32
    %broadcast_in_dim3A_271 = vector.broadcast %jit3A_270 : i32 to vector<256x4096xi32>
    %select_n3A_272 = arith.select %eq3A_269, %iota3A, %broadcast_in_dim3A_271 : vector<256x4096xi1>, vector<256x4096xi32>
    %reduce_min3A_273 = arith.constant dense<2147483647> : vector<256xi32>
    %reduce_min3A_274 = vector.multi_reduction <minsi>, %select_n3A_272, %reduce_min3A_273 [1] : vector<256x4096xi32> to vector<256xi32>
    %broadcast_in_dim3A_275 = vector.shape_cast %reduce_min3A_274 : vector<256xi32> to vector<256x1xi32>
    %swap3A_276 = arith.constant 0 : index
    %swap3A_277 = arith.constant 0 : index
    %swap3A_278 = arith.constant 1 : index
    %swap3A_279 = vector.load %arg5[%swap3A_276, %swap3A_277, %swap3A_278] : memref<1x256x16xi32, #tpu.memory_space<vmem>>, vector<1x256x1xi32>
    %swap3A_280 = vector.shape_cast %swap3A_279 : vector<1x256x1xi32> to vector<256x1xi32>
    %swap3A_281 = vector.shape_cast %broadcast_in_dim3A_275 : vector<256x1xi32> to vector<1x256x1xi32>
    tpu.vector_store %arg5[%swap3A_276, %swap3A_277, %swap3A_278], %swap3A_281 {strides = array<i32>} : memref<1x256x16xi32, #tpu.memory_space<vmem>>, vector<1x256x1xi32>,
    %eq3A_282 = vector.broadcast %broadcast_in_dim3A_275 : vector<256x1xi32> to vector<256x4096xi32>
    %eq3A_283 = arith.cmpi eq, %iota3A, %eq3A_282 : vector<256x4096xi32>
    %jit3A_284 = arith.constant 0x7F800000 : f32
    %broadcast_in_dim3A_285 = vector.broadcast %jit3A_284 : f32 to vector<256x4096xf32>
    %select_n3A_286 = arith.select %eq3A_283, %broadcast_in_dim3A_285, %select_n3A_264 : vector<256x4096xi1>, vector<256x4096xf32>
    %reduce_min3A_287 = arith.constant dense<0x7F800000> : vector<256xf32>
    %reduce_min3A_288 = vector.multi_reduction <minimumf>, %select_n3A_286, %reduce_min3A_287 [1] : vector<256x4096xf32> to vector<256xf32>
    %broadcast_in_dim3A_289 = vector.shape_cast %reduce_min3A_288 : vector<256xf32> to vector<256x1xf32>
    %eq3A_290 = vector.broadcast %broadcast_in_dim3A_289 : vector<256x1xf32> to vector<256x4096xf32>
    %eq3A_291 = arith.cmpf oeq, %select_n3A_286, %eq3A_290 : vector<256x4096xf32>
    %jit3A_292 = arith.constant 4096 : i32
    %broadcast_in_dim3A_293 = vector.broadcast %jit3A_292 : i32 to vector<256x4096xi32>
    %select_n3A_294 = arith.select %eq3A_291, %iota3A, %broadcast_in_dim3A_293 : vector<256x4096xi1>, vector<256x4096xi32>
    %reduce_min3A_295 = arith.constant dense<2147483647> : vector<256xi32>
    %reduce_min3A_296 = vector.multi_reduction <minsi>, %select_n3A_294, %reduce_min3A_295 [1] : vector<256x4096xi32> to vector<256xi32>
    %broadcast_in_dim3A_297 = vector.shape_cast %reduce_min3A_296 : vector<256xi32> to vector<256x1xi32>
    %swap3A_298 = arith.constant 0 : index
    %swap3A_299 = arith.constant 0 : index
    %swap3A_300 = arith.constant 2 : index
    %swap3A_301 = vector.load %arg5[%swap3A_298, %swap3A_299, %swap3A_300] : memref<1x256x16xi32, #tpu.memory_space<vmem>>, vector<1x256x1xi32>
    %swap3A_302 = vector.shape_cast %swap3A_301 : vector<1x256x1xi32> to vector<256x1xi32>
    %swap3A_303 = vector.shape_cast %broadcast_in_dim3A_297 : vector<256x1xi32> to vector<1x256x1xi32>
    tpu.vector_store %arg5[%swap3A_298, %swap3A_299, %swap3A_300], %swap3A_303 {strides = array<i32>} : memref<1x256x16xi32, #tpu.memory_space<vmem>>, vector<1x256x1xi32>,
    %eq3A_304 = vector.broadcast %broadcast_in_dim3A_297 : vector<256x1xi32> to vector<256x4096xi32>
    %eq3A_305 = arith.cmpi eq, %iota3A, %eq3A_304 : vector<256x4096xi32>
    %jit3A_306 = arith.constant 0x7F800000 : f32
    %broadcast_in_dim3A_307 = vector.broadcast %jit3A_306 : f32 to vector<256x4096xf32>
    %select_n3A_308 = arith.select %eq3A_305, %broadcast_in_dim3A_307, %select_n3A_286 : vector<256x4096xi1>, vector<256x4096xf32>
    %reduce_min3A_309 = arith.constant dense<0x7F800000> : vector<256xf32>
    %reduce_min3A_310 = vector.multi_reduction <minimumf>, %select_n3A_308, %reduce_min3A_309 [1] : vector<256x4096xf32> to vector<256xf32>
    %broadcast_in_dim3A_311 = vector.shape_cast %reduce_min3A_310 : vector<256xf32> to vector<256x1xf32>
    %eq3A_312 = vector.broadcast %broadcast_in_dim3A_311 : vector<256x1xf32> to vector<256x4096xf32>
    %eq3A_313 = arith.cmpf oeq, %select_n3A_308, %eq3A_312 : vector<256x4096xf32>
    %jit3A_314 = arith.constant 4096 : i32
    %broadcast_in_dim3A_315 = vector.broadcast %jit3A_314 : i32 to vector<256x4096xi32>
    %select_n3A_316 = arith.select %eq3A_313, %iota3A, %broadcast_in_dim3A_315 : vector<256x4096xi1>, vector<256x4096xi32>
    %reduce_min3A_317 = arith.constant dense<2147483647> : vector<256xi32>
    %reduce_min3A_318 = vector.multi_reduction <minsi>, %select_n3A_316, %reduce_min3A_317 [1] : vector<256x4096xi32> to vector<256xi32>
    %broadcast_in_dim3A_319 = vector.shape_cast %reduce_min3A_318 : vector<256xi32> to vector<256x1xi32>
    %swap3A_320 = arith.constant 0 : index
    %swap3A_321 = arith.constant 0 : index
    %swap3A_322 = arith.constant 3 : index
    %swap3A_323 = vector.load %arg5[%swap3A_320, %swap3A_321, %swap3A_322] : memref<1x256x16xi32, #tpu.memory_space<vmem>>, vector<1x256x1xi32>
    %swap3A_324 = vector.shape_cast %swap3A_323 : vector<1x256x1xi32> to vector<256x1xi32>
    %swap3A_325 = vector.shape_cast %broadcast_in_dim3A_319 : vector<256x1xi32> to vector<1x256x1xi32>
    tpu.vector_store %arg5[%swap3A_320, %swap3A_321, %swap3A_322], %swap3A_325 {strides = array<i32>} : memref<1x256x16xi32, #tpu.memory_space<vmem>>, vector<1x256x1xi32>,
    %eq3A_326 = vector.broadcast %broadcast_in_dim3A_319 : vector<256x1xi32> to vector<256x4096xi32>
    %eq3A_327 = arith.cmpi eq, %iota3A, %eq3A_326 : vector<256x4096xi32>
    %jit3A_328 = arith.constant 0x7F800000 : f32
    %broadcast_in_dim3A_329 = vector.broadcast %jit3A_328 : f32 to vector<256x4096xf32>
    %select_n3A_330 = arith.select %eq3A_327, %broadcast_in_dim3A_329, %select_n3A_308 : vector<256x4096xi1>, vector<256x4096xf32>
    %reduce_min3A_331 = arith.constant dense<0x7F800000> : vector<256xf32>
    %reduce_min3A_332 = vector.multi_reduction <minimumf>, %select_n3A_330, %reduce_min3A_331 [1] : vector<256x4096xf32> to vector<256xf32>
    %broadcast_in_dim3A_333 = vector.shape_cast %reduce_min3A_332 : vector<256xf32> to vector<256x1xf32>
    %eq3A_334 = vector.broadcast %broadcast_in_dim3A_333 : vector<256x1xf32> to vector<256x4096xf32>
    %eq3A_335 = arith.cmpf oeq, %select_n3A_330, %eq3A_334 : vector<256x4096xf32>
    %jit3A_336 = arith.constant 4096 : i32
    %broadcast_in_dim3A_337 = vector.broadcast %jit3A_336 : i32 to vector<256x4096xi32>
    %select_n3A_338 = arith.select %eq3A_335, %iota3A, %broadcast_in_dim3A_337 : vector<256x4096xi1>, vector<256x4096xi32>
    %reduce_min3A_339 = arith.constant dense<2147483647> : vector<256xi32>
    %reduce_min3A_340 = vector.multi_reduction <minsi>, %select_n3A_338, %reduce_min3A_339 [1] : vector<256x4096xi32> to vector<256xi32>
    %broadcast_in_dim3A_341 = vector.shape_cast %reduce_min3A_340 : vector<256xi32> to vector<256x1xi32>
    %swap3A_342 = arith.constant 0 : index
    %swap3A_343 = arith.constant 0 : index
    %swap3A_344 = arith.constant 4 : index
    %swap3A_345 = vector.load %arg5[%swap3A_342, %swap3A_343, %swap3A_344] : memref<1x256x16xi32, #tpu.memory_space<vmem>>, vector<1x256x1xi32>
    %swap3A_346 = vector.shape_cast %swap3A_345 : vector<1x256x1xi32> to vector<256x1xi32>
    %swap3A_347 = vector.shape_cast %broadcast_in_dim3A_341 : vector<256x1xi32> to vector<1x256x1xi32>
    tpu.vector_store %arg5[%swap3A_342, %swap3A_343, %swap3A_344], %swap3A_347 {strides = array<i32>} : memref<1x256x16xi32, #tpu.memory_space<vmem>>, vector<1x256x1xi32>,
    %eq3A_348 = vector.broadcast %broadcast_in_dim3A_341 : vector<256x1xi32> to vector<256x4096xi32>
    %eq3A_349 = arith.cmpi eq, %iota3A, %eq3A_348 : vector<256x4096xi32>
    %jit3A_350 = arith.constant 0x7F800000 : f32
    %broadcast_in_dim3A_351 = vector.broadcast %jit3A_350 : f32 to vector<256x4096xf32>
    %select_n3A_352 = arith.select %eq3A_349, %broadcast_in_dim3A_351, %select_n3A_330 : vector<256x4096xi1>, vector<256x4096xf32>
    %reduce_min3A_353 = arith.constant dense<0x7F800000> : vector<256xf32>
    %reduce_min3A_354 = vector.multi_reduction <minimumf>, %select_n3A_352, %reduce_min3A_353 [1] : vector<256x4096xf32> to vector<256xf32>
    %broadcast_in_dim3A_355 = vector.shape_cast %reduce_min3A_354 : vector<256xf32> to vector<256x1xf32>
    %eq3A_356 = vector.broadcast %broadcast_in_dim3A_355 : vector<256x1xf32> to vector<256x4096xf32>
    %eq3A_357 = arith.cmpf oeq, %select_n3A_352, %eq3A_356 : vector<256x4096xf32>
    %jit3A_358 = arith.constant 4096 : i32
    %broadcast_in_dim3A_359 = vector.broadcast %jit3A_358 : i32 to vector<256x4096xi32>
    %select_n3A_360 = arith.select %eq3A_357, %iota3A, %broadcast_in_dim3A_359 : vector<256x4096xi1>, vector<256x4096xi32>
    %reduce_min3A_361 = arith.constant dense<2147483647> : vector<256xi32>
    %reduce_min3A_362 = vector.multi_reduction <minsi>, %select_n3A_360, %reduce_min3A_361 [1] : vector<256x4096xi32> to vector<256xi32>
    %broadcast_in_dim3A_363 = vector.shape_cast %reduce_min3A_362 : vector<256xi32> to vector<256x1xi32>
    %swap3A_364 = arith.constant 0 : index
    %swap3A_365 = arith.constant 0 : index
    %swap3A_366 = arith.constant 5 : index
    %swap3A_367 = vector.load %arg5[%swap3A_364, %swap3A_365, %swap3A_366] : memref<1x256x16xi32, #tpu.memory_space<vmem>>, vector<1x256x1xi32>
    %swap3A_368 = vector.shape_cast %swap3A_367 : vector<1x256x1xi32> to vector<256x1xi32>
    %swap3A_369 = vector.shape_cast %broadcast_in_dim3A_363 : vector<256x1xi32> to vector<1x256x1xi32>
    tpu.vector_store %arg5[%swap3A_364, %swap3A_365, %swap3A_366], %swap3A_369 {strides = array<i32>} : memref<1x256x16xi32, #tpu.memory_space<vmem>>, vector<1x256x1xi32>,
    %eq3A_370 = vector.broadcast %broadcast_in_dim3A_363 : vector<256x1xi32> to vector<256x4096xi32>
    %eq3A_371 = arith.cmpi eq, %iota3A, %eq3A_370 : vector<256x4096xi32>
    %jit3A_372 = arith.constant 0x7F800000 : f32
    %broadcast_in_dim3A_373 = vector.broadcast %jit3A_372 : f32 to vector<256x4096xf32>
    %select_n3A_374 = arith.select %eq3A_371, %broadcast_in_dim3A_373, %select_n3A_352 : vector<256x4096xi1>, vector<256x4096xf32>
    %reduce_min3A_375 = arith.constant dense<0x7F800000> : vector<256xf32>
    %reduce_min3A_376 = vector.multi_reduction <minimumf>, %select_n3A_374, %reduce_min3A_375 [1] : vector<256x4096xf32> to vector<256xf32>
    %broadcast_in_dim3A_377 = vector.shape_cast %reduce_min3A_376 : vector<256xf32> to vector<256x1xf32>
    %eq3A_378 = vector.broadcast %broadcast_in_dim3A_377 : vector<256x1xf32> to vector<256x4096xf32>
    %eq3A_379 = arith.cmpf oeq, %select_n3A_374, %eq3A_378 : vector<256x4096xf32>
    %jit3A_380 = arith.constant 4096 : i32
    %broadcast_in_dim3A_381 = vector.broadcast %jit3A_380 : i32 to vector<256x4096xi32>
    %select_n3A_382 = arith.select %eq3A_379, %iota3A, %broadcast_in_dim3A_381 : vector<256x4096xi1>, vector<256x4096xi32>
    %reduce_min3A_383 = arith.constant dense<2147483647> : vector<256xi32>
    %reduce_min3A_384 = vector.multi_reduction <minsi>, %select_n3A_382, %reduce_min3A_383 [1] : vector<256x4096xi32> to vector<256xi32>
    %broadcast_in_dim3A_385 = vector.shape_cast %reduce_min3A_384 : vector<256xi32> to vector<256x1xi32>
    %swap3A_386 = arith.constant 0 : index
    %swap3A_387 = arith.constant 0 : index
    %swap3A_388 = arith.constant 6 : index
    %swap3A_389 = vector.load %arg5[%swap3A_386, %swap3A_387, %swap3A_388] : memref<1x256x16xi32, #tpu.memory_space<vmem>>, vector<1x256x1xi32>
    %swap3A_390 = vector.shape_cast %swap3A_389 : vector<1x256x1xi32> to vector<256x1xi32>
    %swap3A_391 = vector.shape_cast %broadcast_in_dim3A_385 : vector<256x1xi32> to vector<1x256x1xi32>
    tpu.vector_store %arg5[%swap3A_386, %swap3A_387, %swap3A_388], %swap3A_391 {strides = array<i32>} : memref<1x256x16xi32, #tpu.memory_space<vmem>>, vector<1x256x1xi32>,
    %eq3A_392 = vector.broadcast %broadcast_in_dim3A_385 : vector<256x1xi32> to vector<256x4096xi32>
    %eq3A_393 = arith.cmpi eq, %iota3A, %eq3A_392 : vector<256x4096xi32>
    %jit3A_394 = arith.constant 0x7F800000 : f32
    %broadcast_in_dim3A_395 = vector.broadcast %jit3A_394 : f32 to vector<256x4096xf32>
    %select_n3A_396 = arith.select %eq3A_393, %broadcast_in_dim3A_395, %select_n3A_374 : vector<256x4096xi1>, vector<256x4096xf32>
    %reduce_min3A_397 = arith.constant dense<0x7F800000> : vector<256xf32>
    %reduce_min3A_398 = vector.multi_reduction <minimumf>, %select_n3A_396, %reduce_min3A_397 [1] : vector<256x4096xf32> to vector<256xf32>
    %broadcast_in_dim3A_399 = vector.shape_cast %reduce_min3A_398 : vector<256xf32> to vector<256x1xf32>
    %eq3A_400 = vector.broadcast %broadcast_in_dim3A_399 : vector<256x1xf32> to vector<256x4096xf32>
    %eq3A_401 = arith.cmpf oeq, %select_n3A_396, %eq3A_400 : vector<256x4096xf32>
    %jit3A_402 = arith.constant 4096 : i32
    %broadcast_in_dim3A_403 = vector.broadcast %jit3A_402 : i32 to vector<256x4096xi32>
    %select_n3A_404 = arith.select %eq3A_401, %iota3A, %broadcast_in_dim3A_403 : vector<256x4096xi1>, vector<256x4096xi32>
    %reduce_min3A_405 = arith.constant dense<2147483647> : vector<256xi32>
    %reduce_min3A_406 = vector.multi_reduction <minsi>, %select_n3A_404, %reduce_min3A_405 [1] : vector<256x4096xi32> to vector<256xi32>
    %broadcast_in_dim3A_407 = vector.shape_cast %reduce_min3A_406 : vector<256xi32> to vector<256x1xi32>
    %swap3A_408 = arith.constant 0 : index
    %swap3A_409 = arith.constant 0 : index
    %swap3A_410 = arith.constant 7 : index
    %swap3A_411 = vector.load %arg5[%swap3A_408, %swap3A_409, %swap3A_410] : memref<1x256x16xi32, #tpu.memory_space<vmem>>, vector<1x256x1xi32>
    %swap3A_412 = vector.shape_cast %swap3A_411 : vector<1x256x1xi32> to vector<256x1xi32>
    %swap3A_413 = vector.shape_cast %broadcast_in_dim3A_407 : vector<256x1xi32> to vector<1x256x1xi32>
    tpu.vector_store %arg5[%swap3A_408, %swap3A_409, %swap3A_410], %swap3A_413 {strides = array<i32>} : memref<1x256x16xi32, #tpu.memory_space<vmem>>, vector<1x256x1xi32>,
    %eq3A_414 = vector.broadcast %broadcast_in_dim3A_407 : vector<256x1xi32> to vector<256x4096xi32>
    %eq3A_415 = arith.cmpi eq, %iota3A, %eq3A_414 : vector<256x4096xi32>
    %jit3A_416 = arith.constant 0x7F800000 : f32
    %broadcast_in_dim3A_417 = vector.broadcast %jit3A_416 : f32 to vector<256x4096xf32>
    %select_n3A_418 = arith.select %eq3A_415, %broadcast_in_dim3A_417, %select_n3A_396 : vector<256x4096xi1>, vector<256x4096xf32>
    %reduce_min3A_419 = arith.constant dense<0x7F800000> : vector<256xf32>
    %reduce_min3A_420 = vector.multi_reduction <minimumf>, %select_n3A_418, %reduce_min3A_419 [1] : vector<256x4096xf32> to vector<256xf32>
    %broadcast_in_dim3A_421 = vector.shape_cast %reduce_min3A_420 : vector<256xf32> to vector<256x1xf32>
    %eq3A_422 = vector.broadcast %broadcast_in_dim3A_421 : vector<256x1xf32> to vector<256x4096xf32>
    %eq3A_423 = arith.cmpf oeq, %select_n3A_418, %eq3A_422 : vector<256x4096xf32>
    %jit3A_424 = arith.constant 4096 : i32
    %broadcast_in_dim3A_425 = vector.broadcast %jit3A_424 : i32 to vector<256x4096xi32>
    %select_n3A_426 = arith.select %eq3A_423, %iota3A, %broadcast_in_dim3A_425 : vector<256x4096xi1>, vector<256x4096xi32>
    %reduce_min3A_427 = arith.constant dense<2147483647> : vector<256xi32>
    %reduce_min3A_428 = vector.multi_reduction <minsi>, %select_n3A_426, %reduce_min3A_427 [1] : vector<256x4096xi32> to vector<256xi32>
    %broadcast_in_dim3A_429 = vector.shape_cast %reduce_min3A_428 : vector<256xi32> to vector<256x1xi32>
    %swap3A_430 = arith.constant 0 : index
    %swap3A_431 = arith.constant 0 : index
    %swap3A_432 = arith.constant 8 : index
    %swap3A_433 = vector.load %arg5[%swap3A_430, %swap3A_431, %swap3A_432] : memref<1x256x16xi32, #tpu.memory_space<vmem>>, vector<1x256x1xi32>
    %swap3A_434 = vector.shape_cast %swap3A_433 : vector<1x256x1xi32> to vector<256x1xi32>
    %swap3A_435 = vector.shape_cast %broadcast_in_dim3A_429 : vector<256x1xi32> to vector<1x256x1xi32>
    tpu.vector_store %arg5[%swap3A_430, %swap3A_431, %swap3A_432], %swap3A_435 {strides = array<i32>} : memref<1x256x16xi32, #tpu.memory_space<vmem>>, vector<1x256x1xi32>,
    %eq3A_436 = vector.broadcast %broadcast_in_dim3A_429 : vector<256x1xi32> to vector<256x4096xi32>
    %eq3A_437 = arith.cmpi eq, %iota3A, %eq3A_436 : vector<256x4096xi32>
    %jit3A_438 = arith.constant 0x7F800000 : f32
    %broadcast_in_dim3A_439 = vector.broadcast %jit3A_438 : f32 to vector<256x4096xf32>
    %select_n3A_440 = arith.select %eq3A_437, %broadcast_in_dim3A_439, %select_n3A_418 : vector<256x4096xi1>, vector<256x4096xf32>
    %reduce_min3A_441 = arith.constant dense<0x7F800000> : vector<256xf32>
    %reduce_min3A_442 = vector.multi_reduction <minimumf>, %select_n3A_440, %reduce_min3A_441 [1] : vector<256x4096xf32> to vector<256xf32>
    %broadcast_in_dim3A_443 = vector.shape_cast %reduce_min3A_442 : vector<256xf32> to vector<256x1xf32>
    %eq3A_444 = vector.broadcast %broadcast_in_dim3A_443 : vector<256x1xf32> to vector<256x4096xf32>
    %eq3A_445 = arith.cmpf oeq, %select_n3A_440, %eq3A_444 : vector<256x4096xf32>
    %jit3A_446 = arith.constant 4096 : i32
    %broadcast_in_dim3A_447 = vector.broadcast %jit3A_446 : i32 to vector<256x4096xi32>
    %select_n3A_448 = arith.select %eq3A_445, %iota3A, %broadcast_in_dim3A_447 : vector<256x4096xi1>, vector<256x4096xi32>
    %reduce_min3A_449 = arith.constant dense<2147483647> : vector<256xi32>
    %reduce_min3A_450 = vector.multi_reduction <minsi>, %select_n3A_448, %reduce_min3A_449 [1] : vector<256x4096xi32> to vector<256xi32>
    %broadcast_in_dim3A_451 = vector.shape_cast %reduce_min3A_450 : vector<256xi32> to vector<256x1xi32>
    %swap3A_452 = arith.constant 0 : index
    %swap3A_453 = arith.constant 0 : index
    %swap3A_454 = arith.constant 9 : index
    %swap3A_455 = vector.load %arg5[%swap3A_452, %swap3A_453, %swap3A_454] : memref<1x256x16xi32, #tpu.memory_space<vmem>>, vector<1x256x1xi32>
    %swap3A_456 = vector.shape_cast %swap3A_455 : vector<1x256x1xi32> to vector<256x1xi32>
    %swap3A_457 = vector.shape_cast %broadcast_in_dim3A_451 : vector<256x1xi32> to vector<1x256x1xi32>
    tpu.vector_store %arg5[%swap3A_452, %swap3A_453, %swap3A_454], %swap3A_457 {strides = array<i32>} : memref<1x256x16xi32, #tpu.memory_space<vmem>>, vector<1x256x1xi32>,
    %eq3A_458 = vector.broadcast %broadcast_in_dim3A_451 : vector<256x1xi32> to vector<256x4096xi32>
    %eq3A_459 = arith.cmpi eq, %iota3A, %eq3A_458 : vector<256x4096xi32>
    %jit3A_460 = arith.constant 0x7F800000 : f32
    %broadcast_in_dim3A_461 = vector.broadcast %jit3A_460 : f32 to vector<256x4096xf32>
    %select_n3A_462 = arith.select %eq3A_459, %broadcast_in_dim3A_461, %select_n3A_440 : vector<256x4096xi1>, vector<256x4096xf32>
    %reduce_min3A_463 = arith.constant dense<0x7F800000> : vector<256xf32>
    %reduce_min3A_464 = vector.multi_reduction <minimumf>, %select_n3A_462, %reduce_min3A_463 [1] : vector<256x4096xf32> to vector<256xf32>
    %broadcast_in_dim3A_465 = vector.shape_cast %reduce_min3A_464 : vector<256xf32> to vector<256x1xf32>
    %eq3A_466 = vector.broadcast %broadcast_in_dim3A_465 : vector<256x1xf32> to vector<256x4096xf32>
    %eq3A_467 = arith.cmpf oeq, %select_n3A_462, %eq3A_466 : vector<256x4096xf32>
    %jit3A_468 = arith.constant 4096 : i32
    %broadcast_in_dim3A_469 = vector.broadcast %jit3A_468 : i32 to vector<256x4096xi32>
    %select_n3A_470 = arith.select %eq3A_467, %iota3A, %broadcast_in_dim3A_469 : vector<256x4096xi1>, vector<256x4096xi32>
    %reduce_min3A_471 = arith.constant dense<2147483647> : vector<256xi32>
    %reduce_min3A_472 = vector.multi_reduction <minsi>, %select_n3A_470, %reduce_min3A_471 [1] : vector<256x4096xi32> to vector<256xi32>
    %broadcast_in_dim3A_473 = vector.shape_cast %reduce_min3A_472 : vector<256xi32> to vector<256x1xi32>
    %swap3A_474 = arith.constant 0 : index
    %swap3A_475 = arith.constant 0 : index
    %swap3A_476 = arith.constant 10 : index
    %swap3A_477 = vector.load %arg5[%swap3A_474, %swap3A_475, %swap3A_476] : memref<1x256x16xi32, #tpu.memory_space<vmem>>, vector<1x256x1xi32>
    %swap3A_478 = vector.shape_cast %swap3A_477 : vector<1x256x1xi32> to vector<256x1xi32>
    %swap3A_479 = vector.shape_cast %broadcast_in_dim3A_473 : vector<256x1xi32> to vector<1x256x1xi32>
    tpu.vector_store %arg5[%swap3A_474, %swap3A_475, %swap3A_476], %swap3A_479 {strides = array<i32>} : memref<1x256x16xi32, #tpu.memory_space<vmem>>, vector<1x256x1xi32>,
    %eq3A_480 = vector.broadcast %broadcast_in_dim3A_473 : vector<256x1xi32> to vector<256x4096xi32>
    %eq3A_481 = arith.cmpi eq, %iota3A, %eq3A_480 : vector<256x4096xi32>
    %jit3A_482 = arith.constant 0x7F800000 : f32
    %broadcast_in_dim3A_483 = vector.broadcast %jit3A_482 : f32 to vector<256x4096xf32>
    %select_n3A_484 = arith.select %eq3A_481, %broadcast_in_dim3A_483, %select_n3A_462 : vector<256x4096xi1>, vector<256x4096xf32>
    %reduce_min3A_485 = arith.constant dense<0x7F800000> : vector<256xf32>
    %reduce_min3A_486 = vector.multi_reduction <minimumf>, %select_n3A_484, %reduce_min3A_485 [1] : vector<256x4096xf32> to vector<256xf32>
    %broadcast_in_dim3A_487 = vector.shape_cast %reduce_min3A_486 : vector<256xf32> to vector<256x1xf32>
    %eq3A_488 = vector.broadcast %broadcast_in_dim3A_487 : vector<256x1xf32> to vector<256x4096xf32>
    %eq3A_489 = arith.cmpf oeq, %select_n3A_484, %eq3A_488 : vector<256x4096xf32>
    %jit3A_490 = arith.constant 4096 : i32
    %broadcast_in_dim3A_491 = vector.broadcast %jit3A_490 : i32 to vector<256x4096xi32>
    %select_n3A_492 = arith.select %eq3A_489, %iota3A, %broadcast_in_dim3A_491 : vector<256x4096xi1>, vector<256x4096xi32>
    %reduce_min3A_493 = arith.constant dense<2147483647> : vector<256xi32>
    %reduce_min3A_494 = vector.multi_reduction <minsi>, %select_n3A_492, %reduce_min3A_493 [1] : vector<256x4096xi32> to vector<256xi32>
    %broadcast_in_dim3A_495 = vector.shape_cast %reduce_min3A_494 : vector<256xi32> to vector<256x1xi32>
    %swap3A_496 = arith.constant 0 : index
    %swap3A_497 = arith.constant 0 : index
    %swap3A_498 = arith.constant 11 : index
    %swap3A_499 = vector.load %arg5[%swap3A_496, %swap3A_497, %swap3A_498] : memref<1x256x16xi32, #tpu.memory_space<vmem>>, vector<1x256x1xi32>
    %swap3A_500 = vector.shape_cast %swap3A_499 : vector<1x256x1xi32> to vector<256x1xi32>
    %swap3A_501 = vector.shape_cast %broadcast_in_dim3A_495 : vector<256x1xi32> to vector<1x256x1xi32>
    tpu.vector_store %arg5[%swap3A_496, %swap3A_497, %swap3A_498], %swap3A_501 {strides = array<i32>} : memref<1x256x16xi32, #tpu.memory_space<vmem>>, vector<1x256x1xi32>,
    %eq3A_502 = vector.broadcast %broadcast_in_dim3A_495 : vector<256x1xi32> to vector<256x4096xi32>
    %eq3A_503 = arith.cmpi eq, %iota3A, %eq3A_502 : vector<256x4096xi32>
    %jit3A_504 = arith.constant 0x7F800000 : f32
    %broadcast_in_dim3A_505 = vector.broadcast %jit3A_504 : f32 to vector<256x4096xf32>
    %select_n3A_506 = arith.select %eq3A_503, %broadcast_in_dim3A_505, %select_n3A_484 : vector<256x4096xi1>, vector<256x4096xf32>
    %reduce_min3A_507 = arith.constant dense<0x7F800000> : vector<256xf32>
    %reduce_min3A_508 = vector.multi_reduction <minimumf>, %select_n3A_506, %reduce_min3A_507 [1] : vector<256x4096xf32> to vector<256xf32>
    %broadcast_in_dim3A_509 = vector.shape_cast %reduce_min3A_508 : vector<256xf32> to vector<256x1xf32>
    %eq3A_510 = vector.broadcast %broadcast_in_dim3A_509 : vector<256x1xf32> to vector<256x4096xf32>
    %eq3A_511 = arith.cmpf oeq, %select_n3A_506, %eq3A_510 : vector<256x4096xf32>
    %jit3A_512 = arith.constant 4096 : i32
    %broadcast_in_dim3A_513 = vector.broadcast %jit3A_512 : i32 to vector<256x4096xi32>
    %select_n3A_514 = arith.select %eq3A_511, %iota3A, %broadcast_in_dim3A_513 : vector<256x4096xi1>, vector<256x4096xi32>
    %reduce_min3A_515 = arith.constant dense<2147483647> : vector<256xi32>
    %reduce_min3A_516 = vector.multi_reduction <minsi>, %select_n3A_514, %reduce_min3A_515 [1] : vector<256x4096xi32> to vector<256xi32>
    %broadcast_in_dim3A_517 = vector.shape_cast %reduce_min3A_516 : vector<256xi32> to vector<256x1xi32>
    %swap3A_518 = arith.constant 0 : index
    %swap3A_519 = arith.constant 0 : index
    %swap3A_520 = arith.constant 12 : index
    %swap3A_521 = vector.load %arg5[%swap3A_518, %swap3A_519, %swap3A_520] : memref<1x256x16xi32, #tpu.memory_space<vmem>>, vector<1x256x1xi32>
    %swap3A_522 = vector.shape_cast %swap3A_521 : vector<1x256x1xi32> to vector<256x1xi32>
    %swap3A_523 = vector.shape_cast %broadcast_in_dim3A_517 : vector<256x1xi32> to vector<1x256x1xi32>
    tpu.vector_store %arg5[%swap3A_518, %swap3A_519, %swap3A_520], %swap3A_523 {strides = array<i32>} : memref<1x256x16xi32, #tpu.memory_space<vmem>>, vector<1x256x1xi32>,
    %eq3A_524 = vector.broadcast %broadcast_in_dim3A_517 : vector<256x1xi32> to vector<256x4096xi32>
    %eq3A_525 = arith.cmpi eq, %iota3A, %eq3A_524 : vector<256x4096xi32>
    %jit3A_526 = arith.constant 0x7F800000 : f32
    %broadcast_in_dim3A_527 = vector.broadcast %jit3A_526 : f32 to vector<256x4096xf32>
    %select_n3A_528 = arith.select %eq3A_525, %broadcast_in_dim3A_527, %select_n3A_506 : vector<256x4096xi1>, vector<256x4096xf32>
    %reduce_min3A_529 = arith.constant dense<0x7F800000> : vector<256xf32>
    %reduce_min3A_530 = vector.multi_reduction <minimumf>, %select_n3A_528, %reduce_min3A_529 [1] : vector<256x4096xf32> to vector<256xf32>
    %broadcast_in_dim3A_531 = vector.shape_cast %reduce_min3A_530 : vector<256xf32> to vector<256x1xf32>
    %eq3A_532 = vector.broadcast %broadcast_in_dim3A_531 : vector<256x1xf32> to vector<256x4096xf32>
    %eq3A_533 = arith.cmpf oeq, %select_n3A_528, %eq3A_532 : vector<256x4096xf32>
    %jit3A_534 = arith.constant 4096 : i32
    %broadcast_in_dim3A_535 = vector.broadcast %jit3A_534 : i32 to vector<256x4096xi32>
    %select_n3A_536 = arith.select %eq3A_533, %iota3A, %broadcast_in_dim3A_535 : vector<256x4096xi1>, vector<256x4096xi32>
    %reduce_min3A_537 = arith.constant dense<2147483647> : vector<256xi32>
    %reduce_min3A_538 = vector.multi_reduction <minsi>, %select_n3A_536, %reduce_min3A_537 [1] : vector<256x4096xi32> to vector<256xi32>
    %broadcast_in_dim3A_539 = vector.shape_cast %reduce_min3A_538 : vector<256xi32> to vector<256x1xi32>
    %swap3A_540 = arith.constant 0 : index
    %swap3A_541 = arith.constant 0 : index
    %swap3A_542 = arith.constant 13 : index
    %swap3A_543 = vector.load %arg5[%swap3A_540, %swap3A_541, %swap3A_542] : memref<1x256x16xi32, #tpu.memory_space<vmem>>, vector<1x256x1xi32>
    %swap3A_544 = vector.shape_cast %swap3A_543 : vector<1x256x1xi32> to vector<256x1xi32>
    %swap3A_545 = vector.shape_cast %broadcast_in_dim3A_539 : vector<256x1xi32> to vector<1x256x1xi32>
    tpu.vector_store %arg5[%swap3A_540, %swap3A_541, %swap3A_542], %swap3A_545 {strides = array<i32>} : memref<1x256x16xi32, #tpu.memory_space<vmem>>, vector<1x256x1xi32>,
    %eq3A_546 = vector.broadcast %broadcast_in_dim3A_539 : vector<256x1xi32> to vector<256x4096xi32>
    %eq3A_547 = arith.cmpi eq, %iota3A, %eq3A_546 : vector<256x4096xi32>
    %jit3A_548 = arith.constant 0x7F800000 : f32
    %broadcast_in_dim3A_549 = vector.broadcast %jit3A_548 : f32 to vector<256x4096xf32>
    %select_n3A_550 = arith.select %eq3A_547, %broadcast_in_dim3A_549, %select_n3A_528 : vector<256x4096xi1>, vector<256x4096xf32>
    %reduce_min3A_551 = arith.constant dense<0x7F800000> : vector<256xf32>
    %reduce_min3A_552 = vector.multi_reduction <minimumf>, %select_n3A_550, %reduce_min3A_551 [1] : vector<256x4096xf32> to vector<256xf32>
    %broadcast_in_dim3A_553 = vector.shape_cast %reduce_min3A_552 : vector<256xf32> to vector<256x1xf32>
    %eq3A_554 = vector.broadcast %broadcast_in_dim3A_553 : vector<256x1xf32> to vector<256x4096xf32>
    %eq3A_555 = arith.cmpf oeq, %select_n3A_550, %eq3A_554 : vector<256x4096xf32>
    %jit3A_556 = arith.constant 4096 : i32
    %broadcast_in_dim3A_557 = vector.broadcast %jit3A_556 : i32 to vector<256x4096xi32>
    %select_n3A_558 = arith.select %eq3A_555, %iota3A, %broadcast_in_dim3A_557 : vector<256x4096xi1>, vector<256x4096xi32>
    %reduce_min3A_559 = arith.constant dense<2147483647> : vector<256xi32>
    %reduce_min3A_560 = vector.multi_reduction <minsi>, %select_n3A_558, %reduce_min3A_559 [1] : vector<256x4096xi32> to vector<256xi32>
    %broadcast_in_dim3A_561 = vector.shape_cast %reduce_min3A_560 : vector<256xi32> to vector<256x1xi32>
    %swap3A_562 = arith.constant 0 : index
    %swap3A_563 = arith.constant 0 : index
    %swap3A_564 = arith.constant 14 : index
    %swap3A_565 = vector.load %arg5[%swap3A_562, %swap3A_563, %swap3A_564] : memref<1x256x16xi32, #tpu.memory_space<vmem>>, vector<1x256x1xi32>
    %swap3A_566 = vector.shape_cast %swap3A_565 : vector<1x256x1xi32> to vector<256x1xi32>
    %swap3A_567 = vector.shape_cast %broadcast_in_dim3A_561 : vector<256x1xi32> to vector<1x256x1xi32>
    tpu.vector_store %arg5[%swap3A_562, %swap3A_563, %swap3A_564], %swap3A_567 {strides = array<i32>} : memref<1x256x16xi32, #tpu.memory_space<vmem>>, vector<1x256x1xi32>,
    %eq3A_568 = vector.broadcast %broadcast_in_dim3A_561 : vector<256x1xi32> to vector<256x4096xi32>
    %eq3A_569 = arith.cmpi eq, %iota3A, %eq3A_568 : vector<256x4096xi32>
    %jit3A_570 = arith.constant 0x7F800000 : f32
    %broadcast_in_dim3A_571 = vector.broadcast %jit3A_570 : f32 to vector<256x4096xf32>
    %select_n3A_572 = arith.select %eq3A_569, %broadcast_in_dim3A_571, %select_n3A_550 : vector<256x4096xi1>, vector<256x4096xf32>
    %reduce_min3A_573 = arith.constant dense<0x7F800000> : vector<256xf32>
    %reduce_min3A_574 = vector.multi_reduction <minimumf>, %select_n3A_572, %reduce_min3A_573 [1] : vector<256x4096xf32> to vector<256xf32>
    %broadcast_in_dim3A_575 = vector.shape_cast %reduce_min3A_574 : vector<256xf32> to vector<256x1xf32>
    %eq3A_576 = vector.broadcast %broadcast_in_dim3A_575 : vector<256x1xf32> to vector<256x4096xf32>
    %eq3A_577 = arith.cmpf oeq, %select_n3A_572, %eq3A_576 : vector<256x4096xf32>
    %jit3A_578 = arith.constant 4096 : i32
    %broadcast_in_dim3A_579 = vector.broadcast %jit3A_578 : i32 to vector<256x4096xi32>
    %select_n3A_580 = arith.select %eq3A_577, %iota3A, %broadcast_in_dim3A_579 : vector<256x4096xi1>, vector<256x4096xi32>
    %reduce_min3A_581 = arith.constant dense<2147483647> : vector<256xi32>
    %reduce_min3A_582 = vector.multi_reduction <minsi>, %select_n3A_580, %reduce_min3A_581 [1] : vector<256x4096xi32> to vector<256xi32>
    %broadcast_in_dim3A_583 = vector.shape_cast %reduce_min3A_582 : vector<256xi32> to vector<256x1xi32>
    %swap3A_584 = arith.constant 0 : index
    %swap3A_585 = arith.constant 0 : index
    %swap3A_586 = arith.constant 15 : index
    %swap3A_587 = vector.load %arg5[%swap3A_584, %swap3A_585, %swap3A_586] : memref<1x256x16xi32, #tpu.memory_space<vmem>>, vector<1x256x1xi32>
    %swap3A_588 = vector.shape_cast %swap3A_587 : vector<1x256x1xi32> to vector<256x1xi32>
    %swap3A_589 = vector.shape_cast %broadcast_in_dim3A_583 : vector<256x1xi32> to vector<1x256x1xi32>
    tpu.vector_store %arg5[%swap3A_584, %swap3A_585, %swap3A_586], %swap3A_589 {strides = array<i32>} : memref<1x256x16xi32, #tpu.memory_space<vmem>>, vector<1x256x1xi32>,
    return
  }
  func.func @transform_0(%arg0: i32, %arg1: i32) -> (i32, i32, i32) {
    %c0_i32 = arith.constant 0 : i32
    %c0_i32_0 = arith.constant 0 : i32
    return %arg0, %arg1, %c0_i32 : i32, i32, i32
  }
  func.func @transform_1(%arg0: i32, %arg1: i32) -> (i32, i32, i32) {
    %c0_i32 = arith.constant 0 : i32
    %c0_i32_0 = arith.constant 0 : i32
    %c0_i32_1 = arith.constant 0 : i32
    return %arg0, %c0_i32, %c0_i32_0 : i32, i32, i32
  }
  func.func @transform_2(%arg0: i32, %arg1: i32) -> (i32, i32, i32) {
    %c0_i32 = arith.constant 0 : i32
    %c0_i32_0 = arith.constant 0 : i32
    return %arg0, %arg1, %c0_i32 : i32, i32, i32
  }
  func.func @transform_3(%arg0: i32, %arg1: i32) -> (i32, i32, i32) {
    %c0_i32 = arith.constant 0 : i32
    %c0_i32_0 = arith.constant 0 : i32
    return %arg0, %arg1, %c0_i32 : i32, i32, i32
  }
}

module attributes {stable_mosaic.version = 14 : i64} {
  func.func @_embed_body(%arg0: i32, %arg1: i32, %arg2: memref<1x256x4xf32, #tpu.memory_space<vmem>>, %arg3: memref<1x256x18xf32, #tpu.memory_space<vmem>>, %arg4: memref<18x64xf32, #tpu.memory_space<vmem>>, %arg5: memref<1x64xf32, #tpu.memory_space<vmem>>, %arg6: memref<64x32xf32, #tpu.memory_space<vmem>>, %arg7: memref<1x32xf32, #tpu.memory_space<vmem>>, %arg8: memref<1x32xf32, #tpu.memory_space<vmem>>, %arg9: memref<1x32xf32, #tpu.memory_space<vmem>>, %arg10: memref<1x32xf32, #tpu.memory_space<vmem>>, %arg11: memref<1x32xf32, #tpu.memory_space<vmem>>, %arg12: memref<64x32xf32, #tpu.memory_space<vmem>>, %arg13: memref<1x32xf32, #tpu.memory_space<vmem>>, %arg14: memref<1x32xf32, #tpu.memory_space<vmem>>, %arg15: memref<1x32xf32, #tpu.memory_space<vmem>>, %arg16: memref<1x32xf32, #tpu.memory_space<vmem>>, %arg17: memref<32x96xf32, #tpu.memory_space<vmem>>, %arg18: memref<1x96xf32, #tpu.memory_space<vmem>>, %arg19: memref<4x4xf32, #tpu.memory_space<vmem>>, %arg20: memref<1x256x128xf32, #tpu.memory_space<vmem>>, %arg21: memref<1x256x128xf32, #tpu.memory_space<vmem>>) attributes {dimension_semantics = [#tpu.dimension_semantics<arbitrary>, #tpu.dimension_semantics<arbitrary>], iteration_bounds = array<i64: 2, 16>, scalar_prefetch = 0 : i64, scratch_operands = 0 : i64, tpu.core_type = #tpu.core_type<tc>, window_params = [{transform_indices = @transform_0, window_bounds = array<i64: 1, 256, 4>}, {transform_indices = @transform_1, window_bounds = array<i64: 1, 256, 18>}, {pipeline_mode = #tpu.pipeline_mode<synchronous>, transform_indices = @transform_2, window_bounds = array<i64: 18, 64>}, {pipeline_mode = #tpu.pipeline_mode<synchronous>, transform_indices = @transform_3, window_bounds = array<i64: 1, 64>}, {pipeline_mode = #tpu.pipeline_mode<synchronous>, transform_indices = @transform_4, window_bounds = array<i64: 64, 32>}, {pipeline_mode = #tpu.pipeline_mode<synchronous>, transform_indices = @transform_5, window_bounds = array<i64: 1, 32>}, {pipeline_mode = #tpu.pipeline_mode<synchronous>, transform_indices = @transform_6, window_bounds = array<i64: 1, 32>}, {pipeline_mode = #tpu.pipeline_mode<synchronous>, transform_indices = @transform_7, window_bounds = array<i64: 1, 32>}, {pipeline_mode = #tpu.pipeline_mode<synchronous>, transform_indices = @transform_8, window_bounds = array<i64: 1, 32>}, {pipeline_mode = #tpu.pipeline_mode<synchronous>, transform_indices = @transform_9, window_bounds = array<i64: 1, 32>}, {pipeline_mode = #tpu.pipeline_mode<synchronous>, transform_indices = @transform_10, window_bounds = array<i64: 64, 32>}, {pipeline_mode = #tpu.pipeline_mode<synchronous>, transform_indices = @transform_11, window_bounds = array<i64: 1, 32>}, {pipeline_mode = #tpu.pipeline_mode<synchronous>, transform_indices = @transform_12, window_bounds = array<i64: 1, 32>}, {pipeline_mode = #tpu.pipeline_mode<synchronous>, transform_indices = @transform_13, window_bounds = array<i64: 1, 32>}, {pipeline_mode = #tpu.pipeline_mode<synchronous>, transform_indices = @transform_14, window_bounds = array<i64: 1, 32>}, {pipeline_mode = #tpu.pipeline_mode<synchronous>, transform_indices = @transform_15, window_bounds = array<i64: 32, 96>}, {pipeline_mode = #tpu.pipeline_mode<synchronous>, transform_indices = @transform_16, window_bounds = array<i64: 1, 96>}, {pipeline_mode = #tpu.pipeline_mode<synchronous>, transform_indices = @transform_17, window_bounds = array<i64: 4, 4>}, {transform_indices = @transform_18, window_bounds = array<i64: 1, 256, 128>}, {transform_indices = @transform_19, window_bounds = array<i64: 1, 256, 128>}]} {
    %get3A = arith.constant 0 : index
    %get3A_0 = arith.constant 0 : index
    %get3A_1 = arith.constant 0 : index
    %get3A_2 = vector.load %arg2[%get3A, %get3A_0, %get3A_1] : memref<1x256x4xf32, #tpu.memory_space<vmem>>, vector<1x256x4xf32>
    %get3A_3 = vector.shape_cast %get3A_2 : vector<1x256x4xf32> to vector<256x4xf32>
    %get3A_4 = arith.constant 0 : index
    %get3A_5 = arith.constant 0 : index
    %get3A_6 = arith.constant 0 : index
    %get3A_7 = vector.load %arg3[%get3A_4, %get3A_5, %get3A_6] : memref<1x256x18xf32, #tpu.memory_space<vmem>>, vector<1x256x18xf32>
    %get3A_8 = vector.shape_cast %get3A_7 : vector<1x256x18xf32> to vector<256x18xf32>
    %slice3A = vector.extract_strided_slice %get3A_3 {offsets = [0, 1], sizes = [256, 2], strides = [1, 1]} : vector<256x4xf32> to vector<256x2xf32>
    %concatenate3A = tpu.concatenate %slice3A, %slice3A, %slice3A, %slice3A, %slice3A, %slice3A, %slice3A, %slice3A, %slice3A in 1 : vector<256x2xf32>, vector<256x2xf32>, vector<256x2xf32>, vector<256x2xf32>, vector<256x2xf32>, vector<256x2xf32>, vector<256x2xf32>, vector<256x2xf32>, vector<256x2xf32> -> vector<256x18xf32>
    %sub3A = arith.subf %concatenate3A, %get3A_8 : vector<256x18xf32>
    %get3A_9 = arith.constant 0 : index
    %get3A_10 = arith.constant 0 : index
    %get3A_11 = vector.load %arg4[%get3A_9, %get3A_10] : memref<18x64xf32, #tpu.memory_space<vmem>>, vector<18x64xf32>
    %dot_general3A = arith.constant dense<0.000000e+00> : vector<256x64xf32>
    %dot_general3A_12 = tpu.matmul %sub3A, %get3A_11, %dot_general3A {dimension_numbers = #tpu.dot_dimension_numbers<[1], [0], [0], [1], [0, 0, 1, 1], [], []>, transpose_lhs_hint = false} : vector<256x18xf32>, vector<18x64xf32>, vector<256x64xf32> -> vector<256x64xf32>
    %get3A_13 = arith.constant 0 : index
    %get3A_14 = arith.constant 0 : index
    %get3A_15 = vector.load %arg5[%get3A_13, %get3A_14] : memref<1x64xf32, #tpu.memory_space<vmem>>, vector<1x64xf32>
    %add3A = vector.broadcast %get3A_15 : vector<1x64xf32> to vector<256x64xf32>
    %add3A_16 = arith.addf %dot_general3A_12, %add3A : vector<256x64xf32>
    %mul3A = arith.constant 5.000000e-01 : f32
    %mul3A_17 = vector.broadcast %mul3A : f32 to vector<256x64xf32>
    %mul3A_18 = arith.mulf %mul3A_17, %add3A_16 : vector<256x64xf32>
    %mul3A_19 = arith.mulf %add3A_16, %add3A_16 : vector<256x64xf32>
    %mul3A_20 = arith.mulf %mul3A_19, %add3A_16 : vector<256x64xf32>
    %mul3A_21 = arith.constant 4.471500e-02 : f32
    %mul3A_22 = vector.broadcast %mul3A_21 : f32 to vector<256x64xf32>
    %mul3A_23 = arith.mulf %mul3A_22, %mul3A_20 : vector<256x64xf32>
    %add3A_24 = arith.addf %add3A_16, %mul3A_23 : vector<256x64xf32>
    %mul3A_25 = arith.constant 0.797884583 : f32
    %mul3A_26 = vector.broadcast %mul3A_25 : f32 to vector<256x64xf32>
    %mul3A_27 = arith.mulf %mul3A_26, %add3A_24 : vector<256x64xf32>
    %tanh3A = math.tanh %mul3A_27 : vector<256x64xf32>
    %add3A_28 = arith.constant 1.000000e+00 : f32
    %add3A_29 = vector.broadcast %add3A_28 : f32 to vector<256x64xf32>
    %add3A_30 = arith.addf %add3A_29, %tanh3A : vector<256x64xf32>
    %mul3A_31 = arith.mulf %mul3A_18, %add3A_30 : vector<256x64xf32>
    %get3A_32 = arith.constant 0 : index
    %get3A_33 = arith.constant 0 : index
    %get3A_34 = vector.load %arg6[%get3A_32, %get3A_33] : memref<64x32xf32, #tpu.memory_space<vmem>>, vector<64x32xf32>
    %dot_general3A_35 = arith.constant dense<0.000000e+00> : vector<256x32xf32>
    %dot_general3A_36 = tpu.matmul %mul3A_31, %get3A_34, %dot_general3A_35 {dimension_numbers = #tpu.dot_dimension_numbers<[1], [0], [0], [1], [0, 0, 1, 1], [], []>, transpose_lhs_hint = false} : vector<256x64xf32>, vector<64x32xf32>, vector<256x32xf32> -> vector<256x32xf32>
    %get3A_37 = arith.constant 0 : index
    %get3A_38 = arith.constant 0 : index
    %get3A_39 = vector.load %arg7[%get3A_37, %get3A_38] : memref<1x32xf32, #tpu.memory_space<vmem>>, vector<1x32xf32>
    %add3A_40 = vector.broadcast %get3A_39 : vector<1x32xf32> to vector<256x32xf32>
    %add3A_41 = arith.addf %dot_general3A_36, %add3A_40 : vector<256x32xf32>
    %slice3A_42 = vector.extract_strided_slice %get3A_3 {offsets = [0, 0], sizes = [256, 1], strides = [1, 1]} : vector<256x4xf32> to vector<256x1xf32>
    %slice3A_43 = vector.extract_strided_slice %get3A_3 {offsets = [0, 3], sizes = [256, 1], strides = [1, 1]} : vector<256x4xf32> to vector<256x1xf32>
    %get3A_44 = arith.constant 0 : index
    %get3A_45 = arith.constant 0 : index
    %get3A_46 = vector.load %arg8[%get3A_44, %get3A_45] : memref<1x32xf32, #tpu.memory_space<vmem>>, vector<1x32xf32>
    %mul3A_47 = vector.broadcast %slice3A_42 : vector<256x1xf32> to vector<256x32xf32>
    %mul3A_48 = vector.broadcast %get3A_46 : vector<1x32xf32> to vector<256x32xf32>
    %mul3A_49 = arith.mulf %mul3A_47, %mul3A_48 : vector<256x32xf32>
    %get3A_50 = arith.constant 0 : index
    %get3A_51 = arith.constant 0 : index
    %get3A_52 = vector.load %arg9[%get3A_50, %get3A_51] : memref<1x32xf32, #tpu.memory_space<vmem>>, vector<1x32xf32>
    %add3A_53 = vector.broadcast %get3A_52 : vector<1x32xf32> to vector<256x32xf32>
    %add3A_54 = arith.addf %mul3A_49, %add3A_53 : vector<256x32xf32>
    %mul3A_55 = vector.broadcast %slice3A_43 : vector<256x1xf32> to vector<256x32xf32>
    %mul3A_56 = arith.mulf %add3A_54, %mul3A_55 : vector<256x32xf32>
    %get3A_57 = arith.constant 0 : index
    %get3A_58 = arith.constant 0 : index
    %get3A_59 = vector.load %arg10[%get3A_57, %get3A_58] : memref<1x32xf32, #tpu.memory_space<vmem>>, vector<1x32xf32>
    %mul3A_60 = vector.broadcast %slice3A_42 : vector<256x1xf32> to vector<256x32xf32>
    %mul3A_61 = vector.broadcast %get3A_59 : vector<1x32xf32> to vector<256x32xf32>
    %mul3A_62 = arith.mulf %mul3A_60, %mul3A_61 : vector<256x32xf32>
    %get3A_63 = arith.constant 0 : index
    %get3A_64 = arith.constant 0 : index
    %get3A_65 = vector.load %arg11[%get3A_63, %get3A_64] : memref<1x32xf32, #tpu.memory_space<vmem>>, vector<1x32xf32>
    %add3A_66 = vector.broadcast %get3A_65 : vector<1x32xf32> to vector<256x32xf32>
    %add3A_67 = arith.addf %mul3A_62, %add3A_66 : vector<256x32xf32>
    %sub3A_68 = arith.constant 1.000000e+00 : f32
    %sub3A_69 = vector.broadcast %sub3A_68 : f32 to vector<256x1xf32>
    %sub3A_70 = arith.subf %sub3A_69, %slice3A_43 : vector<256x1xf32>
    %mul3A_71 = vector.broadcast %sub3A_70 : vector<256x1xf32> to vector<256x32xf32>
    %mul3A_72 = arith.mulf %add3A_67, %mul3A_71 : vector<256x32xf32>
    %add3A_73 = arith.addf %mul3A_56, %mul3A_72 : vector<256x32xf32>
    %get3A_74 = arith.constant 0 : index
    %get3A_75 = arith.constant 0 : index
    %get3A_76 = vector.load %arg12[%get3A_74, %get3A_75] : memref<64x32xf32, #tpu.memory_space<vmem>>, vector<64x32xf32>
    %slice3A_77 = vector.extract_strided_slice %get3A_76 {offsets = [0, 0], sizes = [32, 32], strides = [1, 1]} : vector<64x32xf32> to vector<32x32xf32>
    %dot_general3A_78 = arith.constant dense<0.000000e+00> : vector<256x32xf32>
    %dot_general3A_79 = tpu.matmul %add3A_41, %slice3A_77, %dot_general3A_78 {dimension_numbers = #tpu.dot_dimension_numbers<[1], [0], [0], [1], [0, 0, 1, 1], [], []>, transpose_lhs_hint = false} : vector<256x32xf32>, vector<32x32xf32>, vector<256x32xf32> -> vector<256x32xf32>
    %slice3A_80 = vector.extract_strided_slice %get3A_76 {offsets = [32, 0], sizes = [32, 32], strides = [1, 1]} : vector<64x32xf32> to vector<32x32xf32>
    %dot_general3A_81 = arith.constant dense<0.000000e+00> : vector<256x32xf32>
    %dot_general3A_82 = tpu.matmul %add3A_73, %slice3A_80, %dot_general3A_81 {dimension_numbers = #tpu.dot_dimension_numbers<[1], [0], [0], [1], [0, 0, 1, 1], [], []>, transpose_lhs_hint = false} : vector<256x32xf32>, vector<32x32xf32>, vector<256x32xf32> -> vector<256x32xf32>
    %add3A_83 = arith.addf %dot_general3A_79, %dot_general3A_82 : vector<256x32xf32>
    %get3A_84 = arith.constant 0 : index
    %get3A_85 = arith.constant 0 : index
    %get3A_86 = vector.load %arg13[%get3A_84, %get3A_85] : memref<1x32xf32, #tpu.memory_space<vmem>>, vector<1x32xf32>
    %get3A_87 = arith.constant 0 : index
    %get3A_88 = arith.constant 0 : index
    %get3A_89 = vector.load %arg14[%get3A_87, %get3A_88] : memref<1x32xf32, #tpu.memory_space<vmem>>, vector<1x32xf32>
    %reduce_sum3A = arith.constant dense<0.000000e+00> : vector<256xf32>
    %reduce_sum3A_90 = vector.multi_reduction <add>, %add3A_83, %reduce_sum3A [1] : vector<256x32xf32> to vector<256xf32>
    %broadcast_in_dim3A = vector.shape_cast %reduce_sum3A_90 : vector<256xf32> to vector<256x1xf32>
    %div3A = arith.constant 3.200000e+01 : f32
    %div3A_91 = vector.broadcast %div3A : f32 to vector<256x1xf32>
    %div3A_92 = arith.divf %broadcast_in_dim3A, %div3A_91 : vector<256x1xf32>
    %sub3A_93 = vector.broadcast %div3A_92 : vector<256x1xf32> to vector<256x32xf32>
    %sub3A_94 = arith.subf %add3A_83, %sub3A_93 : vector<256x32xf32>
    %integer_pow3A = arith.mulf %sub3A_94, %sub3A_94 : vector<256x32xf32>
    %reduce_sum3A_95 = arith.constant dense<0.000000e+00> : vector<256xf32>
    %reduce_sum3A_96 = vector.multi_reduction <add>, %integer_pow3A, %reduce_sum3A_95 [1] : vector<256x32xf32> to vector<256xf32>
    %broadcast_in_dim3A_97 = vector.shape_cast %reduce_sum3A_96 : vector<256xf32> to vector<256x1xf32>
    %div3A_98 = arith.constant 3.200000e+01 : f32
    %div3A_99 = vector.broadcast %div3A_98 : f32 to vector<256x1xf32>
    %div3A_100 = arith.divf %broadcast_in_dim3A_97, %div3A_99 : vector<256x1xf32>
    %sub3A_101 = vector.broadcast %div3A_92 : vector<256x1xf32> to vector<256x32xf32>
    %sub3A_102 = arith.subf %add3A_83, %sub3A_101 : vector<256x32xf32>
    %add3A_103 = arith.constant 9.99999974E-6 : f32
    %add3A_104 = vector.broadcast %add3A_103 : f32 to vector<256x1xf32>
    %add3A_105 = arith.addf %div3A_100, %add3A_104 : vector<256x1xf32>
    %sqrt3A = math.sqrt %add3A_105 : vector<256x1xf32>
    %div3A_106 = vector.broadcast %sqrt3A : vector<256x1xf32> to vector<256x32xf32>
    %div3A_107 = arith.divf %sub3A_102, %div3A_106 : vector<256x32xf32>
    %mul3A_108 = vector.broadcast %get3A_86 : vector<1x32xf32> to vector<256x32xf32>
    %mul3A_109 = arith.mulf %div3A_107, %mul3A_108 : vector<256x32xf32>
    %add3A_110 = vector.broadcast %get3A_89 : vector<1x32xf32> to vector<256x32xf32>
    %add3A_111 = arith.addf %mul3A_109, %add3A_110 : vector<256x32xf32>
    %get3A_112 = arith.constant 0 : index
    %get3A_113 = arith.constant 0 : index
    %get3A_114 = vector.load %arg15[%get3A_112, %get3A_113] : memref<1x32xf32, #tpu.memory_space<vmem>>, vector<1x32xf32>
    %get3A_115 = arith.constant 0 : index
    %get3A_116 = arith.constant 0 : index
    %get3A_117 = vector.load %arg16[%get3A_115, %get3A_116] : memref<1x32xf32, #tpu.memory_space<vmem>>, vector<1x32xf32>
    %reduce_sum3A_118 = arith.constant dense<0.000000e+00> : vector<256xf32>
    %reduce_sum3A_119 = vector.multi_reduction <add>, %add3A_111, %reduce_sum3A_118 [1] : vector<256x32xf32> to vector<256xf32>
    %broadcast_in_dim3A_120 = vector.shape_cast %reduce_sum3A_119 : vector<256xf32> to vector<256x1xf32>
    %div3A_121 = arith.constant 3.200000e+01 : f32
    %div3A_122 = vector.broadcast %div3A_121 : f32 to vector<256x1xf32>
    %div3A_123 = arith.divf %broadcast_in_dim3A_120, %div3A_122 : vector<256x1xf32>
    %sub3A_124 = vector.broadcast %div3A_123 : vector<256x1xf32> to vector<256x32xf32>
    %sub3A_125 = arith.subf %add3A_111, %sub3A_124 : vector<256x32xf32>
    %integer_pow3A_126 = arith.mulf %sub3A_125, %sub3A_125 : vector<256x32xf32>
    %reduce_sum3A_127 = arith.constant dense<0.000000e+00> : vector<256xf32>
    %reduce_sum3A_128 = vector.multi_reduction <add>, %integer_pow3A_126, %reduce_sum3A_127 [1] : vector<256x32xf32> to vector<256xf32>
    %broadcast_in_dim3A_129 = vector.shape_cast %reduce_sum3A_128 : vector<256xf32> to vector<256x1xf32>
    %div3A_130 = arith.constant 3.200000e+01 : f32
    %div3A_131 = vector.broadcast %div3A_130 : f32 to vector<256x1xf32>
    %div3A_132 = arith.divf %broadcast_in_dim3A_129, %div3A_131 : vector<256x1xf32>
    %sub3A_133 = vector.broadcast %div3A_123 : vector<256x1xf32> to vector<256x32xf32>
    %sub3A_134 = arith.subf %add3A_111, %sub3A_133 : vector<256x32xf32>
    %add3A_135 = arith.constant 9.99999974E-6 : f32
    %add3A_136 = vector.broadcast %add3A_135 : f32 to vector<256x1xf32>
    %add3A_137 = arith.addf %div3A_132, %add3A_136 : vector<256x1xf32>
    %sqrt3A_138 = math.sqrt %add3A_137 : vector<256x1xf32>
    %div3A_139 = vector.broadcast %sqrt3A_138 : vector<256x1xf32> to vector<256x32xf32>
    %div3A_140 = arith.divf %sub3A_134, %div3A_139 : vector<256x32xf32>
    %mul3A_141 = vector.broadcast %get3A_114 : vector<1x32xf32> to vector<256x32xf32>
    %mul3A_142 = arith.mulf %div3A_140, %mul3A_141 : vector<256x32xf32>
    %add3A_143 = vector.broadcast %get3A_117 : vector<1x32xf32> to vector<256x32xf32>
    %add3A_144 = arith.addf %mul3A_142, %add3A_143 : vector<256x32xf32>
    %get3A_145 = arith.constant 0 : index
    %get3A_146 = arith.constant 0 : index
    %get3A_147 = vector.load %arg17[%get3A_145, %get3A_146] : memref<32x96xf32, #tpu.memory_space<vmem>>, vector<32x96xf32>
    %dot_general3A_148 = arith.constant dense<0.000000e+00> : vector<256x96xf32>
    %dot_general3A_149 = tpu.matmul %add3A_144, %get3A_147, %dot_general3A_148 {dimension_numbers = #tpu.dot_dimension_numbers<[1], [0], [0], [1], [0, 0, 1, 1], [], []>, transpose_lhs_hint = false} : vector<256x32xf32>, vector<32x96xf32>, vector<256x96xf32> -> vector<256x96xf32>
    %get3A_150 = arith.constant 0 : index
    %get3A_151 = arith.constant 0 : index
    %get3A_152 = vector.load %arg18[%get3A_150, %get3A_151] : memref<1x96xf32, #tpu.memory_space<vmem>>, vector<1x96xf32>
    %add3A_153 = vector.broadcast %get3A_152 : vector<1x96xf32> to vector<256x96xf32>
    %add3A_154 = arith.addf %dot_general3A_149, %add3A_153 : vector<256x96xf32>
    %get3A_155 = arith.constant 0 : index
    %get3A_156 = arith.constant 0 : index
    %get3A_157 = vector.load %arg19[%get3A_155, %get3A_156] : memref<4x4xf32, #tpu.memory_space<vmem>>, vector<4x4xf32>
    %dot_general3A_158 = arith.constant dense<0.000000e+00> : vector<256x4xf32>
    %dot_general3A_159 = tpu.matmul %get3A_3, %get3A_157, %dot_general3A_158 {dimension_numbers = #tpu.dot_dimension_numbers<[1], [0], [0], [1], [0, 0, 1, 1], [], []>, transpose_lhs_hint = false} : vector<256x4xf32>, vector<4x4xf32>, vector<256x4xf32> -> vector<256x4xf32>
    %swap3A = arith.constant 0 : index
    %swap3A_160 = arith.constant 0 : index
    %swap3A_161 = arith.constant 0 : index
    %swap3A_162 = vector.load %arg20[%swap3A, %swap3A_160, %swap3A_161] : memref<1x256x128xf32, #tpu.memory_space<vmem>>, vector<1x256x32xf32>
    %swap3A_163 = vector.shape_cast %swap3A_162 : vector<1x256x32xf32> to vector<256x32xf32>
    %swap3A_164 = vector.shape_cast %add3A_111 : vector<256x32xf32> to vector<1x256x32xf32>
    tpu.vector_store %arg20[%swap3A, %swap3A_160, %swap3A_161], %swap3A_164 {strides = array<i32>} : memref<1x256x128xf32, #tpu.memory_space<vmem>>, vector<1x256x32xf32>,
    %slice3A_165 = vector.extract_strided_slice %add3A_154 {offsets = [0, 0], sizes = [256, 32], strides = [1, 1]} : vector<256x96xf32> to vector<256x32xf32>
    %swap3A_166 = arith.constant 0 : index
    %swap3A_167 = arith.constant 0 : index
    %swap3A_168 = arith.constant 32 : index
    %swap3A_169 = vector.load %arg20[%swap3A_166, %swap3A_167, %swap3A_168] : memref<1x256x128xf32, #tpu.memory_space<vmem>>, vector<1x256x32xf32>
    %swap3A_170 = vector.shape_cast %swap3A_169 : vector<1x256x32xf32> to vector<256x32xf32>
    %swap3A_171 = vector.shape_cast %slice3A_165 : vector<256x32xf32> to vector<1x256x32xf32>
    tpu.vector_store %arg20[%swap3A_166, %swap3A_167, %swap3A_168], %swap3A_171 {strides = array<i32>} : memref<1x256x128xf32, #tpu.memory_space<vmem>>, vector<1x256x32xf32>,
    %swap3A_172 = arith.constant 0 : index
    %swap3A_173 = arith.constant 0 : index
    %swap3A_174 = arith.constant 64 : index
    %swap3A_175 = vector.load %arg20[%swap3A_172, %swap3A_173, %swap3A_174] : memref<1x256x128xf32, #tpu.memory_space<vmem>>, vector<1x256x4xf32>
    %swap3A_176 = vector.shape_cast %swap3A_175 : vector<1x256x4xf32> to vector<256x4xf32>
    %swap3A_177 = vector.shape_cast %dot_general3A_159 : vector<256x4xf32> to vector<1x256x4xf32>
    tpu.vector_store %arg20[%swap3A_172, %swap3A_173, %swap3A_174], %swap3A_177 {strides = array<i32>} : memref<1x256x128xf32, #tpu.memory_space<vmem>>, vector<1x256x4xf32>,
    %swap3A_178 = arith.constant 0 : index
    %swap3A_179 = arith.constant 0 : index
    %swap3A_180 = arith.constant 0 : index
    %swap3A_181 = vector.load %arg21[%swap3A_178, %swap3A_179, %swap3A_180] : memref<1x256x128xf32, #tpu.memory_space<vmem>>, vector<1x256x4xf32>
    %swap3A_182 = vector.shape_cast %swap3A_181 : vector<1x256x4xf32> to vector<256x4xf32>
    %swap3A_183 = vector.shape_cast %dot_general3A_159 : vector<256x4xf32> to vector<1x256x4xf32>
    tpu.vector_store %arg21[%swap3A_178, %swap3A_179, %swap3A_180], %swap3A_183 {strides = array<i32>} : memref<1x256x128xf32, #tpu.memory_space<vmem>>, vector<1x256x4xf32>,
    %slice3A_184 = vector.extract_strided_slice %add3A_154 {offsets = [0, 32], sizes = [256, 32], strides = [1, 1]} : vector<256x96xf32> to vector<256x32xf32>
    %swap3A_185 = arith.constant 0 : index
    %swap3A_186 = arith.constant 0 : index
    %swap3A_187 = arith.constant 4 : index
    %swap3A_188 = vector.load %arg21[%swap3A_185, %swap3A_186, %swap3A_187] : memref<1x256x128xf32, #tpu.memory_space<vmem>>, vector<1x256x32xf32>
    %swap3A_189 = vector.shape_cast %swap3A_188 : vector<1x256x32xf32> to vector<256x32xf32>
    %swap3A_190 = vector.shape_cast %slice3A_184 : vector<256x32xf32> to vector<1x256x32xf32>
    tpu.vector_store %arg21[%swap3A_185, %swap3A_186, %swap3A_187], %swap3A_190 {strides = array<i32>} : memref<1x256x128xf32, #tpu.memory_space<vmem>>, vector<1x256x32xf32>,
    %slice3A_191 = vector.extract_strided_slice %add3A_154 {offsets = [0, 64], sizes = [256, 32], strides = [1, 1]} : vector<256x96xf32> to vector<256x32xf32>
    %swap3A_192 = arith.constant 0 : index
    %swap3A_193 = arith.constant 0 : index
    %swap3A_194 = arith.constant 36 : index
    %swap3A_195 = vector.load %arg21[%swap3A_192, %swap3A_193, %swap3A_194] : memref<1x256x128xf32, #tpu.memory_space<vmem>>, vector<1x256x32xf32>
    %swap3A_196 = vector.shape_cast %swap3A_195 : vector<1x256x32xf32> to vector<256x32xf32>
    %swap3A_197 = vector.shape_cast %slice3A_191 : vector<256x32xf32> to vector<1x256x32xf32>
    tpu.vector_store %arg21[%swap3A_192, %swap3A_193, %swap3A_194], %swap3A_197 {strides = array<i32>} : memref<1x256x128xf32, #tpu.memory_space<vmem>>, vector<1x256x32xf32>,
    return
  }
  func.func @transform_0(%arg0: i32, %arg1: i32) -> (i32, i32, i32) {
    %c0_i32 = arith.constant 0 : i32
    %c0_i32_0 = arith.constant 0 : i32
    return %arg0, %arg1, %c0_i32 : i32, i32, i32
  }
  func.func @transform_1(%arg0: i32, %arg1: i32) -> (i32, i32, i32) {
    %c0_i32 = arith.constant 0 : i32
    %c0_i32_0 = arith.constant 0 : i32
    return %arg0, %arg1, %c0_i32 : i32, i32, i32
  }
  func.func @transform_2(%arg0: i32, %arg1: i32) -> (i32, i32) {
    %c0_i32 = arith.constant 0 : i32
    %c0_i32_0 = arith.constant 0 : i32
    %c0_i32_1 = arith.constant 0 : i32
    return %c0_i32, %c0_i32_0 : i32, i32
  }
  func.func @transform_3(%arg0: i32, %arg1: i32) -> (i32, i32) {
    %c0_i32 = arith.constant 0 : i32
    %c0_i32_0 = arith.constant 0 : i32
    %c0_i32_1 = arith.constant 0 : i32
    return %c0_i32, %c0_i32_0 : i32, i32
  }
  func.func @transform_4(%arg0: i32, %arg1: i32) -> (i32, i32) {
    %c0_i32 = arith.constant 0 : i32
    %c0_i32_0 = arith.constant 0 : i32
    %c0_i32_1 = arith.constant 0 : i32
    return %c0_i32, %c0_i32_0 : i32, i32
  }
  func.func @transform_5(%arg0: i32, %arg1: i32) -> (i32, i32) {
    %c0_i32 = arith.constant 0 : i32
    %c0_i32_0 = arith.constant 0 : i32
    %c0_i32_1 = arith.constant 0 : i32
    return %c0_i32, %c0_i32_0 : i32, i32
  }
  func.func @transform_6(%arg0: i32, %arg1: i32) -> (i32, i32) {
    %c0_i32 = arith.constant 0 : i32
    %c0_i32_0 = arith.constant 0 : i32
    %c0_i32_1 = arith.constant 0 : i32
    return %c0_i32, %c0_i32_0 : i32, i32
  }
  func.func @transform_7(%arg0: i32, %arg1: i32) -> (i32, i32) {
    %c0_i32 = arith.constant 0 : i32
    %c0_i32_0 = arith.constant 0 : i32
    %c0_i32_1 = arith.constant 0 : i32
    return %c0_i32, %c0_i32_0 : i32, i32
  }
  func.func @transform_8(%arg0: i32, %arg1: i32) -> (i32, i32) {
    %c0_i32 = arith.constant 0 : i32
    %c0_i32_0 = arith.constant 0 : i32
    %c0_i32_1 = arith.constant 0 : i32
    return %c0_i32, %c0_i32_0 : i32, i32
  }
  func.func @transform_9(%arg0: i32, %arg1: i32) -> (i32, i32) {
    %c0_i32 = arith.constant 0 : i32
    %c0_i32_0 = arith.constant 0 : i32
    %c0_i32_1 = arith.constant 0 : i32
    return %c0_i32, %c0_i32_0 : i32, i32
  }
  func.func @transform_10(%arg0: i32, %arg1: i32) -> (i32, i32) {
    %c0_i32 = arith.constant 0 : i32
    %c0_i32_0 = arith.constant 0 : i32
    %c0_i32_1 = arith.constant 0 : i32
    return %c0_i32, %c0_i32_0 : i32, i32
  }
  func.func @transform_11(%arg0: i32, %arg1: i32) -> (i32, i32) {
    %c0_i32 = arith.constant 0 : i32
    %c0_i32_0 = arith.constant 0 : i32
    %c0_i32_1 = arith.constant 0 : i32
    return %c0_i32, %c0_i32_0 : i32, i32
  }
  func.func @transform_12(%arg0: i32, %arg1: i32) -> (i32, i32) {
    %c0_i32 = arith.constant 0 : i32
    %c0_i32_0 = arith.constant 0 : i32
    %c0_i32_1 = arith.constant 0 : i32
    return %c0_i32, %c0_i32_0 : i32, i32
  }
  func.func @transform_13(%arg0: i32, %arg1: i32) -> (i32, i32) {
    %c0_i32 = arith.constant 0 : i32
    %c0_i32_0 = arith.constant 0 : i32
    %c0_i32_1 = arith.constant 0 : i32
    return %c0_i32, %c0_i32_0 : i32, i32
  }
  func.func @transform_14(%arg0: i32, %arg1: i32) -> (i32, i32) {
    %c0_i32 = arith.constant 0 : i32
    %c0_i32_0 = arith.constant 0 : i32
    %c0_i32_1 = arith.constant 0 : i32
    return %c0_i32, %c0_i32_0 : i32, i32
  }
  func.func @transform_15(%arg0: i32, %arg1: i32) -> (i32, i32) {
    %c0_i32 = arith.constant 0 : i32
    %c0_i32_0 = arith.constant 0 : i32
    %c0_i32_1 = arith.constant 0 : i32
    return %c0_i32, %c0_i32_0 : i32, i32
  }
  func.func @transform_16(%arg0: i32, %arg1: i32) -> (i32, i32) {
    %c0_i32 = arith.constant 0 : i32
    %c0_i32_0 = arith.constant 0 : i32
    %c0_i32_1 = arith.constant 0 : i32
    return %c0_i32, %c0_i32_0 : i32, i32
  }
  func.func @transform_17(%arg0: i32, %arg1: i32) -> (i32, i32) {
    %c0_i32 = arith.constant 0 : i32
    %c0_i32_0 = arith.constant 0 : i32
    %c0_i32_1 = arith.constant 0 : i32
    return %c0_i32, %c0_i32_0 : i32, i32
  }
  func.func @transform_18(%arg0: i32, %arg1: i32) -> (i32, i32, i32) {
    %c0_i32 = arith.constant 0 : i32
    %c0_i32_0 = arith.constant 0 : i32
    return %arg0, %arg1, %c0_i32 : i32, i32, i32
  }
  func.func @transform_19(%arg0: i32, %arg1: i32) -> (i32, i32, i32) {
    %c0_i32 = arith.constant 0 : i32
    %c0_i32_0 = arith.constant 0 : i32
    return %arg0, %arg1, %c0_i32 : i32, i32, i32
  }
}

module attributes {stable_mosaic.version = 14 : i64} {
  func.func @_stats_body(%arg0: memref<8192x64xf32, #tpu.memory_space<vmem>>, %arg1: memref<8192x64xf32, #tpu.memory_space<vmem>>, %arg2: memref<1x64xf32, #tpu.memory_space<vmem>>, %arg3: memref<8x128xf32, #tpu.memory_space<vmem>>) attributes {dimension_semantics = [], scalar_prefetch = 0 : i64, scratch_operands = 0 : i64, tpu.core_type = #tpu.core_type<tc>} {
    %get3A = arith.constant 0 : index
    %get3A_0 = arith.constant 0 : index
    %get3A_1 = vector.load %arg0[%get3A, %get3A_0] : memref<8192x64xf32, #tpu.memory_space<vmem>>, vector<8192x64xf32>
    %get3A_2 = arith.constant 0 : index
    %get3A_3 = arith.constant 0 : index
    %get3A_4 = vector.load %arg1[%get3A_2, %get3A_3] : memref<8192x64xf32, #tpu.memory_space<vmem>>, vector<8192x64xf32>
    %sub3A = arith.subf %get3A_4, %get3A_1 : vector<8192x64xf32>
    %get3A_5 = arith.constant 0 : index
    %get3A_6 = arith.constant 0 : index
    %get3A_7 = vector.load %arg2[%get3A_5, %get3A_6] : memref<1x64xf32, #tpu.memory_space<vmem>>, vector<1x64xf32>
    %add3A = vector.broadcast %get3A_7 : vector<1x64xf32> to vector<8192x64xf32>
    %add3A_8 = arith.addf %sub3A, %add3A : vector<8192x64xf32>
    %reduce_sum3A = arith.constant dense<0.000000e+00> : vector<64xf32>
    %reduce_sum3A_9 = vector.multi_reduction <add>, %add3A_8, %reduce_sum3A [0] : vector<8192x64xf32> to vector<64xf32>
    %broadcast_in_dim3A = vector.shape_cast %reduce_sum3A_9 : vector<64xf32> to vector<1x64xf32>
    %slice3A = vector.extract_strided_slice %broadcast_in_dim3A {offsets = [0, 0], sizes = [1, 4], strides = [1, 1]} : vector<1x64xf32> to vector<1x4xf32>
    %slice3A_10 = vector.extract_strided_slice %broadcast_in_dim3A {offsets = [0, 4], sizes = [1, 4], strides = [1, 1]} : vector<1x64xf32> to vector<1x4xf32>
    %add3A_11 = arith.addf %slice3A, %slice3A_10 : vector<1x4xf32>
    %slice3A_12 = vector.extract_strided_slice %broadcast_in_dim3A {offsets = [0, 8], sizes = [1, 4], strides = [1, 1]} : vector<1x64xf32> to vector<1x4xf32>
    %add3A_13 = arith.addf %add3A_11, %slice3A_12 : vector<1x4xf32>
    %slice3A_14 = vector.extract_strided_slice %broadcast_in_dim3A {offsets = [0, 12], sizes = [1, 4], strides = [1, 1]} : vector<1x64xf32> to vector<1x4xf32>
    %add3A_15 = arith.addf %add3A_13, %slice3A_14 : vector<1x4xf32>
    %slice3A_16 = vector.extract_strided_slice %broadcast_in_dim3A {offsets = [0, 16], sizes = [1, 4], strides = [1, 1]} : vector<1x64xf32> to vector<1x4xf32>
    %add3A_17 = arith.addf %add3A_15, %slice3A_16 : vector<1x4xf32>
    %slice3A_18 = vector.extract_strided_slice %broadcast_in_dim3A {offsets = [0, 20], sizes = [1, 4], strides = [1, 1]} : vector<1x64xf32> to vector<1x4xf32>
    %add3A_19 = arith.addf %add3A_17, %slice3A_18 : vector<1x4xf32>
    %slice3A_20 = vector.extract_strided_slice %broadcast_in_dim3A {offsets = [0, 24], sizes = [1, 4], strides = [1, 1]} : vector<1x64xf32> to vector<1x4xf32>
    %add3A_21 = arith.addf %add3A_19, %slice3A_20 : vector<1x4xf32>
    %slice3A_22 = vector.extract_strided_slice %broadcast_in_dim3A {offsets = [0, 28], sizes = [1, 4], strides = [1, 1]} : vector<1x64xf32> to vector<1x4xf32>
    %add3A_23 = arith.addf %add3A_21, %slice3A_22 : vector<1x4xf32>
    %slice3A_24 = vector.extract_strided_slice %broadcast_in_dim3A {offsets = [0, 32], sizes = [1, 4], strides = [1, 1]} : vector<1x64xf32> to vector<1x4xf32>
    %add3A_25 = arith.addf %add3A_23, %slice3A_24 : vector<1x4xf32>
    %slice3A_26 = vector.extract_strided_slice %broadcast_in_dim3A {offsets = [0, 36], sizes = [1, 4], strides = [1, 1]} : vector<1x64xf32> to vector<1x4xf32>
    %add3A_27 = arith.addf %add3A_25, %slice3A_26 : vector<1x4xf32>
    %slice3A_28 = vector.extract_strided_slice %broadcast_in_dim3A {offsets = [0, 40], sizes = [1, 4], strides = [1, 1]} : vector<1x64xf32> to vector<1x4xf32>
    %add3A_29 = arith.addf %add3A_27, %slice3A_28 : vector<1x4xf32>
    %slice3A_30 = vector.extract_strided_slice %broadcast_in_dim3A {offsets = [0, 44], sizes = [1, 4], strides = [1, 1]} : vector<1x64xf32> to vector<1x4xf32>
    %add3A_31 = arith.addf %add3A_29, %slice3A_30 : vector<1x4xf32>
    %slice3A_32 = vector.extract_strided_slice %broadcast_in_dim3A {offsets = [0, 48], sizes = [1, 4], strides = [1, 1]} : vector<1x64xf32> to vector<1x4xf32>
    %add3A_33 = arith.addf %add3A_31, %slice3A_32 : vector<1x4xf32>
    %slice3A_34 = vector.extract_strided_slice %broadcast_in_dim3A {offsets = [0, 52], sizes = [1, 4], strides = [1, 1]} : vector<1x64xf32> to vector<1x4xf32>
    %add3A_35 = arith.addf %add3A_33, %slice3A_34 : vector<1x4xf32>
    %slice3A_36 = vector.extract_strided_slice %broadcast_in_dim3A {offsets = [0, 56], sizes = [1, 4], strides = [1, 1]} : vector<1x64xf32> to vector<1x4xf32>
    %add3A_37 = arith.addf %add3A_35, %slice3A_36 : vector<1x4xf32>
    %slice3A_38 = vector.extract_strided_slice %broadcast_in_dim3A {offsets = [0, 60], sizes = [1, 4], strides = [1, 1]} : vector<1x64xf32> to vector<1x4xf32>
    %add3A_39 = arith.addf %add3A_37, %slice3A_38 : vector<1x4xf32>
    %div3A = arith.constant 1.310720e+05 : f32
    %div3A_40 = vector.broadcast %div3A : f32 to vector<1x4xf32>
    %div3A_41 = arith.divf %add3A_39, %div3A_40 : vector<1x4xf32>
    %mul3A = arith.mulf %add3A_8, %add3A_8 : vector<8192x64xf32>
    %reduce_sum3A_42 = arith.constant dense<0.000000e+00> : vector<64xf32>
    %reduce_sum3A_43 = vector.multi_reduction <add>, %mul3A, %reduce_sum3A_42 [0] : vector<8192x64xf32> to vector<64xf32>
    %broadcast_in_dim3A_44 = vector.shape_cast %reduce_sum3A_43 : vector<64xf32> to vector<1x64xf32>
    %slice3A_45 = vector.extract_strided_slice %broadcast_in_dim3A_44 {offsets = [0, 0], sizes = [1, 4], strides = [1, 1]} : vector<1x64xf32> to vector<1x4xf32>
    %slice3A_46 = vector.extract_strided_slice %broadcast_in_dim3A_44 {offsets = [0, 4], sizes = [1, 4], strides = [1, 1]} : vector<1x64xf32> to vector<1x4xf32>
    %add3A_47 = arith.addf %slice3A_45, %slice3A_46 : vector<1x4xf32>
    %slice3A_48 = vector.extract_strided_slice %broadcast_in_dim3A_44 {offsets = [0, 8], sizes = [1, 4], strides = [1, 1]} : vector<1x64xf32> to vector<1x4xf32>
    %add3A_49 = arith.addf %add3A_47, %slice3A_48 : vector<1x4xf32>
    %slice3A_50 = vector.extract_strided_slice %broadcast_in_dim3A_44 {offsets = [0, 12], sizes = [1, 4], strides = [1, 1]} : vector<1x64xf32> to vector<1x4xf32>
    %add3A_51 = arith.addf %add3A_49, %slice3A_50 : vector<1x4xf32>
    %slice3A_52 = vector.extract_strided_slice %broadcast_in_dim3A_44 {offsets = [0, 16], sizes = [1, 4], strides = [1, 1]} : vector<1x64xf32> to vector<1x4xf32>
    %add3A_53 = arith.addf %add3A_51, %slice3A_52 : vector<1x4xf32>
    %slice3A_54 = vector.extract_strided_slice %broadcast_in_dim3A_44 {offsets = [0, 20], sizes = [1, 4], strides = [1, 1]} : vector<1x64xf32> to vector<1x4xf32>
    %add3A_55 = arith.addf %add3A_53, %slice3A_54 : vector<1x4xf32>
    %slice3A_56 = vector.extract_strided_slice %broadcast_in_dim3A_44 {offsets = [0, 24], sizes = [1, 4], strides = [1, 1]} : vector<1x64xf32> to vector<1x4xf32>
    %add3A_57 = arith.addf %add3A_55, %slice3A_56 : vector<1x4xf32>
    %slice3A_58 = vector.extract_strided_slice %broadcast_in_dim3A_44 {offsets = [0, 28], sizes = [1, 4], strides = [1, 1]} : vector<1x64xf32> to vector<1x4xf32>
    %add3A_59 = arith.addf %add3A_57, %slice3A_58 : vector<1x4xf32>
    %slice3A_60 = vector.extract_strided_slice %broadcast_in_dim3A_44 {offsets = [0, 32], sizes = [1, 4], strides = [1, 1]} : vector<1x64xf32> to vector<1x4xf32>
    %add3A_61 = arith.addf %add3A_59, %slice3A_60 : vector<1x4xf32>
    %slice3A_62 = vector.extract_strided_slice %broadcast_in_dim3A_44 {offsets = [0, 36], sizes = [1, 4], strides = [1, 1]} : vector<1x64xf32> to vector<1x4xf32>
    %add3A_63 = arith.addf %add3A_61, %slice3A_62 : vector<1x4xf32>
    %slice3A_64 = vector.extract_strided_slice %broadcast_in_dim3A_44 {offsets = [0, 40], sizes = [1, 4], strides = [1, 1]} : vector<1x64xf32> to vector<1x4xf32>
    %add3A_65 = arith.addf %add3A_63, %slice3A_64 : vector<1x4xf32>
    %slice3A_66 = vector.extract_strided_slice %broadcast_in_dim3A_44 {offsets = [0, 44], sizes = [1, 4], strides = [1, 1]} : vector<1x64xf32> to vector<1x4xf32>
    %add3A_67 = arith.addf %add3A_65, %slice3A_66 : vector<1x4xf32>
    %slice3A_68 = vector.extract_strided_slice %broadcast_in_dim3A_44 {offsets = [0, 48], sizes = [1, 4], strides = [1, 1]} : vector<1x64xf32> to vector<1x4xf32>
    %add3A_69 = arith.addf %add3A_67, %slice3A_68 : vector<1x4xf32>
    %slice3A_70 = vector.extract_strided_slice %broadcast_in_dim3A_44 {offsets = [0, 52], sizes = [1, 4], strides = [1, 1]} : vector<1x64xf32> to vector<1x4xf32>
    %add3A_71 = arith.addf %add3A_69, %slice3A_70 : vector<1x4xf32>
    %slice3A_72 = vector.extract_strided_slice %broadcast_in_dim3A_44 {offsets = [0, 56], sizes = [1, 4], strides = [1, 1]} : vector<1x64xf32> to vector<1x4xf32>
    %add3A_73 = arith.addf %add3A_71, %slice3A_72 : vector<1x4xf32>
    %slice3A_74 = vector.extract_strided_slice %broadcast_in_dim3A_44 {offsets = [0, 60], sizes = [1, 4], strides = [1, 1]} : vector<1x64xf32> to vector<1x4xf32>
    %add3A_75 = arith.addf %add3A_73, %slice3A_74 : vector<1x4xf32>
    %div3A_76 = arith.constant 1.310720e+05 : f32
    %div3A_77 = vector.broadcast %div3A_76 : f32 to vector<1x4xf32>
    %div3A_78 = arith.divf %add3A_75, %div3A_77 : vector<1x4xf32>
    %mul3A_79 = arith.mulf %div3A_41, %div3A_41 : vector<1x4xf32>
    %sub3A_80 = arith.subf %div3A_78, %mul3A_79 : vector<1x4xf32>
    %swap3A = arith.constant 0 : index
    %swap3A_81 = arith.constant 0 : index
    %swap3A_82 = vector.load %arg3[%swap3A, %swap3A_81] : memref<8x128xf32, #tpu.memory_space<vmem>>, vector<1x4xf32>
    tpu.vector_store %arg3[%swap3A, %swap3A_81], %div3A_41 {strides = array<i32>} : memref<8x128xf32, #tpu.memory_space<vmem>>, vector<1x4xf32>,
    %swap3A_83 = arith.constant 1 : index
    %swap3A_84 = arith.constant 0 : index
    %swap3A_85 = vector.load %arg3[%swap3A_83, %swap3A_84] : memref<8x128xf32, #tpu.memory_space<vmem>>, vector<1x4xf32>
    tpu.vector_store %arg3[%swap3A_83, %swap3A_84], %sub3A_80 {strides = array<i32>} : memref<8x128xf32, #tpu.memory_space<vmem>>, vector<1x4xf32>,
    return
  }
}

module attributes {stable_mosaic.version = 14 : i64} {
  func.func @_attn_body(%arg0: i32, %arg1: i32, %arg2: memref<1x256x128xf32, #tpu.memory_space<vmem>>, %arg3: memref<1x256x2048xf32, #tpu.memory_space<vmem>>, %arg4: memref<8x128xf32, #tpu.memory_space<vmem>>, %arg5: memref<1x4xf32, #tpu.memory_space<vmem>>, %arg6: memref<1x4xf32, #tpu.memory_space<vmem>>, %arg7: memref<1x4xf32, #tpu.memory_space<vmem>>, %arg8: memref<4x32xf32, #tpu.memory_space<vmem>>, %arg9: memref<1x32xf32, #tpu.memory_space<vmem>>, %arg10: memref<1x32xf32, #tpu.memory_space<vmem>>, %arg11: memref<1x32xf32, #tpu.memory_space<vmem>>, %arg12: memref<1x256x32xf32, #tpu.memory_space<vmem>>) attributes {dimension_semantics = [#tpu.dimension_semantics<arbitrary>, #tpu.dimension_semantics<arbitrary>], iteration_bounds = array<i64: 2, 16>, scalar_prefetch = 0 : i64, scratch_operands = 0 : i64, tpu.core_type = #tpu.core_type<tc>, window_params = [{transform_indices = @transform_0, window_bounds = array<i64: 1, 256, 128>}, {transform_indices = @transform_1, window_bounds = array<i64: 1, 256, 2048>}, {pipeline_mode = #tpu.pipeline_mode<synchronous>, transform_indices = @transform_2, window_bounds = array<i64: 8, 128>}, {pipeline_mode = #tpu.pipeline_mode<synchronous>, transform_indices = @transform_3, window_bounds = array<i64: 1, 4>}, {pipeline_mode = #tpu.pipeline_mode<synchronous>, transform_indices = @transform_4, window_bounds = array<i64: 1, 4>}, {pipeline_mode = #tpu.pipeline_mode<synchronous>, transform_indices = @transform_5, window_bounds = array<i64: 1, 4>}, {pipeline_mode = #tpu.pipeline_mode<synchronous>, transform_indices = @transform_6, window_bounds = array<i64: 4, 32>}, {pipeline_mode = #tpu.pipeline_mode<synchronous>, transform_indices = @transform_7, window_bounds = array<i64: 1, 32>}, {pipeline_mode = #tpu.pipeline_mode<synchronous>, transform_indices = @transform_8, window_bounds = array<i64: 1, 32>}, {pipeline_mode = #tpu.pipeline_mode<synchronous>, transform_indices = @transform_9, window_bounds = array<i64: 1, 32>}, {transform_indices = @transform_10, window_bounds = array<i64: 1, 256, 32>}]} {
    %get3A = arith.constant 0 : index
    %get3A_0 = arith.constant 0 : index
    %get3A_1 = arith.constant 0 : index
    %get3A_2 = vector.load %arg2[%get3A, %get3A_0, %get3A_1] : memref<1x256x128xf32, #tpu.memory_space<vmem>>, vector<1x256x128xf32>
    %get3A_3 = vector.shape_cast %get3A_2 : vector<1x256x128xf32> to vector<256x128xf32>
    %slice3A = vector.extract_strided_slice %get3A_3 {offsets = [0, 32], sizes = [256, 32], strides = [1, 1]} : vector<256x128xf32> to vector<256x32xf32>
    %slice3A_4 = vector.extract_strided_slice %get3A_3 {offsets = [0, 64], sizes = [256, 4], strides = [1, 1]} : vector<256x128xf32> to vector<256x4xf32>
    %get3A_5 = arith.constant 0 : index
    %get3A_6 = arith.constant 0 : index
    %get3A_7 = arith.constant 0 : index
    %get3A_8 = vector.load %arg3[%get3A_5, %get3A_6, %get3A_7] : memref<1x256x2048xf32, #tpu.memory_space<vmem>>, vector<1x256x2048xf32>
    %get3A_9 = vector.shape_cast %get3A_8 : vector<1x256x2048xf32> to vector<256x2048xf32>
    %get3A_10 = arith.constant 0 : index
    %get3A_11 = arith.constant 0 : index
    %get3A_12 = vector.load %arg4[%get3A_10, %get3A_11] : memref<8x128xf32, #tpu.memory_space<vmem>>, vector<1x4xf32>
    %get3A_13 = arith.constant 1 : index
    %get3A_14 = arith.constant 0 : index
    %get3A_15 = vector.load %arg4[%get3A_13, %get3A_14] : memref<8x128xf32, #tpu.memory_space<vmem>>, vector<1x4xf32>
    %add3A = arith.constant 9.99999974E-6 : f32
    %add3A_16 = vector.broadcast %add3A : f32 to vector<1x4xf32>
    %add3A_17 = arith.addf %get3A_15, %add3A_16 : vector<1x4xf32>
    %sqrt3A = math.sqrt %add3A_17 : vector<1x4xf32>
    %div3A = arith.constant 1.000000e+00 : f32
    %div3A_18 = vector.broadcast %div3A : f32 to vector<1x4xf32>
    %div3A_19 = arith.divf %div3A_18, %sqrt3A : vector<1x4xf32>
    %slice3A_20 = vector.extract_strided_slice %get3A_9 {offsets = [0, 0], sizes = [256, 128], strides = [1, 1]} : vector<256x2048xf32> to vector<256x128xf32>
    %slice3A_21 = vector.extract_strided_slice %slice3A_20 {offsets = [0, 0], sizes = [256, 4], strides = [1, 1]} : vector<256x128xf32> to vector<256x4xf32>
    %slice3A_22 = vector.extract_strided_slice %slice3A_20 {offsets = [0, 4], sizes = [256, 32], strides = [1, 1]} : vector<256x128xf32> to vector<256x32xf32>
    %slice3A_23 = vector.extract_strided_slice %slice3A_20 {offsets = [0, 36], sizes = [256, 32], strides = [1, 1]} : vector<256x128xf32> to vector<256x32xf32>
    %sub3A = arith.subf %slice3A_4, %slice3A_21 : vector<256x4xf32>
    %get3A_24 = arith.constant 0 : index
    %get3A_25 = arith.constant 0 : index
    %get3A_26 = vector.load %arg5[%get3A_24, %get3A_25] : memref<1x4xf32, #tpu.memory_space<vmem>>, vector<1x4xf32>
    %add3A_27 = vector.broadcast %get3A_26 : vector<1x4xf32> to vector<256x4xf32>
    %add3A_28 = arith.addf %sub3A, %add3A_27 : vector<256x4xf32>
    %sub3A_29 = vector.broadcast %get3A_12 : vector<1x4xf32> to vector<256x4xf32>
    %sub3A_30 = arith.subf %add3A_28, %sub3A_29 : vector<256x4xf32>
    %mul3A = vector.broadcast %div3A_19 : vector<1x4xf32> to vector<256x4xf32>
    %mul3A_31 = arith.mulf %sub3A_30, %mul3A : vector<256x4xf32>
    %get3A_32 = arith.constant 0 : index
    %get3A_33 = arith.constant 0 : index
    %get3A_34 = vector.load %arg6[%get3A_32, %get3A_33] : memref<1x4xf32, #tpu.memory_space<vmem>>, vector<1x4xf32>
    %mul3A_35 = vector.broadcast %get3A_34 : vector<1x4xf32> to vector<256x4xf32>
    %mul3A_36 = arith.mulf %mul3A_31, %mul3A_35 : vector<256x4xf32>
    %get3A_37 = arith.constant 0 : index
    %get3A_38 = arith.constant 0 : index
    %get3A_39 = vector.load %arg7[%get3A_37, %get3A_38] : memref<1x4xf32, #tpu.memory_space<vmem>>, vector<1x4xf32>
    %add3A_40 = vector.broadcast %get3A_39 : vector<1x4xf32> to vector<256x4xf32>
    %add3A_41 = arith.addf %mul3A_36, %add3A_40 : vector<256x4xf32>
    %max3A = arith.constant 0.000000e+00 : f32
    %max3A_42 = vector.broadcast %max3A : f32 to vector<256x4xf32>
    %max3A_43 = arith.maximumf %add3A_41, %max3A_42 : vector<256x4xf32>
    %get3A_44 = arith.constant 0 : index
    %get3A_45 = arith.constant 0 : index
    %get3A_46 = vector.load %arg8[%get3A_44, %get3A_45] : memref<4x32xf32, #tpu.memory_space<vmem>>, vector<4x32xf32>
    %dot_general3A = arith.constant dense<0.000000e+00> : vector<256x32xf32>
    %dot_general3A_47 = tpu.matmul %max3A_43, %get3A_46, %dot_general3A {dimension_numbers = #tpu.dot_dimension_numbers<[1], [0], [0], [1], [0, 0, 1, 1], [], []>, transpose_lhs_hint = false} : vector<256x4xf32>, vector<4x32xf32>, vector<256x32xf32> -> vector<256x32xf32>
    %get3A_48 = arith.constant 0 : index
    %get3A_49 = arith.constant 0 : index
    %get3A_50 = vector.load %arg9[%get3A_48, %get3A_49] : memref<1x32xf32, #tpu.memory_space<vmem>>, vector<1x32xf32>
    %add3A_51 = vector.broadcast %get3A_50 : vector<1x32xf32> to vector<256x32xf32>
    %add3A_52 = arith.addf %dot_general3A_47, %add3A_51 : vector<256x32xf32>
    %sub3A_53 = arith.subf %slice3A, %slice3A_22 : vector<256x32xf32>
    %add3A_54 = arith.addf %sub3A_53, %add3A_52 : vector<256x32xf32>
    %get3A_55 = arith.constant 0 : index
    %get3A_56 = arith.constant 0 : index
    %get3A_57 = vector.load %arg10[%get3A_55, %get3A_56] : memref<1x32xf32, #tpu.memory_space<vmem>>, vector<1x32xf32>
    %get3A_58 = arith.constant 0 : index
    %get3A_59 = arith.constant 0 : index
    %get3A_60 = vector.load %arg11[%get3A_58, %get3A_59] : memref<1x32xf32, #tpu.memory_space<vmem>>, vector<1x32xf32>
    %reduce_sum3A = arith.constant dense<0.000000e+00> : vector<256xf32>
    %reduce_sum3A_61 = vector.multi_reduction <add>, %add3A_54, %reduce_sum3A [1] : vector<256x32xf32> to vector<256xf32>
    %broadcast_in_dim3A = vector.shape_cast %reduce_sum3A_61 : vector<256xf32> to vector<256x1xf32>
    %div3A_62 = arith.constant 3.200000e+01 : f32
    %div3A_63 = vector.broadcast %div3A_62 : f32 to vector<256x1xf32>
    %div3A_64 = arith.divf %broadcast_in_dim3A, %div3A_63 : vector<256x1xf32>
    %sub3A_65 = vector.broadcast %div3A_64 : vector<256x1xf32> to vector<256x32xf32>
    %sub3A_66 = arith.subf %add3A_54, %sub3A_65 : vector<256x32xf32>
    %integer_pow3A = arith.mulf %sub3A_66, %sub3A_66 : vector<256x32xf32>
    %reduce_sum3A_67 = arith.constant dense<0.000000e+00> : vector<256xf32>
    %reduce_sum3A_68 = vector.multi_reduction <add>, %integer_pow3A, %reduce_sum3A_67 [1] : vector<256x32xf32> to vector<256xf32>
    %broadcast_in_dim3A_69 = vector.shape_cast %reduce_sum3A_68 : vector<256xf32> to vector<256x1xf32>
    %div3A_70 = arith.constant 3.200000e+01 : f32
    %div3A_71 = vector.broadcast %div3A_70 : f32 to vector<256x1xf32>
    %div3A_72 = arith.divf %broadcast_in_dim3A_69, %div3A_71 : vector<256x1xf32>
    %sub3A_73 = vector.broadcast %div3A_64 : vector<256x1xf32> to vector<256x32xf32>
    %sub3A_74 = arith.subf %add3A_54, %sub3A_73 : vector<256x32xf32>
    %add3A_75 = arith.constant 9.99999974E-6 : f32
    %add3A_76 = vector.broadcast %add3A_75 : f32 to vector<256x1xf32>
    %add3A_77 = arith.addf %div3A_72, %add3A_76 : vector<256x1xf32>
    %sqrt3A_78 = math.sqrt %add3A_77 : vector<256x1xf32>
    %div3A_79 = vector.broadcast %sqrt3A_78 : vector<256x1xf32> to vector<256x32xf32>
    %div3A_80 = arith.divf %sub3A_74, %div3A_79 : vector<256x32xf32>
    %mul3A_81 = vector.broadcast %get3A_57 : vector<1x32xf32> to vector<256x32xf32>
    %mul3A_82 = arith.mulf %div3A_80, %mul3A_81 : vector<256x32xf32>
    %add3A_83 = vector.broadcast %get3A_60 : vector<1x32xf32> to vector<256x32xf32>
    %add3A_84 = arith.addf %mul3A_82, %add3A_83 : vector<256x32xf32>
    %mul3A_85 = arith.constant 0.176776692 : f32
    %mul3A_86 = vector.broadcast %mul3A_85 : f32 to vector<256x32xf32>
    %mul3A_87 = arith.mulf %add3A_84, %mul3A_86 : vector<256x32xf32>
    %add3A_88 = arith.addf %slice3A_23, %add3A_52 : vector<256x32xf32>
    %slice3A_89 = vector.extract_strided_slice %get3A_9 {offsets = [0, 128], sizes = [256, 128], strides = [1, 1]} : vector<256x2048xf32> to vector<256x128xf32>
    %slice3A_90 = vector.extract_strided_slice %slice3A_89 {offsets = [0, 0], sizes = [256, 4], strides = [1, 1]} : vector<256x128xf32> to vector<256x4xf32>
    %slice3A_91 = vector.extract_strided_slice %slice3A_89 {offsets = [0, 4], sizes = [256, 32], strides = [1, 1]} : vector<256x128xf32> to vector<256x32xf32>
    %slice3A_92 = vector.extract_strided_slice %slice3A_89 {offsets = [0, 36], sizes = [256, 32], strides = [1, 1]} : vector<256x128xf32> to vector<256x32xf32>
    %sub3A_93 = arith.subf %slice3A_4, %slice3A_90 : vector<256x4xf32>
    %get3A_94 = arith.constant 0 : index
    %get3A_95 = arith.constant 0 : index
    %get3A_96 = vector.load %arg5[%get3A_94, %get3A_95] : memref<1x4xf32, #tpu.memory_space<vmem>>, vector<1x4xf32>
    %add3A_97 = vector.broadcast %get3A_96 : vector<1x4xf32> to vector<256x4xf32>
    %add3A_98 = arith.addf %sub3A_93, %add3A_97 : vector<256x4xf32>
    %sub3A_99 = vector.broadcast %get3A_12 : vector<1x4xf32> to vector<256x4xf32>
    %sub3A_100 = arith.subf %add3A_98, %sub3A_99 : vector<256x4xf32>
    %mul3A_101 = vector.broadcast %div3A_19 : vector<1x4xf32> to vector<256x4xf32>
    %mul3A_102 = arith.mulf %sub3A_100, %mul3A_101 : vector<256x4xf32>
    %get3A_103 = arith.constant 0 : index
    %get3A_104 = arith.constant 0 : index
    %get3A_105 = vector.load %arg6[%get3A_103, %get3A_104] : memref<1x4xf32, #tpu.memory_space<vmem>>, vector<1x4xf32>
    %mul3A_106 = vector.broadcast %get3A_105 : vector<1x4xf32> to vector<256x4xf32>
    %mul3A_107 = arith.mulf %mul3A_102, %mul3A_106 : vector<256x4xf32>
    %get3A_108 = arith.constant 0 : index
    %get3A_109 = arith.constant 0 : index
    %get3A_110 = vector.load %arg7[%get3A_108, %get3A_109] : memref<1x4xf32, #tpu.memory_space<vmem>>, vector<1x4xf32>
    %add3A_111 = vector.broadcast %get3A_110 : vector<1x4xf32> to vector<256x4xf32>
    %add3A_112 = arith.addf %mul3A_107, %add3A_111 : vector<256x4xf32>
    %max3A_113 = arith.constant 0.000000e+00 : f32
    %max3A_114 = vector.broadcast %max3A_113 : f32 to vector<256x4xf32>
    %max3A_115 = arith.maximumf %add3A_112, %max3A_114 : vector<256x4xf32>
    %get3A_116 = arith.constant 0 : index
    %get3A_117 = arith.constant 0 : index
    %get3A_118 = vector.load %arg8[%get3A_116, %get3A_117] : memref<4x32xf32, #tpu.memory_space<vmem>>, vector<4x32xf32>
    %dot_general3A_119 = arith.constant dense<0.000000e+00> : vector<256x32xf32>
    %dot_general3A_120 = tpu.matmul %max3A_115, %get3A_118, %dot_general3A_119 {dimension_numbers = #tpu.dot_dimension_numbers<[1], [0], [0], [1], [0, 0, 1, 1], [], []>, transpose_lhs_hint = false} : vector<256x4xf32>, vector<4x32xf32>, vector<256x32xf32> -> vector<256x32xf32>
    %get3A_121 = arith.constant 0 : index
    %get3A_122 = arith.constant 0 : index
    %get3A_123 = vector.load %arg9[%get3A_121, %get3A_122] : memref<1x32xf32, #tpu.memory_space<vmem>>, vector<1x32xf32>
    %add3A_124 = vector.broadcast %get3A_123 : vector<1x32xf32> to vector<256x32xf32>
    %add3A_125 = arith.addf %dot_general3A_120, %add3A_124 : vector<256x32xf32>
    %sub3A_126 = arith.subf %slice3A, %slice3A_91 : vector<256x32xf32>
    %add3A_127 = arith.addf %sub3A_126, %add3A_125 : vector<256x32xf32>
    %get3A_128 = arith.constant 0 : index
    %get3A_129 = arith.constant 0 : index
    %get3A_130 = vector.load %arg10[%get3A_128, %get3A_129] : memref<1x32xf32, #tpu.memory_space<vmem>>, vector<1x32xf32>
    %get3A_131 = arith.constant 0 : index
    %get3A_132 = arith.constant 0 : index
    %get3A_133 = vector.load %arg11[%get3A_131, %get3A_132] : memref<1x32xf32, #tpu.memory_space<vmem>>, vector<1x32xf32>
    %reduce_sum3A_134 = arith.constant dense<0.000000e+00> : vector<256xf32>
    %reduce_sum3A_135 = vector.multi_reduction <add>, %add3A_127, %reduce_sum3A_134 [1] : vector<256x32xf32> to vector<256xf32>
    %broadcast_in_dim3A_136 = vector.shape_cast %reduce_sum3A_135 : vector<256xf32> to vector<256x1xf32>
    %div3A_137 = arith.constant 3.200000e+01 : f32
    %div3A_138 = vector.broadcast %div3A_137 : f32 to vector<256x1xf32>
    %div3A_139 = arith.divf %broadcast_in_dim3A_136, %div3A_138 : vector<256x1xf32>
    %sub3A_140 = vector.broadcast %div3A_139 : vector<256x1xf32> to vector<256x32xf32>
    %sub3A_141 = arith.subf %add3A_127, %sub3A_140 : vector<256x32xf32>
    %integer_pow3A_142 = arith.mulf %sub3A_141, %sub3A_141 : vector<256x32xf32>
    %reduce_sum3A_143 = arith.constant dense<0.000000e+00> : vector<256xf32>
    %reduce_sum3A_144 = vector.multi_reduction <add>, %integer_pow3A_142, %reduce_sum3A_143 [1] : vector<256x32xf32> to vector<256xf32>
    %broadcast_in_dim3A_145 = vector.shape_cast %reduce_sum3A_144 : vector<256xf32> to vector<256x1xf32>
    %div3A_146 = arith.constant 3.200000e+01 : f32
    %div3A_147 = vector.broadcast %div3A_146 : f32 to vector<256x1xf32>
    %div3A_148 = arith.divf %broadcast_in_dim3A_145, %div3A_147 : vector<256x1xf32>
    %sub3A_149 = vector.broadcast %div3A_139 : vector<256x1xf32> to vector<256x32xf32>
    %sub3A_150 = arith.subf %add3A_127, %sub3A_149 : vector<256x32xf32>
    %add3A_151 = arith.constant 9.99999974E-6 : f32
    %add3A_152 = vector.broadcast %add3A_151 : f32 to vector<256x1xf32>
    %add3A_153 = arith.addf %div3A_148, %add3A_152 : vector<256x1xf32>
    %sqrt3A_154 = math.sqrt %add3A_153 : vector<256x1xf32>
    %div3A_155 = vector.broadcast %sqrt3A_154 : vector<256x1xf32> to vector<256x32xf32>
    %div3A_156 = arith.divf %sub3A_150, %div3A_155 : vector<256x32xf32>
    %mul3A_157 = vector.broadcast %get3A_130 : vector<1x32xf32> to vector<256x32xf32>
    %mul3A_158 = arith.mulf %div3A_156, %mul3A_157 : vector<256x32xf32>
    %add3A_159 = vector.broadcast %get3A_133 : vector<1x32xf32> to vector<256x32xf32>
    %add3A_160 = arith.addf %mul3A_158, %add3A_159 : vector<256x32xf32>
    %mul3A_161 = arith.constant 0.176776692 : f32
    %mul3A_162 = vector.broadcast %mul3A_161 : f32 to vector<256x32xf32>
    %mul3A_163 = arith.mulf %add3A_160, %mul3A_162 : vector<256x32xf32>
    %add3A_164 = arith.addf %slice3A_92, %add3A_125 : vector<256x32xf32>
    %slice3A_165 = vector.extract_strided_slice %get3A_9 {offsets = [0, 256], sizes = [256, 128], strides = [1, 1]} : vector<256x2048xf32> to vector<256x128xf32>
    %slice3A_166 = vector.extract_strided_slice %slice3A_165 {offsets = [0, 0], sizes = [256, 4], strides = [1, 1]} : vector<256x128xf32> to vector<256x4xf32>
    %slice3A_167 = vector.extract_strided_slice %slice3A_165 {offsets = [0, 4], sizes = [256, 32], strides = [1, 1]} : vector<256x128xf32> to vector<256x32xf32>
    %slice3A_168 = vector.extract_strided_slice %slice3A_165 {offsets = [0, 36], sizes = [256, 32], strides = [1, 1]} : vector<256x128xf32> to vector<256x32xf32>
    %sub3A_169 = arith.subf %slice3A_4, %slice3A_166 : vector<256x4xf32>
    %get3A_170 = arith.constant 0 : index
    %get3A_171 = arith.constant 0 : index
    %get3A_172 = vector.load %arg5[%get3A_170, %get3A_171] : memref<1x4xf32, #tpu.memory_space<vmem>>, vector<1x4xf32>
    %add3A_173 = vector.broadcast %get3A_172 : vector<1x4xf32> to vector<256x4xf32>
    %add3A_174 = arith.addf %sub3A_169, %add3A_173 : vector<256x4xf32>
    %sub3A_175 = vector.broadcast %get3A_12 : vector<1x4xf32> to vector<256x4xf32>
    %sub3A_176 = arith.subf %add3A_174, %sub3A_175 : vector<256x4xf32>
    %mul3A_177 = vector.broadcast %div3A_19 : vector<1x4xf32> to vector<256x4xf32>
    %mul3A_178 = arith.mulf %sub3A_176, %mul3A_177 : vector<256x4xf32>
    %get3A_179 = arith.constant 0 : index
    %get3A_180 = arith.constant 0 : index
    %get3A_181 = vector.load %arg6[%get3A_179, %get3A_180] : memref<1x4xf32, #tpu.memory_space<vmem>>, vector<1x4xf32>
    %mul3A_182 = vector.broadcast %get3A_181 : vector<1x4xf32> to vector<256x4xf32>
    %mul3A_183 = arith.mulf %mul3A_178, %mul3A_182 : vector<256x4xf32>
    %get3A_184 = arith.constant 0 : index
    %get3A_185 = arith.constant 0 : index
    %get3A_186 = vector.load %arg7[%get3A_184, %get3A_185] : memref<1x4xf32, #tpu.memory_space<vmem>>, vector<1x4xf32>
    %add3A_187 = vector.broadcast %get3A_186 : vector<1x4xf32> to vector<256x4xf32>
    %add3A_188 = arith.addf %mul3A_183, %add3A_187 : vector<256x4xf32>
    %max3A_189 = arith.constant 0.000000e+00 : f32
    %max3A_190 = vector.broadcast %max3A_189 : f32 to vector<256x4xf32>
    %max3A_191 = arith.maximumf %add3A_188, %max3A_190 : vector<256x4xf32>
    %get3A_192 = arith.constant 0 : index
    %get3A_193 = arith.constant 0 : index
    %get3A_194 = vector.load %arg8[%get3A_192, %get3A_193] : memref<4x32xf32, #tpu.memory_space<vmem>>, vector<4x32xf32>
    %dot_general3A_195 = arith.constant dense<0.000000e+00> : vector<256x32xf32>
    %dot_general3A_196 = tpu.matmul %max3A_191, %get3A_194, %dot_general3A_195 {dimension_numbers = #tpu.dot_dimension_numbers<[1], [0], [0], [1], [0, 0, 1, 1], [], []>, transpose_lhs_hint = false} : vector<256x4xf32>, vector<4x32xf32>, vector<256x32xf32> -> vector<256x32xf32>
    %get3A_197 = arith.constant 0 : index
    %get3A_198 = arith.constant 0 : index
    %get3A_199 = vector.load %arg9[%get3A_197, %get3A_198] : memref<1x32xf32, #tpu.memory_space<vmem>>, vector<1x32xf32>
    %add3A_200 = vector.broadcast %get3A_199 : vector<1x32xf32> to vector<256x32xf32>
    %add3A_201 = arith.addf %dot_general3A_196, %add3A_200 : vector<256x32xf32>
    %sub3A_202 = arith.subf %slice3A, %slice3A_167 : vector<256x32xf32>
    %add3A_203 = arith.addf %sub3A_202, %add3A_201 : vector<256x32xf32>
    %get3A_204 = arith.constant 0 : index
    %get3A_205 = arith.constant 0 : index
    %get3A_206 = vector.load %arg10[%get3A_204, %get3A_205] : memref<1x32xf32, #tpu.memory_space<vmem>>, vector<1x32xf32>
    %get3A_207 = arith.constant 0 : index
    %get3A_208 = arith.constant 0 : index
    %get3A_209 = vector.load %arg11[%get3A_207, %get3A_208] : memref<1x32xf32, #tpu.memory_space<vmem>>, vector<1x32xf32>
    %reduce_sum3A_210 = arith.constant dense<0.000000e+00> : vector<256xf32>
    %reduce_sum3A_211 = vector.multi_reduction <add>, %add3A_203, %reduce_sum3A_210 [1] : vector<256x32xf32> to vector<256xf32>
    %broadcast_in_dim3A_212 = vector.shape_cast %reduce_sum3A_211 : vector<256xf32> to vector<256x1xf32>
    %div3A_213 = arith.constant 3.200000e+01 : f32
    %div3A_214 = vector.broadcast %div3A_213 : f32 to vector<256x1xf32>
    %div3A_215 = arith.divf %broadcast_in_dim3A_212, %div3A_214 : vector<256x1xf32>
    %sub3A_216 = vector.broadcast %div3A_215 : vector<256x1xf32> to vector<256x32xf32>
    %sub3A_217 = arith.subf %add3A_203, %sub3A_216 : vector<256x32xf32>
    %integer_pow3A_218 = arith.mulf %sub3A_217, %sub3A_217 : vector<256x32xf32>
    %reduce_sum3A_219 = arith.constant dense<0.000000e+00> : vector<256xf32>
    %reduce_sum3A_220 = vector.multi_reduction <add>, %integer_pow3A_218, %reduce_sum3A_219 [1] : vector<256x32xf32> to vector<256xf32>
    %broadcast_in_dim3A_221 = vector.shape_cast %reduce_sum3A_220 : vector<256xf32> to vector<256x1xf32>
    %div3A_222 = arith.constant 3.200000e+01 : f32
    %div3A_223 = vector.broadcast %div3A_222 : f32 to vector<256x1xf32>
    %div3A_224 = arith.divf %broadcast_in_dim3A_221, %div3A_223 : vector<256x1xf32>
    %sub3A_225 = vector.broadcast %div3A_215 : vector<256x1xf32> to vector<256x32xf32>
    %sub3A_226 = arith.subf %add3A_203, %sub3A_225 : vector<256x32xf32>
    %add3A_227 = arith.constant 9.99999974E-6 : f32
    %add3A_228 = vector.broadcast %add3A_227 : f32 to vector<256x1xf32>
    %add3A_229 = arith.addf %div3A_224, %add3A_228 : vector<256x1xf32>
    %sqrt3A_230 = math.sqrt %add3A_229 : vector<256x1xf32>
    %div3A_231 = vector.broadcast %sqrt3A_230 : vector<256x1xf32> to vector<256x32xf32>
    %div3A_232 = arith.divf %sub3A_226, %div3A_231 : vector<256x32xf32>
    %mul3A_233 = vector.broadcast %get3A_206 : vector<1x32xf32> to vector<256x32xf32>
    %mul3A_234 = arith.mulf %div3A_232, %mul3A_233 : vector<256x32xf32>
    %add3A_235 = vector.broadcast %get3A_209 : vector<1x32xf32> to vector<256x32xf32>
    %add3A_236 = arith.addf %mul3A_234, %add3A_235 : vector<256x32xf32>
    %mul3A_237 = arith.constant 0.176776692 : f32
    %mul3A_238 = vector.broadcast %mul3A_237 : f32 to vector<256x32xf32>
    %mul3A_239 = arith.mulf %add3A_236, %mul3A_238 : vector<256x32xf32>
    %add3A_240 = arith.addf %slice3A_168, %add3A_201 : vector<256x32xf32>
    %slice3A_241 = vector.extract_strided_slice %get3A_9 {offsets = [0, 384], sizes = [256, 128], strides = [1, 1]} : vector<256x2048xf32> to vector<256x128xf32>
    %slice3A_242 = vector.extract_strided_slice %slice3A_241 {offsets = [0, 0], sizes = [256, 4], strides = [1, 1]} : vector<256x128xf32> to vector<256x4xf32>
    %slice3A_243 = vector.extract_strided_slice %slice3A_241 {offsets = [0, 4], sizes = [256, 32], strides = [1, 1]} : vector<256x128xf32> to vector<256x32xf32>
    %slice3A_244 = vector.extract_strided_slice %slice3A_241 {offsets = [0, 36], sizes = [256, 32], strides = [1, 1]} : vector<256x128xf32> to vector<256x32xf32>
    %sub3A_245 = arith.subf %slice3A_4, %slice3A_242 : vector<256x4xf32>
    %get3A_246 = arith.constant 0 : index
    %get3A_247 = arith.constant 0 : index
    %get3A_248 = vector.load %arg5[%get3A_246, %get3A_247] : memref<1x4xf32, #tpu.memory_space<vmem>>, vector<1x4xf32>
    %add3A_249 = vector.broadcast %get3A_248 : vector<1x4xf32> to vector<256x4xf32>
    %add3A_250 = arith.addf %sub3A_245, %add3A_249 : vector<256x4xf32>
    %sub3A_251 = vector.broadcast %get3A_12 : vector<1x4xf32> to vector<256x4xf32>
    %sub3A_252 = arith.subf %add3A_250, %sub3A_251 : vector<256x4xf32>
    %mul3A_253 = vector.broadcast %div3A_19 : vector<1x4xf32> to vector<256x4xf32>
    %mul3A_254 = arith.mulf %sub3A_252, %mul3A_253 : vector<256x4xf32>
    %get3A_255 = arith.constant 0 : index
    %get3A_256 = arith.constant 0 : index
    %get3A_257 = vector.load %arg6[%get3A_255, %get3A_256] : memref<1x4xf32, #tpu.memory_space<vmem>>, vector<1x4xf32>
    %mul3A_258 = vector.broadcast %get3A_257 : vector<1x4xf32> to vector<256x4xf32>
    %mul3A_259 = arith.mulf %mul3A_254, %mul3A_258 : vector<256x4xf32>
    %get3A_260 = arith.constant 0 : index
    %get3A_261 = arith.constant 0 : index
    %get3A_262 = vector.load %arg7[%get3A_260, %get3A_261] : memref<1x4xf32, #tpu.memory_space<vmem>>, vector<1x4xf32>
    %add3A_263 = vector.broadcast %get3A_262 : vector<1x4xf32> to vector<256x4xf32>
    %add3A_264 = arith.addf %mul3A_259, %add3A_263 : vector<256x4xf32>
    %max3A_265 = arith.constant 0.000000e+00 : f32
    %max3A_266 = vector.broadcast %max3A_265 : f32 to vector<256x4xf32>
    %max3A_267 = arith.maximumf %add3A_264, %max3A_266 : vector<256x4xf32>
    %get3A_268 = arith.constant 0 : index
    %get3A_269 = arith.constant 0 : index
    %get3A_270 = vector.load %arg8[%get3A_268, %get3A_269] : memref<4x32xf32, #tpu.memory_space<vmem>>, vector<4x32xf32>
    %dot_general3A_271 = arith.constant dense<0.000000e+00> : vector<256x32xf32>
    %dot_general3A_272 = tpu.matmul %max3A_267, %get3A_270, %dot_general3A_271 {dimension_numbers = #tpu.dot_dimension_numbers<[1], [0], [0], [1], [0, 0, 1, 1], [], []>, transpose_lhs_hint = false} : vector<256x4xf32>, vector<4x32xf32>, vector<256x32xf32> -> vector<256x32xf32>
    %get3A_273 = arith.constant 0 : index
    %get3A_274 = arith.constant 0 : index
    %get3A_275 = vector.load %arg9[%get3A_273, %get3A_274] : memref<1x32xf32, #tpu.memory_space<vmem>>, vector<1x32xf32>
    %add3A_276 = vector.broadcast %get3A_275 : vector<1x32xf32> to vector<256x32xf32>
    %add3A_277 = arith.addf %dot_general3A_272, %add3A_276 : vector<256x32xf32>
    %sub3A_278 = arith.subf %slice3A, %slice3A_243 : vector<256x32xf32>
    %add3A_279 = arith.addf %sub3A_278, %add3A_277 : vector<256x32xf32>
    %get3A_280 = arith.constant 0 : index
    %get3A_281 = arith.constant 0 : index
    %get3A_282 = vector.load %arg10[%get3A_280, %get3A_281] : memref<1x32xf32, #tpu.memory_space<vmem>>, vector<1x32xf32>
    %get3A_283 = arith.constant 0 : index
    %get3A_284 = arith.constant 0 : index
    %get3A_285 = vector.load %arg11[%get3A_283, %get3A_284] : memref<1x32xf32, #tpu.memory_space<vmem>>, vector<1x32xf32>
    %reduce_sum3A_286 = arith.constant dense<0.000000e+00> : vector<256xf32>
    %reduce_sum3A_287 = vector.multi_reduction <add>, %add3A_279, %reduce_sum3A_286 [1] : vector<256x32xf32> to vector<256xf32>
    %broadcast_in_dim3A_288 = vector.shape_cast %reduce_sum3A_287 : vector<256xf32> to vector<256x1xf32>
    %div3A_289 = arith.constant 3.200000e+01 : f32
    %div3A_290 = vector.broadcast %div3A_289 : f32 to vector<256x1xf32>
    %div3A_291 = arith.divf %broadcast_in_dim3A_288, %div3A_290 : vector<256x1xf32>
    %sub3A_292 = vector.broadcast %div3A_291 : vector<256x1xf32> to vector<256x32xf32>
    %sub3A_293 = arith.subf %add3A_279, %sub3A_292 : vector<256x32xf32>
    %integer_pow3A_294 = arith.mulf %sub3A_293, %sub3A_293 : vector<256x32xf32>
    %reduce_sum3A_295 = arith.constant dense<0.000000e+00> : vector<256xf32>
    %reduce_sum3A_296 = vector.multi_reduction <add>, %integer_pow3A_294, %reduce_sum3A_295 [1] : vector<256x32xf32> to vector<256xf32>
    %broadcast_in_dim3A_297 = vector.shape_cast %reduce_sum3A_296 : vector<256xf32> to vector<256x1xf32>
    %div3A_298 = arith.constant 3.200000e+01 : f32
    %div3A_299 = vector.broadcast %div3A_298 : f32 to vector<256x1xf32>
    %div3A_300 = arith.divf %broadcast_in_dim3A_297, %div3A_299 : vector<256x1xf32>
    %sub3A_301 = vector.broadcast %div3A_291 : vector<256x1xf32> to vector<256x32xf32>
    %sub3A_302 = arith.subf %add3A_279, %sub3A_301 : vector<256x32xf32>
    %add3A_303 = arith.constant 9.99999974E-6 : f32
    %add3A_304 = vector.broadcast %add3A_303 : f32 to vector<256x1xf32>
    %add3A_305 = arith.addf %div3A_300, %add3A_304 : vector<256x1xf32>
    %sqrt3A_306 = math.sqrt %add3A_305 : vector<256x1xf32>
    %div3A_307 = vector.broadcast %sqrt3A_306 : vector<256x1xf32> to vector<256x32xf32>
    %div3A_308 = arith.divf %sub3A_302, %div3A_307 : vector<256x32xf32>
    %mul3A_309 = vector.broadcast %get3A_282 : vector<1x32xf32> to vector<256x32xf32>
    %mul3A_310 = arith.mulf %div3A_308, %mul3A_309 : vector<256x32xf32>
    %add3A_311 = vector.broadcast %get3A_285 : vector<1x32xf32> to vector<256x32xf32>
    %add3A_312 = arith.addf %mul3A_310, %add3A_311 : vector<256x32xf32>
    %mul3A_313 = arith.constant 0.176776692 : f32
    %mul3A_314 = vector.broadcast %mul3A_313 : f32 to vector<256x32xf32>
    %mul3A_315 = arith.mulf %add3A_312, %mul3A_314 : vector<256x32xf32>
    %add3A_316 = arith.addf %slice3A_244, %add3A_277 : vector<256x32xf32>
    %slice3A_317 = vector.extract_strided_slice %get3A_9 {offsets = [0, 512], sizes = [256, 128], strides = [1, 1]} : vector<256x2048xf32> to vector<256x128xf32>
    %slice3A_318 = vector.extract_strided_slice %slice3A_317 {offsets = [0, 0], sizes = [256, 4], strides = [1, 1]} : vector<256x128xf32> to vector<256x4xf32>
    %slice3A_319 = vector.extract_strided_slice %slice3A_317 {offsets = [0, 4], sizes = [256, 32], strides = [1, 1]} : vector<256x128xf32> to vector<256x32xf32>
    %slice3A_320 = vector.extract_strided_slice %slice3A_317 {offsets = [0, 36], sizes = [256, 32], strides = [1, 1]} : vector<256x128xf32> to vector<256x32xf32>
    %sub3A_321 = arith.subf %slice3A_4, %slice3A_318 : vector<256x4xf32>
    %get3A_322 = arith.constant 0 : index
    %get3A_323 = arith.constant 0 : index
    %get3A_324 = vector.load %arg5[%get3A_322, %get3A_323] : memref<1x4xf32, #tpu.memory_space<vmem>>, vector<1x4xf32>
    %add3A_325 = vector.broadcast %get3A_324 : vector<1x4xf32> to vector<256x4xf32>
    %add3A_326 = arith.addf %sub3A_321, %add3A_325 : vector<256x4xf32>
    %sub3A_327 = vector.broadcast %get3A_12 : vector<1x4xf32> to vector<256x4xf32>
    %sub3A_328 = arith.subf %add3A_326, %sub3A_327 : vector<256x4xf32>
    %mul3A_329 = vector.broadcast %div3A_19 : vector<1x4xf32> to vector<256x4xf32>
    %mul3A_330 = arith.mulf %sub3A_328, %mul3A_329 : vector<256x4xf32>
    %get3A_331 = arith.constant 0 : index
    %get3A_332 = arith.constant 0 : index
    %get3A_333 = vector.load %arg6[%get3A_331, %get3A_332] : memref<1x4xf32, #tpu.memory_space<vmem>>, vector<1x4xf32>
    %mul3A_334 = vector.broadcast %get3A_333 : vector<1x4xf32> to vector<256x4xf32>
    %mul3A_335 = arith.mulf %mul3A_330, %mul3A_334 : vector<256x4xf32>
    %get3A_336 = arith.constant 0 : index
    %get3A_337 = arith.constant 0 : index
    %get3A_338 = vector.load %arg7[%get3A_336, %get3A_337] : memref<1x4xf32, #tpu.memory_space<vmem>>, vector<1x4xf32>
    %add3A_339 = vector.broadcast %get3A_338 : vector<1x4xf32> to vector<256x4xf32>
    %add3A_340 = arith.addf %mul3A_335, %add3A_339 : vector<256x4xf32>
    %max3A_341 = arith.constant 0.000000e+00 : f32
    %max3A_342 = vector.broadcast %max3A_341 : f32 to vector<256x4xf32>
    %max3A_343 = arith.maximumf %add3A_340, %max3A_342 : vector<256x4xf32>
    %get3A_344 = arith.constant 0 : index
    %get3A_345 = arith.constant 0 : index
    %get3A_346 = vector.load %arg8[%get3A_344, %get3A_345] : memref<4x32xf32, #tpu.memory_space<vmem>>, vector<4x32xf32>
    %dot_general3A_347 = arith.constant dense<0.000000e+00> : vector<256x32xf32>
    %dot_general3A_348 = tpu.matmul %max3A_343, %get3A_346, %dot_general3A_347 {dimension_numbers = #tpu.dot_dimension_numbers<[1], [0], [0], [1], [0, 0, 1, 1], [], []>, transpose_lhs_hint = false} : vector<256x4xf32>, vector<4x32xf32>, vector<256x32xf32> -> vector<256x32xf32>
    %get3A_349 = arith.constant 0 : index
    %get3A_350 = arith.constant 0 : index
    %get3A_351 = vector.load %arg9[%get3A_349, %get3A_350] : memref<1x32xf32, #tpu.memory_space<vmem>>, vector<1x32xf32>
    %add3A_352 = vector.broadcast %get3A_351 : vector<1x32xf32> to vector<256x32xf32>
    %add3A_353 = arith.addf %dot_general3A_348, %add3A_352 : vector<256x32xf32>
    %sub3A_354 = arith.subf %slice3A, %slice3A_319 : vector<256x32xf32>
    %add3A_355 = arith.addf %sub3A_354, %add3A_353 : vector<256x32xf32>
    %get3A_356 = arith.constant 0 : index
    %get3A_357 = arith.constant 0 : index
    %get3A_358 = vector.load %arg10[%get3A_356, %get3A_357] : memref<1x32xf32, #tpu.memory_space<vmem>>, vector<1x32xf32>
    %get3A_359 = arith.constant 0 : index
    %get3A_360 = arith.constant 0 : index
    %get3A_361 = vector.load %arg11[%get3A_359, %get3A_360] : memref<1x32xf32, #tpu.memory_space<vmem>>, vector<1x32xf32>
    %reduce_sum3A_362 = arith.constant dense<0.000000e+00> : vector<256xf32>
    %reduce_sum3A_363 = vector.multi_reduction <add>, %add3A_355, %reduce_sum3A_362 [1] : vector<256x32xf32> to vector<256xf32>
    %broadcast_in_dim3A_364 = vector.shape_cast %reduce_sum3A_363 : vector<256xf32> to vector<256x1xf32>
    %div3A_365 = arith.constant 3.200000e+01 : f32
    %div3A_366 = vector.broadcast %div3A_365 : f32 to vector<256x1xf32>
    %div3A_367 = arith.divf %broadcast_in_dim3A_364, %div3A_366 : vector<256x1xf32>
    %sub3A_368 = vector.broadcast %div3A_367 : vector<256x1xf32> to vector<256x32xf32>
    %sub3A_369 = arith.subf %add3A_355, %sub3A_368 : vector<256x32xf32>
    %integer_pow3A_370 = arith.mulf %sub3A_369, %sub3A_369 : vector<256x32xf32>
    %reduce_sum3A_371 = arith.constant dense<0.000000e+00> : vector<256xf32>
    %reduce_sum3A_372 = vector.multi_reduction <add>, %integer_pow3A_370, %reduce_sum3A_371 [1] : vector<256x32xf32> to vector<256xf32>
    %broadcast_in_dim3A_373 = vector.shape_cast %reduce_sum3A_372 : vector<256xf32> to vector<256x1xf32>
    %div3A_374 = arith.constant 3.200000e+01 : f32
    %div3A_375 = vector.broadcast %div3A_374 : f32 to vector<256x1xf32>
    %div3A_376 = arith.divf %broadcast_in_dim3A_373, %div3A_375 : vector<256x1xf32>
    %sub3A_377 = vector.broadcast %div3A_367 : vector<256x1xf32> to vector<256x32xf32>
    %sub3A_378 = arith.subf %add3A_355, %sub3A_377 : vector<256x32xf32>
    %add3A_379 = arith.constant 9.99999974E-6 : f32
    %add3A_380 = vector.broadcast %add3A_379 : f32 to vector<256x1xf32>
    %add3A_381 = arith.addf %div3A_376, %add3A_380 : vector<256x1xf32>
    %sqrt3A_382 = math.sqrt %add3A_381 : vector<256x1xf32>
    %div3A_383 = vector.broadcast %sqrt3A_382 : vector<256x1xf32> to vector<256x32xf32>
    %div3A_384 = arith.divf %sub3A_378, %div3A_383 : vector<256x32xf32>
    %mul3A_385 = vector.broadcast %get3A_358 : vector<1x32xf32> to vector<256x32xf32>
    %mul3A_386 = arith.mulf %div3A_384, %mul3A_385 : vector<256x32xf32>
    %add3A_387 = vector.broadcast %get3A_361 : vector<1x32xf32> to vector<256x32xf32>
    %add3A_388 = arith.addf %mul3A_386, %add3A_387 : vector<256x32xf32>
    %mul3A_389 = arith.constant 0.176776692 : f32
    %mul3A_390 = vector.broadcast %mul3A_389 : f32 to vector<256x32xf32>
    %mul3A_391 = arith.mulf %add3A_388, %mul3A_390 : vector<256x32xf32>
    %add3A_392 = arith.addf %slice3A_320, %add3A_353 : vector<256x32xf32>
    %slice3A_393 = vector.extract_strided_slice %get3A_9 {offsets = [0, 640], sizes = [256, 128], strides = [1, 1]} : vector<256x2048xf32> to vector<256x128xf32>
    %slice3A_394 = vector.extract_strided_slice %slice3A_393 {offsets = [0, 0], sizes = [256, 4], strides = [1, 1]} : vector<256x128xf32> to vector<256x4xf32>
    %slice3A_395 = vector.extract_strided_slice %slice3A_393 {offsets = [0, 4], sizes = [256, 32], strides = [1, 1]} : vector<256x128xf32> to vector<256x32xf32>
    %slice3A_396 = vector.extract_strided_slice %slice3A_393 {offsets = [0, 36], sizes = [256, 32], strides = [1, 1]} : vector<256x128xf32> to vector<256x32xf32>
    %sub3A_397 = arith.subf %slice3A_4, %slice3A_394 : vector<256x4xf32>
    %get3A_398 = arith.constant 0 : index
    %get3A_399 = arith.constant 0 : index
    %get3A_400 = vector.load %arg5[%get3A_398, %get3A_399] : memref<1x4xf32, #tpu.memory_space<vmem>>, vector<1x4xf32>
    %add3A_401 = vector.broadcast %get3A_400 : vector<1x4xf32> to vector<256x4xf32>
    %add3A_402 = arith.addf %sub3A_397, %add3A_401 : vector<256x4xf32>
    %sub3A_403 = vector.broadcast %get3A_12 : vector<1x4xf32> to vector<256x4xf32>
    %sub3A_404 = arith.subf %add3A_402, %sub3A_403 : vector<256x4xf32>
    %mul3A_405 = vector.broadcast %div3A_19 : vector<1x4xf32> to vector<256x4xf32>
    %mul3A_406 = arith.mulf %sub3A_404, %mul3A_405 : vector<256x4xf32>
    %get3A_407 = arith.constant 0 : index
    %get3A_408 = arith.constant 0 : index
    %get3A_409 = vector.load %arg6[%get3A_407, %get3A_408] : memref<1x4xf32, #tpu.memory_space<vmem>>, vector<1x4xf32>
    %mul3A_410 = vector.broadcast %get3A_409 : vector<1x4xf32> to vector<256x4xf32>
    %mul3A_411 = arith.mulf %mul3A_406, %mul3A_410 : vector<256x4xf32>
    %get3A_412 = arith.constant 0 : index
    %get3A_413 = arith.constant 0 : index
    %get3A_414 = vector.load %arg7[%get3A_412, %get3A_413] : memref<1x4xf32, #tpu.memory_space<vmem>>, vector<1x4xf32>
    %add3A_415 = vector.broadcast %get3A_414 : vector<1x4xf32> to vector<256x4xf32>
    %add3A_416 = arith.addf %mul3A_411, %add3A_415 : vector<256x4xf32>
    %max3A_417 = arith.constant 0.000000e+00 : f32
    %max3A_418 = vector.broadcast %max3A_417 : f32 to vector<256x4xf32>
    %max3A_419 = arith.maximumf %add3A_416, %max3A_418 : vector<256x4xf32>
    %get3A_420 = arith.constant 0 : index
    %get3A_421 = arith.constant 0 : index
    %get3A_422 = vector.load %arg8[%get3A_420, %get3A_421] : memref<4x32xf32, #tpu.memory_space<vmem>>, vector<4x32xf32>
    %dot_general3A_423 = arith.constant dense<0.000000e+00> : vector<256x32xf32>
    %dot_general3A_424 = tpu.matmul %max3A_419, %get3A_422, %dot_general3A_423 {dimension_numbers = #tpu.dot_dimension_numbers<[1], [0], [0], [1], [0, 0, 1, 1], [], []>, transpose_lhs_hint = false} : vector<256x4xf32>, vector<4x32xf32>, vector<256x32xf32> -> vector<256x32xf32>
    %get3A_425 = arith.constant 0 : index
    %get3A_426 = arith.constant 0 : index
    %get3A_427 = vector.load %arg9[%get3A_425, %get3A_426] : memref<1x32xf32, #tpu.memory_space<vmem>>, vector<1x32xf32>
    %add3A_428 = vector.broadcast %get3A_427 : vector<1x32xf32> to vector<256x32xf32>
    %add3A_429 = arith.addf %dot_general3A_424, %add3A_428 : vector<256x32xf32>
    %sub3A_430 = arith.subf %slice3A, %slice3A_395 : vector<256x32xf32>
    %add3A_431 = arith.addf %sub3A_430, %add3A_429 : vector<256x32xf32>
    %get3A_432 = arith.constant 0 : index
    %get3A_433 = arith.constant 0 : index
    %get3A_434 = vector.load %arg10[%get3A_432, %get3A_433] : memref<1x32xf32, #tpu.memory_space<vmem>>, vector<1x32xf32>
    %get3A_435 = arith.constant 0 : index
    %get3A_436 = arith.constant 0 : index
    %get3A_437 = vector.load %arg11[%get3A_435, %get3A_436] : memref<1x32xf32, #tpu.memory_space<vmem>>, vector<1x32xf32>
    %reduce_sum3A_438 = arith.constant dense<0.000000e+00> : vector<256xf32>
    %reduce_sum3A_439 = vector.multi_reduction <add>, %add3A_431, %reduce_sum3A_438 [1] : vector<256x32xf32> to vector<256xf32>
    %broadcast_in_dim3A_440 = vector.shape_cast %reduce_sum3A_439 : vector<256xf32> to vector<256x1xf32>
    %div3A_441 = arith.constant 3.200000e+01 : f32
    %div3A_442 = vector.broadcast %div3A_441 : f32 to vector<256x1xf32>
    %div3A_443 = arith.divf %broadcast_in_dim3A_440, %div3A_442 : vector<256x1xf32>
    %sub3A_444 = vector.broadcast %div3A_443 : vector<256x1xf32> to vector<256x32xf32>
    %sub3A_445 = arith.subf %add3A_431, %sub3A_444 : vector<256x32xf32>
    %integer_pow3A_446 = arith.mulf %sub3A_445, %sub3A_445 : vector<256x32xf32>
    %reduce_sum3A_447 = arith.constant dense<0.000000e+00> : vector<256xf32>
    %reduce_sum3A_448 = vector.multi_reduction <add>, %integer_pow3A_446, %reduce_sum3A_447 [1] : vector<256x32xf32> to vector<256xf32>
    %broadcast_in_dim3A_449 = vector.shape_cast %reduce_sum3A_448 : vector<256xf32> to vector<256x1xf32>
    %div3A_450 = arith.constant 3.200000e+01 : f32
    %div3A_451 = vector.broadcast %div3A_450 : f32 to vector<256x1xf32>
    %div3A_452 = arith.divf %broadcast_in_dim3A_449, %div3A_451 : vector<256x1xf32>
    %sub3A_453 = vector.broadcast %div3A_443 : vector<256x1xf32> to vector<256x32xf32>
    %sub3A_454 = arith.subf %add3A_431, %sub3A_453 : vector<256x32xf32>
    %add3A_455 = arith.constant 9.99999974E-6 : f32
    %add3A_456 = vector.broadcast %add3A_455 : f32 to vector<256x1xf32>
    %add3A_457 = arith.addf %div3A_452, %add3A_456 : vector<256x1xf32>
    %sqrt3A_458 = math.sqrt %add3A_457 : vector<256x1xf32>
    %div3A_459 = vector.broadcast %sqrt3A_458 : vector<256x1xf32> to vector<256x32xf32>
    %div3A_460 = arith.divf %sub3A_454, %div3A_459 : vector<256x32xf32>
    %mul3A_461 = vector.broadcast %get3A_434 : vector<1x32xf32> to vector<256x32xf32>
    %mul3A_462 = arith.mulf %div3A_460, %mul3A_461 : vector<256x32xf32>
    %add3A_463 = vector.broadcast %get3A_437 : vector<1x32xf32> to vector<256x32xf32>
    %add3A_464 = arith.addf %mul3A_462, %add3A_463 : vector<256x32xf32>
    %mul3A_465 = arith.constant 0.176776692 : f32
    %mul3A_466 = vector.broadcast %mul3A_465 : f32 to vector<256x32xf32>
    %mul3A_467 = arith.mulf %add3A_464, %mul3A_466 : vector<256x32xf32>
    %add3A_468 = arith.addf %slice3A_396, %add3A_429 : vector<256x32xf32>
    %slice3A_469 = vector.extract_strided_slice %get3A_9 {offsets = [0, 768], sizes = [256, 128], strides = [1, 1]} : vector<256x2048xf32> to vector<256x128xf32>
    %slice3A_470 = vector.extract_strided_slice %slice3A_469 {offsets = [0, 0], sizes = [256, 4], strides = [1, 1]} : vector<256x128xf32> to vector<256x4xf32>
    %slice3A_471 = vector.extract_strided_slice %slice3A_469 {offsets = [0, 4], sizes = [256, 32], strides = [1, 1]} : vector<256x128xf32> to vector<256x32xf32>
    %slice3A_472 = vector.extract_strided_slice %slice3A_469 {offsets = [0, 36], sizes = [256, 32], strides = [1, 1]} : vector<256x128xf32> to vector<256x32xf32>
    %sub3A_473 = arith.subf %slice3A_4, %slice3A_470 : vector<256x4xf32>
    %get3A_474 = arith.constant 0 : index
    %get3A_475 = arith.constant 0 : index
    %get3A_476 = vector.load %arg5[%get3A_474, %get3A_475] : memref<1x4xf32, #tpu.memory_space<vmem>>, vector<1x4xf32>
    %add3A_477 = vector.broadcast %get3A_476 : vector<1x4xf32> to vector<256x4xf32>
    %add3A_478 = arith.addf %sub3A_473, %add3A_477 : vector<256x4xf32>
    %sub3A_479 = vector.broadcast %get3A_12 : vector<1x4xf32> to vector<256x4xf32>
    %sub3A_480 = arith.subf %add3A_478, %sub3A_479 : vector<256x4xf32>
    %mul3A_481 = vector.broadcast %div3A_19 : vector<1x4xf32> to vector<256x4xf32>
    %mul3A_482 = arith.mulf %sub3A_480, %mul3A_481 : vector<256x4xf32>
    %get3A_483 = arith.constant 0 : index
    %get3A_484 = arith.constant 0 : index
    %get3A_485 = vector.load %arg6[%get3A_483, %get3A_484] : memref<1x4xf32, #tpu.memory_space<vmem>>, vector<1x4xf32>
    %mul3A_486 = vector.broadcast %get3A_485 : vector<1x4xf32> to vector<256x4xf32>
    %mul3A_487 = arith.mulf %mul3A_482, %mul3A_486 : vector<256x4xf32>
    %get3A_488 = arith.constant 0 : index
    %get3A_489 = arith.constant 0 : index
    %get3A_490 = vector.load %arg7[%get3A_488, %get3A_489] : memref<1x4xf32, #tpu.memory_space<vmem>>, vector<1x4xf32>
    %add3A_491 = vector.broadcast %get3A_490 : vector<1x4xf32> to vector<256x4xf32>
    %add3A_492 = arith.addf %mul3A_487, %add3A_491 : vector<256x4xf32>
    %max3A_493 = arith.constant 0.000000e+00 : f32
    %max3A_494 = vector.broadcast %max3A_493 : f32 to vector<256x4xf32>
    %max3A_495 = arith.maximumf %add3A_492, %max3A_494 : vector<256x4xf32>
    %get3A_496 = arith.constant 0 : index
    %get3A_497 = arith.constant 0 : index
    %get3A_498 = vector.load %arg8[%get3A_496, %get3A_497] : memref<4x32xf32, #tpu.memory_space<vmem>>, vector<4x32xf32>
    %dot_general3A_499 = arith.constant dense<0.000000e+00> : vector<256x32xf32>
    %dot_general3A_500 = tpu.matmul %max3A_495, %get3A_498, %dot_general3A_499 {dimension_numbers = #tpu.dot_dimension_numbers<[1], [0], [0], [1], [0, 0, 1, 1], [], []>, transpose_lhs_hint = false} : vector<256x4xf32>, vector<4x32xf32>, vector<256x32xf32> -> vector<256x32xf32>
    %get3A_501 = arith.constant 0 : index
    %get3A_502 = arith.constant 0 : index
    %get3A_503 = vector.load %arg9[%get3A_501, %get3A_502] : memref<1x32xf32, #tpu.memory_space<vmem>>, vector<1x32xf32>
    %add3A_504 = vector.broadcast %get3A_503 : vector<1x32xf32> to vector<256x32xf32>
    %add3A_505 = arith.addf %dot_general3A_500, %add3A_504 : vector<256x32xf32>
    %sub3A_506 = arith.subf %slice3A, %slice3A_471 : vector<256x32xf32>
    %add3A_507 = arith.addf %sub3A_506, %add3A_505 : vector<256x32xf32>
    %get3A_508 = arith.constant 0 : index
    %get3A_509 = arith.constant 0 : index
    %get3A_510 = vector.load %arg10[%get3A_508, %get3A_509] : memref<1x32xf32, #tpu.memory_space<vmem>>, vector<1x32xf32>
    %get3A_511 = arith.constant 0 : index
    %get3A_512 = arith.constant 0 : index
    %get3A_513 = vector.load %arg11[%get3A_511, %get3A_512] : memref<1x32xf32, #tpu.memory_space<vmem>>, vector<1x32xf32>
    %reduce_sum3A_514 = arith.constant dense<0.000000e+00> : vector<256xf32>
    %reduce_sum3A_515 = vector.multi_reduction <add>, %add3A_507, %reduce_sum3A_514 [1] : vector<256x32xf32> to vector<256xf32>
    %broadcast_in_dim3A_516 = vector.shape_cast %reduce_sum3A_515 : vector<256xf32> to vector<256x1xf32>
    %div3A_517 = arith.constant 3.200000e+01 : f32
    %div3A_518 = vector.broadcast %div3A_517 : f32 to vector<256x1xf32>
    %div3A_519 = arith.divf %broadcast_in_dim3A_516, %div3A_518 : vector<256x1xf32>
    %sub3A_520 = vector.broadcast %div3A_519 : vector<256x1xf32> to vector<256x32xf32>
    %sub3A_521 = arith.subf %add3A_507, %sub3A_520 : vector<256x32xf32>
    %integer_pow3A_522 = arith.mulf %sub3A_521, %sub3A_521 : vector<256x32xf32>
    %reduce_sum3A_523 = arith.constant dense<0.000000e+00> : vector<256xf32>
    %reduce_sum3A_524 = vector.multi_reduction <add>, %integer_pow3A_522, %reduce_sum3A_523 [1] : vector<256x32xf32> to vector<256xf32>
    %broadcast_in_dim3A_525 = vector.shape_cast %reduce_sum3A_524 : vector<256xf32> to vector<256x1xf32>
    %div3A_526 = arith.constant 3.200000e+01 : f32
    %div3A_527 = vector.broadcast %div3A_526 : f32 to vector<256x1xf32>
    %div3A_528 = arith.divf %broadcast_in_dim3A_525, %div3A_527 : vector<256x1xf32>
    %sub3A_529 = vector.broadcast %div3A_519 : vector<256x1xf32> to vector<256x32xf32>
    %sub3A_530 = arith.subf %add3A_507, %sub3A_529 : vector<256x32xf32>
    %add3A_531 = arith.constant 9.99999974E-6 : f32
    %add3A_532 = vector.broadcast %add3A_531 : f32 to vector<256x1xf32>
    %add3A_533 = arith.addf %div3A_528, %add3A_532 : vector<256x1xf32>
    %sqrt3A_534 = math.sqrt %add3A_533 : vector<256x1xf32>
    %div3A_535 = vector.broadcast %sqrt3A_534 : vector<256x1xf32> to vector<256x32xf32>
    %div3A_536 = arith.divf %sub3A_530, %div3A_535 : vector<256x32xf32>
    %mul3A_537 = vector.broadcast %get3A_510 : vector<1x32xf32> to vector<256x32xf32>
    %mul3A_538 = arith.mulf %div3A_536, %mul3A_537 : vector<256x32xf32>
    %add3A_539 = vector.broadcast %get3A_513 : vector<1x32xf32> to vector<256x32xf32>
    %add3A_540 = arith.addf %mul3A_538, %add3A_539 : vector<256x32xf32>
    %mul3A_541 = arith.constant 0.176776692 : f32
    %mul3A_542 = vector.broadcast %mul3A_541 : f32 to vector<256x32xf32>
    %mul3A_543 = arith.mulf %add3A_540, %mul3A_542 : vector<256x32xf32>
    %add3A_544 = arith.addf %slice3A_472, %add3A_505 : vector<256x32xf32>
    %slice3A_545 = vector.extract_strided_slice %get3A_9 {offsets = [0, 896], sizes = [256, 128], strides = [1, 1]} : vector<256x2048xf32> to vector<256x128xf32>
    %slice3A_546 = vector.extract_strided_slice %slice3A_545 {offsets = [0, 0], sizes = [256, 4], strides = [1, 1]} : vector<256x128xf32> to vector<256x4xf32>
    %slice3A_547 = vector.extract_strided_slice %slice3A_545 {offsets = [0, 4], sizes = [256, 32], strides = [1, 1]} : vector<256x128xf32> to vector<256x32xf32>
    %slice3A_548 = vector.extract_strided_slice %slice3A_545 {offsets = [0, 36], sizes = [256, 32], strides = [1, 1]} : vector<256x128xf32> to vector<256x32xf32>
    %sub3A_549 = arith.subf %slice3A_4, %slice3A_546 : vector<256x4xf32>
    %get3A_550 = arith.constant 0 : index
    %get3A_551 = arith.constant 0 : index
    %get3A_552 = vector.load %arg5[%get3A_550, %get3A_551] : memref<1x4xf32, #tpu.memory_space<vmem>>, vector<1x4xf32>
    %add3A_553 = vector.broadcast %get3A_552 : vector<1x4xf32> to vector<256x4xf32>
    %add3A_554 = arith.addf %sub3A_549, %add3A_553 : vector<256x4xf32>
    %sub3A_555 = vector.broadcast %get3A_12 : vector<1x4xf32> to vector<256x4xf32>
    %sub3A_556 = arith.subf %add3A_554, %sub3A_555 : vector<256x4xf32>
    %mul3A_557 = vector.broadcast %div3A_19 : vector<1x4xf32> to vector<256x4xf32>
    %mul3A_558 = arith.mulf %sub3A_556, %mul3A_557 : vector<256x4xf32>
    %get3A_559 = arith.constant 0 : index
    %get3A_560 = arith.constant 0 : index
    %get3A_561 = vector.load %arg6[%get3A_559, %get3A_560] : memref<1x4xf32, #tpu.memory_space<vmem>>, vector<1x4xf32>
    %mul3A_562 = vector.broadcast %get3A_561 : vector<1x4xf32> to vector<256x4xf32>
    %mul3A_563 = arith.mulf %mul3A_558, %mul3A_562 : vector<256x4xf32>
    %get3A_564 = arith.constant 0 : index
    %get3A_565 = arith.constant 0 : index
    %get3A_566 = vector.load %arg7[%get3A_564, %get3A_565] : memref<1x4xf32, #tpu.memory_space<vmem>>, vector<1x4xf32>
    %add3A_567 = vector.broadcast %get3A_566 : vector<1x4xf32> to vector<256x4xf32>
    %add3A_568 = arith.addf %mul3A_563, %add3A_567 : vector<256x4xf32>
    %max3A_569 = arith.constant 0.000000e+00 : f32
    %max3A_570 = vector.broadcast %max3A_569 : f32 to vector<256x4xf32>
    %max3A_571 = arith.maximumf %add3A_568, %max3A_570 : vector<256x4xf32>
    %get3A_572 = arith.constant 0 : index
    %get3A_573 = arith.constant 0 : index
    %get3A_574 = vector.load %arg8[%get3A_572, %get3A_573] : memref<4x32xf32, #tpu.memory_space<vmem>>, vector<4x32xf32>
    %dot_general3A_575 = arith.constant dense<0.000000e+00> : vector<256x32xf32>
    %dot_general3A_576 = tpu.matmul %max3A_571, %get3A_574, %dot_general3A_575 {dimension_numbers = #tpu.dot_dimension_numbers<[1], [0], [0], [1], [0, 0, 1, 1], [], []>, transpose_lhs_hint = false} : vector<256x4xf32>, vector<4x32xf32>, vector<256x32xf32> -> vector<256x32xf32>
    %get3A_577 = arith.constant 0 : index
    %get3A_578 = arith.constant 0 : index
    %get3A_579 = vector.load %arg9[%get3A_577, %get3A_578] : memref<1x32xf32, #tpu.memory_space<vmem>>, vector<1x32xf32>
    %add3A_580 = vector.broadcast %get3A_579 : vector<1x32xf32> to vector<256x32xf32>
    %add3A_581 = arith.addf %dot_general3A_576, %add3A_580 : vector<256x32xf32>
    %sub3A_582 = arith.subf %slice3A, %slice3A_547 : vector<256x32xf32>
    %add3A_583 = arith.addf %sub3A_582, %add3A_581 : vector<256x32xf32>
    %get3A_584 = arith.constant 0 : index
    %get3A_585 = arith.constant 0 : index
    %get3A_586 = vector.load %arg10[%get3A_584, %get3A_585] : memref<1x32xf32, #tpu.memory_space<vmem>>, vector<1x32xf32>
    %get3A_587 = arith.constant 0 : index
    %get3A_588 = arith.constant 0 : index
    %get3A_589 = vector.load %arg11[%get3A_587, %get3A_588] : memref<1x32xf32, #tpu.memory_space<vmem>>, vector<1x32xf32>
    %reduce_sum3A_590 = arith.constant dense<0.000000e+00> : vector<256xf32>
    %reduce_sum3A_591 = vector.multi_reduction <add>, %add3A_583, %reduce_sum3A_590 [1] : vector<256x32xf32> to vector<256xf32>
    %broadcast_in_dim3A_592 = vector.shape_cast %reduce_sum3A_591 : vector<256xf32> to vector<256x1xf32>
    %div3A_593 = arith.constant 3.200000e+01 : f32
    %div3A_594 = vector.broadcast %div3A_593 : f32 to vector<256x1xf32>
    %div3A_595 = arith.divf %broadcast_in_dim3A_592, %div3A_594 : vector<256x1xf32>
    %sub3A_596 = vector.broadcast %div3A_595 : vector<256x1xf32> to vector<256x32xf32>
    %sub3A_597 = arith.subf %add3A_583, %sub3A_596 : vector<256x32xf32>
    %integer_pow3A_598 = arith.mulf %sub3A_597, %sub3A_597 : vector<256x32xf32>
    %reduce_sum3A_599 = arith.constant dense<0.000000e+00> : vector<256xf32>
    %reduce_sum3A_600 = vector.multi_reduction <add>, %integer_pow3A_598, %reduce_sum3A_599 [1] : vector<256x32xf32> to vector<256xf32>
    %broadcast_in_dim3A_601 = vector.shape_cast %reduce_sum3A_600 : vector<256xf32> to vector<256x1xf32>
    %div3A_602 = arith.constant 3.200000e+01 : f32
    %div3A_603 = vector.broadcast %div3A_602 : f32 to vector<256x1xf32>
    %div3A_604 = arith.divf %broadcast_in_dim3A_601, %div3A_603 : vector<256x1xf32>
    %sub3A_605 = vector.broadcast %div3A_595 : vector<256x1xf32> to vector<256x32xf32>
    %sub3A_606 = arith.subf %add3A_583, %sub3A_605 : vector<256x32xf32>
    %add3A_607 = arith.constant 9.99999974E-6 : f32
    %add3A_608 = vector.broadcast %add3A_607 : f32 to vector<256x1xf32>
    %add3A_609 = arith.addf %div3A_604, %add3A_608 : vector<256x1xf32>
    %sqrt3A_610 = math.sqrt %add3A_609 : vector<256x1xf32>
    %div3A_611 = vector.broadcast %sqrt3A_610 : vector<256x1xf32> to vector<256x32xf32>
    %div3A_612 = arith.divf %sub3A_606, %div3A_611 : vector<256x32xf32>
    %mul3A_613 = vector.broadcast %get3A_586 : vector<1x32xf32> to vector<256x32xf32>
    %mul3A_614 = arith.mulf %div3A_612, %mul3A_613 : vector<256x32xf32>
    %add3A_615 = vector.broadcast %get3A_589 : vector<1x32xf32> to vector<256x32xf32>
    %add3A_616 = arith.addf %mul3A_614, %add3A_615 : vector<256x32xf32>
    %mul3A_617 = arith.constant 0.176776692 : f32
    %mul3A_618 = vector.broadcast %mul3A_617 : f32 to vector<256x32xf32>
    %mul3A_619 = arith.mulf %add3A_616, %mul3A_618 : vector<256x32xf32>
    %add3A_620 = arith.addf %slice3A_548, %add3A_581 : vector<256x32xf32>
    %slice3A_621 = vector.extract_strided_slice %get3A_9 {offsets = [0, 1024], sizes = [256, 128], strides = [1, 1]} : vector<256x2048xf32> to vector<256x128xf32>
    %slice3A_622 = vector.extract_strided_slice %slice3A_621 {offsets = [0, 0], sizes = [256, 4], strides = [1, 1]} : vector<256x128xf32> to vector<256x4xf32>
    %slice3A_623 = vector.extract_strided_slice %slice3A_621 {offsets = [0, 4], sizes = [256, 32], strides = [1, 1]} : vector<256x128xf32> to vector<256x32xf32>
    %slice3A_624 = vector.extract_strided_slice %slice3A_621 {offsets = [0, 36], sizes = [256, 32], strides = [1, 1]} : vector<256x128xf32> to vector<256x32xf32>
    %sub3A_625 = arith.subf %slice3A_4, %slice3A_622 : vector<256x4xf32>
    %get3A_626 = arith.constant 0 : index
    %get3A_627 = arith.constant 0 : index
    %get3A_628 = vector.load %arg5[%get3A_626, %get3A_627] : memref<1x4xf32, #tpu.memory_space<vmem>>, vector<1x4xf32>
    %add3A_629 = vector.broadcast %get3A_628 : vector<1x4xf32> to vector<256x4xf32>
    %add3A_630 = arith.addf %sub3A_625, %add3A_629 : vector<256x4xf32>
    %sub3A_631 = vector.broadcast %get3A_12 : vector<1x4xf32> to vector<256x4xf32>
    %sub3A_632 = arith.subf %add3A_630, %sub3A_631 : vector<256x4xf32>
    %mul3A_633 = vector.broadcast %div3A_19 : vector<1x4xf32> to vector<256x4xf32>
    %mul3A_634 = arith.mulf %sub3A_632, %mul3A_633 : vector<256x4xf32>
    %get3A_635 = arith.constant 0 : index
    %get3A_636 = arith.constant 0 : index
    %get3A_637 = vector.load %arg6[%get3A_635, %get3A_636] : memref<1x4xf32, #tpu.memory_space<vmem>>, vector<1x4xf32>
    %mul3A_638 = vector.broadcast %get3A_637 : vector<1x4xf32> to vector<256x4xf32>
    %mul3A_639 = arith.mulf %mul3A_634, %mul3A_638 : vector<256x4xf32>
    %get3A_640 = arith.constant 0 : index
    %get3A_641 = arith.constant 0 : index
    %get3A_642 = vector.load %arg7[%get3A_640, %get3A_641] : memref<1x4xf32, #tpu.memory_space<vmem>>, vector<1x4xf32>
    %add3A_643 = vector.broadcast %get3A_642 : vector<1x4xf32> to vector<256x4xf32>
    %add3A_644 = arith.addf %mul3A_639, %add3A_643 : vector<256x4xf32>
    %max3A_645 = arith.constant 0.000000e+00 : f32
    %max3A_646 = vector.broadcast %max3A_645 : f32 to vector<256x4xf32>
    %max3A_647 = arith.maximumf %add3A_644, %max3A_646 : vector<256x4xf32>
    %get3A_648 = arith.constant 0 : index
    %get3A_649 = arith.constant 0 : index
    %get3A_650 = vector.load %arg8[%get3A_648, %get3A_649] : memref<4x32xf32, #tpu.memory_space<vmem>>, vector<4x32xf32>
    %dot_general3A_651 = arith.constant dense<0.000000e+00> : vector<256x32xf32>
    %dot_general3A_652 = tpu.matmul %max3A_647, %get3A_650, %dot_general3A_651 {dimension_numbers = #tpu.dot_dimension_numbers<[1], [0], [0], [1], [0, 0, 1, 1], [], []>, transpose_lhs_hint = false} : vector<256x4xf32>, vector<4x32xf32>, vector<256x32xf32> -> vector<256x32xf32>
    %get3A_653 = arith.constant 0 : index
    %get3A_654 = arith.constant 0 : index
    %get3A_655 = vector.load %arg9[%get3A_653, %get3A_654] : memref<1x32xf32, #tpu.memory_space<vmem>>, vector<1x32xf32>
    %add3A_656 = vector.broadcast %get3A_655 : vector<1x32xf32> to vector<256x32xf32>
    %add3A_657 = arith.addf %dot_general3A_652, %add3A_656 : vector<256x32xf32>
    %sub3A_658 = arith.subf %slice3A, %slice3A_623 : vector<256x32xf32>
    %add3A_659 = arith.addf %sub3A_658, %add3A_657 : vector<256x32xf32>
    %get3A_660 = arith.constant 0 : index
    %get3A_661 = arith.constant 0 : index
    %get3A_662 = vector.load %arg10[%get3A_660, %get3A_661] : memref<1x32xf32, #tpu.memory_space<vmem>>, vector<1x32xf32>
    %get3A_663 = arith.constant 0 : index
    %get3A_664 = arith.constant 0 : index
    %get3A_665 = vector.load %arg11[%get3A_663, %get3A_664] : memref<1x32xf32, #tpu.memory_space<vmem>>, vector<1x32xf32>
    %reduce_sum3A_666 = arith.constant dense<0.000000e+00> : vector<256xf32>
    %reduce_sum3A_667 = vector.multi_reduction <add>, %add3A_659, %reduce_sum3A_666 [1] : vector<256x32xf32> to vector<256xf32>
    %broadcast_in_dim3A_668 = vector.shape_cast %reduce_sum3A_667 : vector<256xf32> to vector<256x1xf32>
    %div3A_669 = arith.constant 3.200000e+01 : f32
    %div3A_670 = vector.broadcast %div3A_669 : f32 to vector<256x1xf32>
    %div3A_671 = arith.divf %broadcast_in_dim3A_668, %div3A_670 : vector<256x1xf32>
    %sub3A_672 = vector.broadcast %div3A_671 : vector<256x1xf32> to vector<256x32xf32>
    %sub3A_673 = arith.subf %add3A_659, %sub3A_672 : vector<256x32xf32>
    %integer_pow3A_674 = arith.mulf %sub3A_673, %sub3A_673 : vector<256x32xf32>
    %reduce_sum3A_675 = arith.constant dense<0.000000e+00> : vector<256xf32>
    %reduce_sum3A_676 = vector.multi_reduction <add>, %integer_pow3A_674, %reduce_sum3A_675 [1] : vector<256x32xf32> to vector<256xf32>
    %broadcast_in_dim3A_677 = vector.shape_cast %reduce_sum3A_676 : vector<256xf32> to vector<256x1xf32>
    %div3A_678 = arith.constant 3.200000e+01 : f32
    %div3A_679 = vector.broadcast %div3A_678 : f32 to vector<256x1xf32>
    %div3A_680 = arith.divf %broadcast_in_dim3A_677, %div3A_679 : vector<256x1xf32>
    %sub3A_681 = vector.broadcast %div3A_671 : vector<256x1xf32> to vector<256x32xf32>
    %sub3A_682 = arith.subf %add3A_659, %sub3A_681 : vector<256x32xf32>
    %add3A_683 = arith.constant 9.99999974E-6 : f32
    %add3A_684 = vector.broadcast %add3A_683 : f32 to vector<256x1xf32>
    %add3A_685 = arith.addf %div3A_680, %add3A_684 : vector<256x1xf32>
    %sqrt3A_686 = math.sqrt %add3A_685 : vector<256x1xf32>
    %div3A_687 = vector.broadcast %sqrt3A_686 : vector<256x1xf32> to vector<256x32xf32>
    %div3A_688 = arith.divf %sub3A_682, %div3A_687 : vector<256x32xf32>
    %mul3A_689 = vector.broadcast %get3A_662 : vector<1x32xf32> to vector<256x32xf32>
    %mul3A_690 = arith.mulf %div3A_688, %mul3A_689 : vector<256x32xf32>
    %add3A_691 = vector.broadcast %get3A_665 : vector<1x32xf32> to vector<256x32xf32>
    %add3A_692 = arith.addf %mul3A_690, %add3A_691 : vector<256x32xf32>
    %mul3A_693 = arith.constant 0.176776692 : f32
    %mul3A_694 = vector.broadcast %mul3A_693 : f32 to vector<256x32xf32>
    %mul3A_695 = arith.mulf %add3A_692, %mul3A_694 : vector<256x32xf32>
    %add3A_696 = arith.addf %slice3A_624, %add3A_657 : vector<256x32xf32>
    %slice3A_697 = vector.extract_strided_slice %get3A_9 {offsets = [0, 1152], sizes = [256, 128], strides = [1, 1]} : vector<256x2048xf32> to vector<256x128xf32>
    %slice3A_698 = vector.extract_strided_slice %slice3A_697 {offsets = [0, 0], sizes = [256, 4], strides = [1, 1]} : vector<256x128xf32> to vector<256x4xf32>
    %slice3A_699 = vector.extract_strided_slice %slice3A_697 {offsets = [0, 4], sizes = [256, 32], strides = [1, 1]} : vector<256x128xf32> to vector<256x32xf32>
    %slice3A_700 = vector.extract_strided_slice %slice3A_697 {offsets = [0, 36], sizes = [256, 32], strides = [1, 1]} : vector<256x128xf32> to vector<256x32xf32>
    %sub3A_701 = arith.subf %slice3A_4, %slice3A_698 : vector<256x4xf32>
    %get3A_702 = arith.constant 0 : index
    %get3A_703 = arith.constant 0 : index
    %get3A_704 = vector.load %arg5[%get3A_702, %get3A_703] : memref<1x4xf32, #tpu.memory_space<vmem>>, vector<1x4xf32>
    %add3A_705 = vector.broadcast %get3A_704 : vector<1x4xf32> to vector<256x4xf32>
    %add3A_706 = arith.addf %sub3A_701, %add3A_705 : vector<256x4xf32>
    %sub3A_707 = vector.broadcast %get3A_12 : vector<1x4xf32> to vector<256x4xf32>
    %sub3A_708 = arith.subf %add3A_706, %sub3A_707 : vector<256x4xf32>
    %mul3A_709 = vector.broadcast %div3A_19 : vector<1x4xf32> to vector<256x4xf32>
    %mul3A_710 = arith.mulf %sub3A_708, %mul3A_709 : vector<256x4xf32>
    %get3A_711 = arith.constant 0 : index
    %get3A_712 = arith.constant 0 : index
    %get3A_713 = vector.load %arg6[%get3A_711, %get3A_712] : memref<1x4xf32, #tpu.memory_space<vmem>>, vector<1x4xf32>
    %mul3A_714 = vector.broadcast %get3A_713 : vector<1x4xf32> to vector<256x4xf32>
    %mul3A_715 = arith.mulf %mul3A_710, %mul3A_714 : vector<256x4xf32>
    %get3A_716 = arith.constant 0 : index
    %get3A_717 = arith.constant 0 : index
    %get3A_718 = vector.load %arg7[%get3A_716, %get3A_717] : memref<1x4xf32, #tpu.memory_space<vmem>>, vector<1x4xf32>
    %add3A_719 = vector.broadcast %get3A_718 : vector<1x4xf32> to vector<256x4xf32>
    %add3A_720 = arith.addf %mul3A_715, %add3A_719 : vector<256x4xf32>
    %max3A_721 = arith.constant 0.000000e+00 : f32
    %max3A_722 = vector.broadcast %max3A_721 : f32 to vector<256x4xf32>
    %max3A_723 = arith.maximumf %add3A_720, %max3A_722 : vector<256x4xf32>
    %get3A_724 = arith.constant 0 : index
    %get3A_725 = arith.constant 0 : index
    %get3A_726 = vector.load %arg8[%get3A_724, %get3A_725] : memref<4x32xf32, #tpu.memory_space<vmem>>, vector<4x32xf32>
    %dot_general3A_727 = arith.constant dense<0.000000e+00> : vector<256x32xf32>
    %dot_general3A_728 = tpu.matmul %max3A_723, %get3A_726, %dot_general3A_727 {dimension_numbers = #tpu.dot_dimension_numbers<[1], [0], [0], [1], [0, 0, 1, 1], [], []>, transpose_lhs_hint = false} : vector<256x4xf32>, vector<4x32xf32>, vector<256x32xf32> -> vector<256x32xf32>
    %get3A_729 = arith.constant 0 : index
    %get3A_730 = arith.constant 0 : index
    %get3A_731 = vector.load %arg9[%get3A_729, %get3A_730] : memref<1x32xf32, #tpu.memory_space<vmem>>, vector<1x32xf32>
    %add3A_732 = vector.broadcast %get3A_731 : vector<1x32xf32> to vector<256x32xf32>
    %add3A_733 = arith.addf %dot_general3A_728, %add3A_732 : vector<256x32xf32>
    %sub3A_734 = arith.subf %slice3A, %slice3A_699 : vector<256x32xf32>
    %add3A_735 = arith.addf %sub3A_734, %add3A_733 : vector<256x32xf32>
    %get3A_736 = arith.constant 0 : index
    %get3A_737 = arith.constant 0 : index
    %get3A_738 = vector.load %arg10[%get3A_736, %get3A_737] : memref<1x32xf32, #tpu.memory_space<vmem>>, vector<1x32xf32>
    %get3A_739 = arith.constant 0 : index
    %get3A_740 = arith.constant 0 : index
    %get3A_741 = vector.load %arg11[%get3A_739, %get3A_740] : memref<1x32xf32, #tpu.memory_space<vmem>>, vector<1x32xf32>
    %reduce_sum3A_742 = arith.constant dense<0.000000e+00> : vector<256xf32>
    %reduce_sum3A_743 = vector.multi_reduction <add>, %add3A_735, %reduce_sum3A_742 [1] : vector<256x32xf32> to vector<256xf32>
    %broadcast_in_dim3A_744 = vector.shape_cast %reduce_sum3A_743 : vector<256xf32> to vector<256x1xf32>
    %div3A_745 = arith.constant 3.200000e+01 : f32
    %div3A_746 = vector.broadcast %div3A_745 : f32 to vector<256x1xf32>
    %div3A_747 = arith.divf %broadcast_in_dim3A_744, %div3A_746 : vector<256x1xf32>
    %sub3A_748 = vector.broadcast %div3A_747 : vector<256x1xf32> to vector<256x32xf32>
    %sub3A_749 = arith.subf %add3A_735, %sub3A_748 : vector<256x32xf32>
    %integer_pow3A_750 = arith.mulf %sub3A_749, %sub3A_749 : vector<256x32xf32>
    %reduce_sum3A_751 = arith.constant dense<0.000000e+00> : vector<256xf32>
    %reduce_sum3A_752 = vector.multi_reduction <add>, %integer_pow3A_750, %reduce_sum3A_751 [1] : vector<256x32xf32> to vector<256xf32>
    %broadcast_in_dim3A_753 = vector.shape_cast %reduce_sum3A_752 : vector<256xf32> to vector<256x1xf32>
    %div3A_754 = arith.constant 3.200000e+01 : f32
    %div3A_755 = vector.broadcast %div3A_754 : f32 to vector<256x1xf32>
    %div3A_756 = arith.divf %broadcast_in_dim3A_753, %div3A_755 : vector<256x1xf32>
    %sub3A_757 = vector.broadcast %div3A_747 : vector<256x1xf32> to vector<256x32xf32>
    %sub3A_758 = arith.subf %add3A_735, %sub3A_757 : vector<256x32xf32>
    %add3A_759 = arith.constant 9.99999974E-6 : f32
    %add3A_760 = vector.broadcast %add3A_759 : f32 to vector<256x1xf32>
    %add3A_761 = arith.addf %div3A_756, %add3A_760 : vector<256x1xf32>
    %sqrt3A_762 = math.sqrt %add3A_761 : vector<256x1xf32>
    %div3A_763 = vector.broadcast %sqrt3A_762 : vector<256x1xf32> to vector<256x32xf32>
    %div3A_764 = arith.divf %sub3A_758, %div3A_763 : vector<256x32xf32>
    %mul3A_765 = vector.broadcast %get3A_738 : vector<1x32xf32> to vector<256x32xf32>
    %mul3A_766 = arith.mulf %div3A_764, %mul3A_765 : vector<256x32xf32>
    %add3A_767 = vector.broadcast %get3A_741 : vector<1x32xf32> to vector<256x32xf32>
    %add3A_768 = arith.addf %mul3A_766, %add3A_767 : vector<256x32xf32>
    %mul3A_769 = arith.constant 0.176776692 : f32
    %mul3A_770 = vector.broadcast %mul3A_769 : f32 to vector<256x32xf32>
    %mul3A_771 = arith.mulf %add3A_768, %mul3A_770 : vector<256x32xf32>
    %add3A_772 = arith.addf %slice3A_700, %add3A_733 : vector<256x32xf32>
    %slice3A_773 = vector.extract_strided_slice %get3A_9 {offsets = [0, 1280], sizes = [256, 128], strides = [1, 1]} : vector<256x2048xf32> to vector<256x128xf32>
    %slice3A_774 = vector.extract_strided_slice %slice3A_773 {offsets = [0, 0], sizes = [256, 4], strides = [1, 1]} : vector<256x128xf32> to vector<256x4xf32>
    %slice3A_775 = vector.extract_strided_slice %slice3A_773 {offsets = [0, 4], sizes = [256, 32], strides = [1, 1]} : vector<256x128xf32> to vector<256x32xf32>
    %slice3A_776 = vector.extract_strided_slice %slice3A_773 {offsets = [0, 36], sizes = [256, 32], strides = [1, 1]} : vector<256x128xf32> to vector<256x32xf32>
    %sub3A_777 = arith.subf %slice3A_4, %slice3A_774 : vector<256x4xf32>
    %get3A_778 = arith.constant 0 : index
    %get3A_779 = arith.constant 0 : index
    %get3A_780 = vector.load %arg5[%get3A_778, %get3A_779] : memref<1x4xf32, #tpu.memory_space<vmem>>, vector<1x4xf32>
    %add3A_781 = vector.broadcast %get3A_780 : vector<1x4xf32> to vector<256x4xf32>
    %add3A_782 = arith.addf %sub3A_777, %add3A_781 : vector<256x4xf32>
    %sub3A_783 = vector.broadcast %get3A_12 : vector<1x4xf32> to vector<256x4xf32>
    %sub3A_784 = arith.subf %add3A_782, %sub3A_783 : vector<256x4xf32>
    %mul3A_785 = vector.broadcast %div3A_19 : vector<1x4xf32> to vector<256x4xf32>
    %mul3A_786 = arith.mulf %sub3A_784, %mul3A_785 : vector<256x4xf32>
    %get3A_787 = arith.constant 0 : index
    %get3A_788 = arith.constant 0 : index
    %get3A_789 = vector.load %arg6[%get3A_787, %get3A_788] : memref<1x4xf32, #tpu.memory_space<vmem>>, vector<1x4xf32>
    %mul3A_790 = vector.broadcast %get3A_789 : vector<1x4xf32> to vector<256x4xf32>
    %mul3A_791 = arith.mulf %mul3A_786, %mul3A_790 : vector<256x4xf32>
    %get3A_792 = arith.constant 0 : index
    %get3A_793 = arith.constant 0 : index
    %get3A_794 = vector.load %arg7[%get3A_792, %get3A_793] : memref<1x4xf32, #tpu.memory_space<vmem>>, vector<1x4xf32>
    %add3A_795 = vector.broadcast %get3A_794 : vector<1x4xf32> to vector<256x4xf32>
    %add3A_796 = arith.addf %mul3A_791, %add3A_795 : vector<256x4xf32>
    %max3A_797 = arith.constant 0.000000e+00 : f32
    %max3A_798 = vector.broadcast %max3A_797 : f32 to vector<256x4xf32>
    %max3A_799 = arith.maximumf %add3A_796, %max3A_798 : vector<256x4xf32>
    %get3A_800 = arith.constant 0 : index
    %get3A_801 = arith.constant 0 : index
    %get3A_802 = vector.load %arg8[%get3A_800, %get3A_801] : memref<4x32xf32, #tpu.memory_space<vmem>>, vector<4x32xf32>
    %dot_general3A_803 = arith.constant dense<0.000000e+00> : vector<256x32xf32>
    %dot_general3A_804 = tpu.matmul %max3A_799, %get3A_802, %dot_general3A_803 {dimension_numbers = #tpu.dot_dimension_numbers<[1], [0], [0], [1], [0, 0, 1, 1], [], []>, transpose_lhs_hint = false} : vector<256x4xf32>, vector<4x32xf32>, vector<256x32xf32> -> vector<256x32xf32>
    %get3A_805 = arith.constant 0 : index
    %get3A_806 = arith.constant 0 : index
    %get3A_807 = vector.load %arg9[%get3A_805, %get3A_806] : memref<1x32xf32, #tpu.memory_space<vmem>>, vector<1x32xf32>
    %add3A_808 = vector.broadcast %get3A_807 : vector<1x32xf32> to vector<256x32xf32>
    %add3A_809 = arith.addf %dot_general3A_804, %add3A_808 : vector<256x32xf32>
    %sub3A_810 = arith.subf %slice3A, %slice3A_775 : vector<256x32xf32>
    %add3A_811 = arith.addf %sub3A_810, %add3A_809 : vector<256x32xf32>
    %get3A_812 = arith.constant 0 : index
    %get3A_813 = arith.constant 0 : index
    %get3A_814 = vector.load %arg10[%get3A_812, %get3A_813] : memref<1x32xf32, #tpu.memory_space<vmem>>, vector<1x32xf32>
    %get3A_815 = arith.constant 0 : index
    %get3A_816 = arith.constant 0 : index
    %get3A_817 = vector.load %arg11[%get3A_815, %get3A_816] : memref<1x32xf32, #tpu.memory_space<vmem>>, vector<1x32xf32>
    %reduce_sum3A_818 = arith.constant dense<0.000000e+00> : vector<256xf32>
    %reduce_sum3A_819 = vector.multi_reduction <add>, %add3A_811, %reduce_sum3A_818 [1] : vector<256x32xf32> to vector<256xf32>
    %broadcast_in_dim3A_820 = vector.shape_cast %reduce_sum3A_819 : vector<256xf32> to vector<256x1xf32>
    %div3A_821 = arith.constant 3.200000e+01 : f32
    %div3A_822 = vector.broadcast %div3A_821 : f32 to vector<256x1xf32>
    %div3A_823 = arith.divf %broadcast_in_dim3A_820, %div3A_822 : vector<256x1xf32>
    %sub3A_824 = vector.broadcast %div3A_823 : vector<256x1xf32> to vector<256x32xf32>
    %sub3A_825 = arith.subf %add3A_811, %sub3A_824 : vector<256x32xf32>
    %integer_pow3A_826 = arith.mulf %sub3A_825, %sub3A_825 : vector<256x32xf32>
    %reduce_sum3A_827 = arith.constant dense<0.000000e+00> : vector<256xf32>
    %reduce_sum3A_828 = vector.multi_reduction <add>, %integer_pow3A_826, %reduce_sum3A_827 [1] : vector<256x32xf32> to vector<256xf32>
    %broadcast_in_dim3A_829 = vector.shape_cast %reduce_sum3A_828 : vector<256xf32> to vector<256x1xf32>
    %div3A_830 = arith.constant 3.200000e+01 : f32
    %div3A_831 = vector.broadcast %div3A_830 : f32 to vector<256x1xf32>
    %div3A_832 = arith.divf %broadcast_in_dim3A_829, %div3A_831 : vector<256x1xf32>
    %sub3A_833 = vector.broadcast %div3A_823 : vector<256x1xf32> to vector<256x32xf32>
    %sub3A_834 = arith.subf %add3A_811, %sub3A_833 : vector<256x32xf32>
    %add3A_835 = arith.constant 9.99999974E-6 : f32
    %add3A_836 = vector.broadcast %add3A_835 : f32 to vector<256x1xf32>
    %add3A_837 = arith.addf %div3A_832, %add3A_836 : vector<256x1xf32>
    %sqrt3A_838 = math.sqrt %add3A_837 : vector<256x1xf32>
    %div3A_839 = vector.broadcast %sqrt3A_838 : vector<256x1xf32> to vector<256x32xf32>
    %div3A_840 = arith.divf %sub3A_834, %div3A_839 : vector<256x32xf32>
    %mul3A_841 = vector.broadcast %get3A_814 : vector<1x32xf32> to vector<256x32xf32>
    %mul3A_842 = arith.mulf %div3A_840, %mul3A_841 : vector<256x32xf32>
    %add3A_843 = vector.broadcast %get3A_817 : vector<1x32xf32> to vector<256x32xf32>
    %add3A_844 = arith.addf %mul3A_842, %add3A_843 : vector<256x32xf32>
    %mul3A_845 = arith.constant 0.176776692 : f32
    %mul3A_846 = vector.broadcast %mul3A_845 : f32 to vector<256x32xf32>
    %mul3A_847 = arith.mulf %add3A_844, %mul3A_846 : vector<256x32xf32>
    %add3A_848 = arith.addf %slice3A_776, %add3A_809 : vector<256x32xf32>
    %slice3A_849 = vector.extract_strided_slice %get3A_9 {offsets = [0, 1408], sizes = [256, 128], strides = [1, 1]} : vector<256x2048xf32> to vector<256x128xf32>
    %slice3A_850 = vector.extract_strided_slice %slice3A_849 {offsets = [0, 0], sizes = [256, 4], strides = [1, 1]} : vector<256x128xf32> to vector<256x4xf32>
    %slice3A_851 = vector.extract_strided_slice %slice3A_849 {offsets = [0, 4], sizes = [256, 32], strides = [1, 1]} : vector<256x128xf32> to vector<256x32xf32>
    %slice3A_852 = vector.extract_strided_slice %slice3A_849 {offsets = [0, 36], sizes = [256, 32], strides = [1, 1]} : vector<256x128xf32> to vector<256x32xf32>
    %sub3A_853 = arith.subf %slice3A_4, %slice3A_850 : vector<256x4xf32>
    %get3A_854 = arith.constant 0 : index
    %get3A_855 = arith.constant 0 : index
    %get3A_856 = vector.load %arg5[%get3A_854, %get3A_855] : memref<1x4xf32, #tpu.memory_space<vmem>>, vector<1x4xf32>
    %add3A_857 = vector.broadcast %get3A_856 : vector<1x4xf32> to vector<256x4xf32>
    %add3A_858 = arith.addf %sub3A_853, %add3A_857 : vector<256x4xf32>
    %sub3A_859 = vector.broadcast %get3A_12 : vector<1x4xf32> to vector<256x4xf32>
    %sub3A_860 = arith.subf %add3A_858, %sub3A_859 : vector<256x4xf32>
    %mul3A_861 = vector.broadcast %div3A_19 : vector<1x4xf32> to vector<256x4xf32>
    %mul3A_862 = arith.mulf %sub3A_860, %mul3A_861 : vector<256x4xf32>
    %get3A_863 = arith.constant 0 : index
    %get3A_864 = arith.constant 0 : index
    %get3A_865 = vector.load %arg6[%get3A_863, %get3A_864] : memref<1x4xf32, #tpu.memory_space<vmem>>, vector<1x4xf32>
    %mul3A_866 = vector.broadcast %get3A_865 : vector<1x4xf32> to vector<256x4xf32>
    %mul3A_867 = arith.mulf %mul3A_862, %mul3A_866 : vector<256x4xf32>
    %get3A_868 = arith.constant 0 : index
    %get3A_869 = arith.constant 0 : index
    %get3A_870 = vector.load %arg7[%get3A_868, %get3A_869] : memref<1x4xf32, #tpu.memory_space<vmem>>, vector<1x4xf32>
    %add3A_871 = vector.broadcast %get3A_870 : vector<1x4xf32> to vector<256x4xf32>
    %add3A_872 = arith.addf %mul3A_867, %add3A_871 : vector<256x4xf32>
    %max3A_873 = arith.constant 0.000000e+00 : f32
    %max3A_874 = vector.broadcast %max3A_873 : f32 to vector<256x4xf32>
    %max3A_875 = arith.maximumf %add3A_872, %max3A_874 : vector<256x4xf32>
    %get3A_876 = arith.constant 0 : index
    %get3A_877 = arith.constant 0 : index
    %get3A_878 = vector.load %arg8[%get3A_876, %get3A_877] : memref<4x32xf32, #tpu.memory_space<vmem>>, vector<4x32xf32>
    %dot_general3A_879 = arith.constant dense<0.000000e+00> : vector<256x32xf32>
    %dot_general3A_880 = tpu.matmul %max3A_875, %get3A_878, %dot_general3A_879 {dimension_numbers = #tpu.dot_dimension_numbers<[1], [0], [0], [1], [0, 0, 1, 1], [], []>, transpose_lhs_hint = false} : vector<256x4xf32>, vector<4x32xf32>, vector<256x32xf32> -> vector<256x32xf32>
    %get3A_881 = arith.constant 0 : index
    %get3A_882 = arith.constant 0 : index
    %get3A_883 = vector.load %arg9[%get3A_881, %get3A_882] : memref<1x32xf32, #tpu.memory_space<vmem>>, vector<1x32xf32>
    %add3A_884 = vector.broadcast %get3A_883 : vector<1x32xf32> to vector<256x32xf32>
    %add3A_885 = arith.addf %dot_general3A_880, %add3A_884 : vector<256x32xf32>
    %sub3A_886 = arith.subf %slice3A, %slice3A_851 : vector<256x32xf32>
    %add3A_887 = arith.addf %sub3A_886, %add3A_885 : vector<256x32xf32>
    %get3A_888 = arith.constant 0 : index
    %get3A_889 = arith.constant 0 : index
    %get3A_890 = vector.load %arg10[%get3A_888, %get3A_889] : memref<1x32xf32, #tpu.memory_space<vmem>>, vector<1x32xf32>
    %get3A_891 = arith.constant 0 : index
    %get3A_892 = arith.constant 0 : index
    %get3A_893 = vector.load %arg11[%get3A_891, %get3A_892] : memref<1x32xf32, #tpu.memory_space<vmem>>, vector<1x32xf32>
    %reduce_sum3A_894 = arith.constant dense<0.000000e+00> : vector<256xf32>
    %reduce_sum3A_895 = vector.multi_reduction <add>, %add3A_887, %reduce_sum3A_894 [1] : vector<256x32xf32> to vector<256xf32>
    %broadcast_in_dim3A_896 = vector.shape_cast %reduce_sum3A_895 : vector<256xf32> to vector<256x1xf32>
    %div3A_897 = arith.constant 3.200000e+01 : f32
    %div3A_898 = vector.broadcast %div3A_897 : f32 to vector<256x1xf32>
    %div3A_899 = arith.divf %broadcast_in_dim3A_896, %div3A_898 : vector<256x1xf32>
    %sub3A_900 = vector.broadcast %div3A_899 : vector<256x1xf32> to vector<256x32xf32>
    %sub3A_901 = arith.subf %add3A_887, %sub3A_900 : vector<256x32xf32>
    %integer_pow3A_902 = arith.mulf %sub3A_901, %sub3A_901 : vector<256x32xf32>
    %reduce_sum3A_903 = arith.constant dense<0.000000e+00> : vector<256xf32>
    %reduce_sum3A_904 = vector.multi_reduction <add>, %integer_pow3A_902, %reduce_sum3A_903 [1] : vector<256x32xf32> to vector<256xf32>
    %broadcast_in_dim3A_905 = vector.shape_cast %reduce_sum3A_904 : vector<256xf32> to vector<256x1xf32>
    %div3A_906 = arith.constant 3.200000e+01 : f32
    %div3A_907 = vector.broadcast %div3A_906 : f32 to vector<256x1xf32>
    %div3A_908 = arith.divf %broadcast_in_dim3A_905, %div3A_907 : vector<256x1xf32>
    %sub3A_909 = vector.broadcast %div3A_899 : vector<256x1xf32> to vector<256x32xf32>
    %sub3A_910 = arith.subf %add3A_887, %sub3A_909 : vector<256x32xf32>
    %add3A_911 = arith.constant 9.99999974E-6 : f32
    %add3A_912 = vector.broadcast %add3A_911 : f32 to vector<256x1xf32>
    %add3A_913 = arith.addf %div3A_908, %add3A_912 : vector<256x1xf32>
    %sqrt3A_914 = math.sqrt %add3A_913 : vector<256x1xf32>
    %div3A_915 = vector.broadcast %sqrt3A_914 : vector<256x1xf32> to vector<256x32xf32>
    %div3A_916 = arith.divf %sub3A_910, %div3A_915 : vector<256x32xf32>
    %mul3A_917 = vector.broadcast %get3A_890 : vector<1x32xf32> to vector<256x32xf32>
    %mul3A_918 = arith.mulf %div3A_916, %mul3A_917 : vector<256x32xf32>
    %add3A_919 = vector.broadcast %get3A_893 : vector<1x32xf32> to vector<256x32xf32>
    %add3A_920 = arith.addf %mul3A_918, %add3A_919 : vector<256x32xf32>
    %mul3A_921 = arith.constant 0.176776692 : f32
    %mul3A_922 = vector.broadcast %mul3A_921 : f32 to vector<256x32xf32>
    %mul3A_923 = arith.mulf %add3A_920, %mul3A_922 : vector<256x32xf32>
    %add3A_924 = arith.addf %slice3A_852, %add3A_885 : vector<256x32xf32>
    %slice3A_925 = vector.extract_strided_slice %get3A_9 {offsets = [0, 1536], sizes = [256, 128], strides = [1, 1]} : vector<256x2048xf32> to vector<256x128xf32>
    %slice3A_926 = vector.extract_strided_slice %slice3A_925 {offsets = [0, 0], sizes = [256, 4], strides = [1, 1]} : vector<256x128xf32> to vector<256x4xf32>
    %slice3A_927 = vector.extract_strided_slice %slice3A_925 {offsets = [0, 4], sizes = [256, 32], strides = [1, 1]} : vector<256x128xf32> to vector<256x32xf32>
    %slice3A_928 = vector.extract_strided_slice %slice3A_925 {offsets = [0, 36], sizes = [256, 32], strides = [1, 1]} : vector<256x128xf32> to vector<256x32xf32>
    %sub3A_929 = arith.subf %slice3A_4, %slice3A_926 : vector<256x4xf32>
    %get3A_930 = arith.constant 0 : index
    %get3A_931 = arith.constant 0 : index
    %get3A_932 = vector.load %arg5[%get3A_930, %get3A_931] : memref<1x4xf32, #tpu.memory_space<vmem>>, vector<1x4xf32>
    %add3A_933 = vector.broadcast %get3A_932 : vector<1x4xf32> to vector<256x4xf32>
    %add3A_934 = arith.addf %sub3A_929, %add3A_933 : vector<256x4xf32>
    %sub3A_935 = vector.broadcast %get3A_12 : vector<1x4xf32> to vector<256x4xf32>
    %sub3A_936 = arith.subf %add3A_934, %sub3A_935 : vector<256x4xf32>
    %mul3A_937 = vector.broadcast %div3A_19 : vector<1x4xf32> to vector<256x4xf32>
    %mul3A_938 = arith.mulf %sub3A_936, %mul3A_937 : vector<256x4xf32>
    %get3A_939 = arith.constant 0 : index
    %get3A_940 = arith.constant 0 : index
    %get3A_941 = vector.load %arg6[%get3A_939, %get3A_940] : memref<1x4xf32, #tpu.memory_space<vmem>>, vector<1x4xf32>
    %mul3A_942 = vector.broadcast %get3A_941 : vector<1x4xf32> to vector<256x4xf32>
    %mul3A_943 = arith.mulf %mul3A_938, %mul3A_942 : vector<256x4xf32>
    %get3A_944 = arith.constant 0 : index
    %get3A_945 = arith.constant 0 : index
    %get3A_946 = vector.load %arg7[%get3A_944, %get3A_945] : memref<1x4xf32, #tpu.memory_space<vmem>>, vector<1x4xf32>
    %add3A_947 = vector.broadcast %get3A_946 : vector<1x4xf32> to vector<256x4xf32>
    %add3A_948 = arith.addf %mul3A_943, %add3A_947 : vector<256x4xf32>
    %max3A_949 = arith.constant 0.000000e+00 : f32
    %max3A_950 = vector.broadcast %max3A_949 : f32 to vector<256x4xf32>
    %max3A_951 = arith.maximumf %add3A_948, %max3A_950 : vector<256x4xf32>
    %get3A_952 = arith.constant 0 : index
    %get3A_953 = arith.constant 0 : index
    %get3A_954 = vector.load %arg8[%get3A_952, %get3A_953] : memref<4x32xf32, #tpu.memory_space<vmem>>, vector<4x32xf32>
    %dot_general3A_955 = arith.constant dense<0.000000e+00> : vector<256x32xf32>
    %dot_general3A_956 = tpu.matmul %max3A_951, %get3A_954, %dot_general3A_955 {dimension_numbers = #tpu.dot_dimension_numbers<[1], [0], [0], [1], [0, 0, 1, 1], [], []>, transpose_lhs_hint = false} : vector<256x4xf32>, vector<4x32xf32>, vector<256x32xf32> -> vector<256x32xf32>
    %get3A_957 = arith.constant 0 : index
    %get3A_958 = arith.constant 0 : index
    %get3A_959 = vector.load %arg9[%get3A_957, %get3A_958] : memref<1x32xf32, #tpu.memory_space<vmem>>, vector<1x32xf32>
    %add3A_960 = vector.broadcast %get3A_959 : vector<1x32xf32> to vector<256x32xf32>
    %add3A_961 = arith.addf %dot_general3A_956, %add3A_960 : vector<256x32xf32>
    %sub3A_962 = arith.subf %slice3A, %slice3A_927 : vector<256x32xf32>
    %add3A_963 = arith.addf %sub3A_962, %add3A_961 : vector<256x32xf32>
    %get3A_964 = arith.constant 0 : index
    %get3A_965 = arith.constant 0 : index
    %get3A_966 = vector.load %arg10[%get3A_964, %get3A_965] : memref<1x32xf32, #tpu.memory_space<vmem>>, vector<1x32xf32>
    %get3A_967 = arith.constant 0 : index
    %get3A_968 = arith.constant 0 : index
    %get3A_969 = vector.load %arg11[%get3A_967, %get3A_968] : memref<1x32xf32, #tpu.memory_space<vmem>>, vector<1x32xf32>
    %reduce_sum3A_970 = arith.constant dense<0.000000e+00> : vector<256xf32>
    %reduce_sum3A_971 = vector.multi_reduction <add>, %add3A_963, %reduce_sum3A_970 [1] : vector<256x32xf32> to vector<256xf32>
    %broadcast_in_dim3A_972 = vector.shape_cast %reduce_sum3A_971 : vector<256xf32> to vector<256x1xf32>
    %div3A_973 = arith.constant 3.200000e+01 : f32
    %div3A_974 = vector.broadcast %div3A_973 : f32 to vector<256x1xf32>
    %div3A_975 = arith.divf %broadcast_in_dim3A_972, %div3A_974 : vector<256x1xf32>
    %sub3A_976 = vector.broadcast %div3A_975 : vector<256x1xf32> to vector<256x32xf32>
    %sub3A_977 = arith.subf %add3A_963, %sub3A_976 : vector<256x32xf32>
    %integer_pow3A_978 = arith.mulf %sub3A_977, %sub3A_977 : vector<256x32xf32>
    %reduce_sum3A_979 = arith.constant dense<0.000000e+00> : vector<256xf32>
    %reduce_sum3A_980 = vector.multi_reduction <add>, %integer_pow3A_978, %reduce_sum3A_979 [1] : vector<256x32xf32> to vector<256xf32>
    %broadcast_in_dim3A_981 = vector.shape_cast %reduce_sum3A_980 : vector<256xf32> to vector<256x1xf32>
    %div3A_982 = arith.constant 3.200000e+01 : f32
    %div3A_983 = vector.broadcast %div3A_982 : f32 to vector<256x1xf32>
    %div3A_984 = arith.divf %broadcast_in_dim3A_981, %div3A_983 : vector<256x1xf32>
    %sub3A_985 = vector.broadcast %div3A_975 : vector<256x1xf32> to vector<256x32xf32>
    %sub3A_986 = arith.subf %add3A_963, %sub3A_985 : vector<256x32xf32>
    %add3A_987 = arith.constant 9.99999974E-6 : f32
    %add3A_988 = vector.broadcast %add3A_987 : f32 to vector<256x1xf32>
    %add3A_989 = arith.addf %div3A_984, %add3A_988 : vector<256x1xf32>
    %sqrt3A_990 = math.sqrt %add3A_989 : vector<256x1xf32>
    %div3A_991 = vector.broadcast %sqrt3A_990 : vector<256x1xf32> to vector<256x32xf32>
    %div3A_992 = arith.divf %sub3A_986, %div3A_991 : vector<256x32xf32>
    %mul3A_993 = vector.broadcast %get3A_966 : vector<1x32xf32> to vector<256x32xf32>
    %mul3A_994 = arith.mulf %div3A_992, %mul3A_993 : vector<256x32xf32>
    %add3A_995 = vector.broadcast %get3A_969 : vector<1x32xf32> to vector<256x32xf32>
    %add3A_996 = arith.addf %mul3A_994, %add3A_995 : vector<256x32xf32>
    %mul3A_997 = arith.constant 0.176776692 : f32
    %mul3A_998 = vector.broadcast %mul3A_997 : f32 to vector<256x32xf32>
    %mul3A_999 = arith.mulf %add3A_996, %mul3A_998 : vector<256x32xf32>
    %add3A_1000 = arith.addf %slice3A_928, %add3A_961 : vector<256x32xf32>
    %slice3A_1001 = vector.extract_strided_slice %get3A_9 {offsets = [0, 1664], sizes = [256, 128], strides = [1, 1]} : vector<256x2048xf32> to vector<256x128xf32>
    %slice3A_1002 = vector.extract_strided_slice %slice3A_1001 {offsets = [0, 0], sizes = [256, 4], strides = [1, 1]} : vector<256x128xf32> to vector<256x4xf32>
    %slice3A_1003 = vector.extract_strided_slice %slice3A_1001 {offsets = [0, 4], sizes = [256, 32], strides = [1, 1]} : vector<256x128xf32> to vector<256x32xf32>
    %slice3A_1004 = vector.extract_strided_slice %slice3A_1001 {offsets = [0, 36], sizes = [256, 32], strides = [1, 1]} : vector<256x128xf32> to vector<256x32xf32>
    %sub3A_1005 = arith.subf %slice3A_4, %slice3A_1002 : vector<256x4xf32>
    %get3A_1006 = arith.constant 0 : index
    %get3A_1007 = arith.constant 0 : index
    %get3A_1008 = vector.load %arg5[%get3A_1006, %get3A_1007] : memref<1x4xf32, #tpu.memory_space<vmem>>, vector<1x4xf32>
    %add3A_1009 = vector.broadcast %get3A_1008 : vector<1x4xf32> to vector<256x4xf32>
    %add3A_1010 = arith.addf %sub3A_1005, %add3A_1009 : vector<256x4xf32>
    %sub3A_1011 = vector.broadcast %get3A_12 : vector<1x4xf32> to vector<256x4xf32>
    %sub3A_1012 = arith.subf %add3A_1010, %sub3A_1011 : vector<256x4xf32>
    %mul3A_1013 = vector.broadcast %div3A_19 : vector<1x4xf32> to vector<256x4xf32>
    %mul3A_1014 = arith.mulf %sub3A_1012, %mul3A_1013 : vector<256x4xf32>
    %get3A_1015 = arith.constant 0 : index
    %get3A_1016 = arith.constant 0 : index
    %get3A_1017 = vector.load %arg6[%get3A_1015, %get3A_1016] : memref<1x4xf32, #tpu.memory_space<vmem>>, vector<1x4xf32>
    %mul3A_1018 = vector.broadcast %get3A_1017 : vector<1x4xf32> to vector<256x4xf32>
    %mul3A_1019 = arith.mulf %mul3A_1014, %mul3A_1018 : vector<256x4xf32>
    %get3A_1020 = arith.constant 0 : index
    %get3A_1021 = arith.constant 0 : index
    %get3A_1022 = vector.load %arg7[%get3A_1020, %get3A_1021] : memref<1x4xf32, #tpu.memory_space<vmem>>, vector<1x4xf32>
    %add3A_1023 = vector.broadcast %get3A_1022 : vector<1x4xf32> to vector<256x4xf32>
    %add3A_1024 = arith.addf %mul3A_1019, %add3A_1023 : vector<256x4xf32>
    %max3A_1025 = arith.constant 0.000000e+00 : f32
    %max3A_1026 = vector.broadcast %max3A_1025 : f32 to vector<256x4xf32>
    %max3A_1027 = arith.maximumf %add3A_1024, %max3A_1026 : vector<256x4xf32>
    %get3A_1028 = arith.constant 0 : index
    %get3A_1029 = arith.constant 0 : index
    %get3A_1030 = vector.load %arg8[%get3A_1028, %get3A_1029] : memref<4x32xf32, #tpu.memory_space<vmem>>, vector<4x32xf32>
    %dot_general3A_1031 = arith.constant dense<0.000000e+00> : vector<256x32xf32>
    %dot_general3A_1032 = tpu.matmul %max3A_1027, %get3A_1030, %dot_general3A_1031 {dimension_numbers = #tpu.dot_dimension_numbers<[1], [0], [0], [1], [0, 0, 1, 1], [], []>, transpose_lhs_hint = false} : vector<256x4xf32>, vector<4x32xf32>, vector<256x32xf32> -> vector<256x32xf32>
    %get3A_1033 = arith.constant 0 : index
    %get3A_1034 = arith.constant 0 : index
    %get3A_1035 = vector.load %arg9[%get3A_1033, %get3A_1034] : memref<1x32xf32, #tpu.memory_space<vmem>>, vector<1x32xf32>
    %add3A_1036 = vector.broadcast %get3A_1035 : vector<1x32xf32> to vector<256x32xf32>
    %add3A_1037 = arith.addf %dot_general3A_1032, %add3A_1036 : vector<256x32xf32>
    %sub3A_1038 = arith.subf %slice3A, %slice3A_1003 : vector<256x32xf32>
    %add3A_1039 = arith.addf %sub3A_1038, %add3A_1037 : vector<256x32xf32>
    %get3A_1040 = arith.constant 0 : index
    %get3A_1041 = arith.constant 0 : index
    %get3A_1042 = vector.load %arg10[%get3A_1040, %get3A_1041] : memref<1x32xf32, #tpu.memory_space<vmem>>, vector<1x32xf32>
    %get3A_1043 = arith.constant 0 : index
    %get3A_1044 = arith.constant 0 : index
    %get3A_1045 = vector.load %arg11[%get3A_1043, %get3A_1044] : memref<1x32xf32, #tpu.memory_space<vmem>>, vector<1x32xf32>
    %reduce_sum3A_1046 = arith.constant dense<0.000000e+00> : vector<256xf32>
    %reduce_sum3A_1047 = vector.multi_reduction <add>, %add3A_1039, %reduce_sum3A_1046 [1] : vector<256x32xf32> to vector<256xf32>
    %broadcast_in_dim3A_1048 = vector.shape_cast %reduce_sum3A_1047 : vector<256xf32> to vector<256x1xf32>
    %div3A_1049 = arith.constant 3.200000e+01 : f32
    %div3A_1050 = vector.broadcast %div3A_1049 : f32 to vector<256x1xf32>
    %div3A_1051 = arith.divf %broadcast_in_dim3A_1048, %div3A_1050 : vector<256x1xf32>
    %sub3A_1052 = vector.broadcast %div3A_1051 : vector<256x1xf32> to vector<256x32xf32>
    %sub3A_1053 = arith.subf %add3A_1039, %sub3A_1052 : vector<256x32xf32>
    %integer_pow3A_1054 = arith.mulf %sub3A_1053, %sub3A_1053 : vector<256x32xf32>
    %reduce_sum3A_1055 = arith.constant dense<0.000000e+00> : vector<256xf32>
    %reduce_sum3A_1056 = vector.multi_reduction <add>, %integer_pow3A_1054, %reduce_sum3A_1055 [1] : vector<256x32xf32> to vector<256xf32>
    %broadcast_in_dim3A_1057 = vector.shape_cast %reduce_sum3A_1056 : vector<256xf32> to vector<256x1xf32>
    %div3A_1058 = arith.constant 3.200000e+01 : f32
    %div3A_1059 = vector.broadcast %div3A_1058 : f32 to vector<256x1xf32>
    %div3A_1060 = arith.divf %broadcast_in_dim3A_1057, %div3A_1059 : vector<256x1xf32>
    %sub3A_1061 = vector.broadcast %div3A_1051 : vector<256x1xf32> to vector<256x32xf32>
    %sub3A_1062 = arith.subf %add3A_1039, %sub3A_1061 : vector<256x32xf32>
    %add3A_1063 = arith.constant 9.99999974E-6 : f32
    %add3A_1064 = vector.broadcast %add3A_1063 : f32 to vector<256x1xf32>
    %add3A_1065 = arith.addf %div3A_1060, %add3A_1064 : vector<256x1xf32>
    %sqrt3A_1066 = math.sqrt %add3A_1065 : vector<256x1xf32>
    %div3A_1067 = vector.broadcast %sqrt3A_1066 : vector<256x1xf32> to vector<256x32xf32>
    %div3A_1068 = arith.divf %sub3A_1062, %div3A_1067 : vector<256x32xf32>
    %mul3A_1069 = vector.broadcast %get3A_1042 : vector<1x32xf32> to vector<256x32xf32>
    %mul3A_1070 = arith.mulf %div3A_1068, %mul3A_1069 : vector<256x32xf32>
    %add3A_1071 = vector.broadcast %get3A_1045 : vector<1x32xf32> to vector<256x32xf32>
    %add3A_1072 = arith.addf %mul3A_1070, %add3A_1071 : vector<256x32xf32>
    %mul3A_1073 = arith.constant 0.176776692 : f32
    %mul3A_1074 = vector.broadcast %mul3A_1073 : f32 to vector<256x32xf32>
    %mul3A_1075 = arith.mulf %add3A_1072, %mul3A_1074 : vector<256x32xf32>
    %add3A_1076 = arith.addf %slice3A_1004, %add3A_1037 : vector<256x32xf32>
    %slice3A_1077 = vector.extract_strided_slice %get3A_9 {offsets = [0, 1792], sizes = [256, 128], strides = [1, 1]} : vector<256x2048xf32> to vector<256x128xf32>
    %slice3A_1078 = vector.extract_strided_slice %slice3A_1077 {offsets = [0, 0], sizes = [256, 4], strides = [1, 1]} : vector<256x128xf32> to vector<256x4xf32>
    %slice3A_1079 = vector.extract_strided_slice %slice3A_1077 {offsets = [0, 4], sizes = [256, 32], strides = [1, 1]} : vector<256x128xf32> to vector<256x32xf32>
    %slice3A_1080 = vector.extract_strided_slice %slice3A_1077 {offsets = [0, 36], sizes = [256, 32], strides = [1, 1]} : vector<256x128xf32> to vector<256x32xf32>
    %sub3A_1081 = arith.subf %slice3A_4, %slice3A_1078 : vector<256x4xf32>
    %get3A_1082 = arith.constant 0 : index
    %get3A_1083 = arith.constant 0 : index
    %get3A_1084 = vector.load %arg5[%get3A_1082, %get3A_1083] : memref<1x4xf32, #tpu.memory_space<vmem>>, vector<1x4xf32>
    %add3A_1085 = vector.broadcast %get3A_1084 : vector<1x4xf32> to vector<256x4xf32>
    %add3A_1086 = arith.addf %sub3A_1081, %add3A_1085 : vector<256x4xf32>
    %sub3A_1087 = vector.broadcast %get3A_12 : vector<1x4xf32> to vector<256x4xf32>
    %sub3A_1088 = arith.subf %add3A_1086, %sub3A_1087 : vector<256x4xf32>
    %mul3A_1089 = vector.broadcast %div3A_19 : vector<1x4xf32> to vector<256x4xf32>
    %mul3A_1090 = arith.mulf %sub3A_1088, %mul3A_1089 : vector<256x4xf32>
    %get3A_1091 = arith.constant 0 : index
    %get3A_1092 = arith.constant 0 : index
    %get3A_1093 = vector.load %arg6[%get3A_1091, %get3A_1092] : memref<1x4xf32, #tpu.memory_space<vmem>>, vector<1x4xf32>
    %mul3A_1094 = vector.broadcast %get3A_1093 : vector<1x4xf32> to vector<256x4xf32>
    %mul3A_1095 = arith.mulf %mul3A_1090, %mul3A_1094 : vector<256x4xf32>
    %get3A_1096 = arith.constant 0 : index
    %get3A_1097 = arith.constant 0 : index
    %get3A_1098 = vector.load %arg7[%get3A_1096, %get3A_1097] : memref<1x4xf32, #tpu.memory_space<vmem>>, vector<1x4xf32>
    %add3A_1099 = vector.broadcast %get3A_1098 : vector<1x4xf32> to vector<256x4xf32>
    %add3A_1100 = arith.addf %mul3A_1095, %add3A_1099 : vector<256x4xf32>
    %max3A_1101 = arith.constant 0.000000e+00 : f32
    %max3A_1102 = vector.broadcast %max3A_1101 : f32 to vector<256x4xf32>
    %max3A_1103 = arith.maximumf %add3A_1100, %max3A_1102 : vector<256x4xf32>
    %get3A_1104 = arith.constant 0 : index
    %get3A_1105 = arith.constant 0 : index
    %get3A_1106 = vector.load %arg8[%get3A_1104, %get3A_1105] : memref<4x32xf32, #tpu.memory_space<vmem>>, vector<4x32xf32>
    %dot_general3A_1107 = arith.constant dense<0.000000e+00> : vector<256x32xf32>
    %dot_general3A_1108 = tpu.matmul %max3A_1103, %get3A_1106, %dot_general3A_1107 {dimension_numbers = #tpu.dot_dimension_numbers<[1], [0], [0], [1], [0, 0, 1, 1], [], []>, transpose_lhs_hint = false} : vector<256x4xf32>, vector<4x32xf32>, vector<256x32xf32> -> vector<256x32xf32>
    %get3A_1109 = arith.constant 0 : index
    %get3A_1110 = arith.constant 0 : index
    %get3A_1111 = vector.load %arg9[%get3A_1109, %get3A_1110] : memref<1x32xf32, #tpu.memory_space<vmem>>, vector<1x32xf32>
    %add3A_1112 = vector.broadcast %get3A_1111 : vector<1x32xf32> to vector<256x32xf32>
    %add3A_1113 = arith.addf %dot_general3A_1108, %add3A_1112 : vector<256x32xf32>
    %sub3A_1114 = arith.subf %slice3A, %slice3A_1079 : vector<256x32xf32>
    %add3A_1115 = arith.addf %sub3A_1114, %add3A_1113 : vector<256x32xf32>
    %get3A_1116 = arith.constant 0 : index
    %get3A_1117 = arith.constant 0 : index
    %get3A_1118 = vector.load %arg10[%get3A_1116, %get3A_1117] : memref<1x32xf32, #tpu.memory_space<vmem>>, vector<1x32xf32>
    %get3A_1119 = arith.constant 0 : index
    %get3A_1120 = arith.constant 0 : index
    %get3A_1121 = vector.load %arg11[%get3A_1119, %get3A_1120] : memref<1x32xf32, #tpu.memory_space<vmem>>, vector<1x32xf32>
    %reduce_sum3A_1122 = arith.constant dense<0.000000e+00> : vector<256xf32>
    %reduce_sum3A_1123 = vector.multi_reduction <add>, %add3A_1115, %reduce_sum3A_1122 [1] : vector<256x32xf32> to vector<256xf32>
    %broadcast_in_dim3A_1124 = vector.shape_cast %reduce_sum3A_1123 : vector<256xf32> to vector<256x1xf32>
    %div3A_1125 = arith.constant 3.200000e+01 : f32
    %div3A_1126 = vector.broadcast %div3A_1125 : f32 to vector<256x1xf32>
    %div3A_1127 = arith.divf %broadcast_in_dim3A_1124, %div3A_1126 : vector<256x1xf32>
    %sub3A_1128 = vector.broadcast %div3A_1127 : vector<256x1xf32> to vector<256x32xf32>
    %sub3A_1129 = arith.subf %add3A_1115, %sub3A_1128 : vector<256x32xf32>
    %integer_pow3A_1130 = arith.mulf %sub3A_1129, %sub3A_1129 : vector<256x32xf32>
    %reduce_sum3A_1131 = arith.constant dense<0.000000e+00> : vector<256xf32>
    %reduce_sum3A_1132 = vector.multi_reduction <add>, %integer_pow3A_1130, %reduce_sum3A_1131 [1] : vector<256x32xf32> to vector<256xf32>
    %broadcast_in_dim3A_1133 = vector.shape_cast %reduce_sum3A_1132 : vector<256xf32> to vector<256x1xf32>
    %div3A_1134 = arith.constant 3.200000e+01 : f32
    %div3A_1135 = vector.broadcast %div3A_1134 : f32 to vector<256x1xf32>
    %div3A_1136 = arith.divf %broadcast_in_dim3A_1133, %div3A_1135 : vector<256x1xf32>
    %sub3A_1137 = vector.broadcast %div3A_1127 : vector<256x1xf32> to vector<256x32xf32>
    %sub3A_1138 = arith.subf %add3A_1115, %sub3A_1137 : vector<256x32xf32>
    %add3A_1139 = arith.constant 9.99999974E-6 : f32
    %add3A_1140 = vector.broadcast %add3A_1139 : f32 to vector<256x1xf32>
    %add3A_1141 = arith.addf %div3A_1136, %add3A_1140 : vector<256x1xf32>
    %sqrt3A_1142 = math.sqrt %add3A_1141 : vector<256x1xf32>
    %div3A_1143 = vector.broadcast %sqrt3A_1142 : vector<256x1xf32> to vector<256x32xf32>
    %div3A_1144 = arith.divf %sub3A_1138, %div3A_1143 : vector<256x32xf32>
    %mul3A_1145 = vector.broadcast %get3A_1118 : vector<1x32xf32> to vector<256x32xf32>
    %mul3A_1146 = arith.mulf %div3A_1144, %mul3A_1145 : vector<256x32xf32>
    %add3A_1147 = vector.broadcast %get3A_1121 : vector<1x32xf32> to vector<256x32xf32>
    %add3A_1148 = arith.addf %mul3A_1146, %add3A_1147 : vector<256x32xf32>
    %mul3A_1149 = arith.constant 0.176776692 : f32
    %mul3A_1150 = vector.broadcast %mul3A_1149 : f32 to vector<256x32xf32>
    %mul3A_1151 = arith.mulf %add3A_1148, %mul3A_1150 : vector<256x32xf32>
    %add3A_1152 = arith.addf %slice3A_1080, %add3A_1113 : vector<256x32xf32>
    %slice3A_1153 = vector.extract_strided_slice %get3A_9 {offsets = [0, 1920], sizes = [256, 128], strides = [1, 1]} : vector<256x2048xf32> to vector<256x128xf32>
    %slice3A_1154 = vector.extract_strided_slice %slice3A_1153 {offsets = [0, 0], sizes = [256, 4], strides = [1, 1]} : vector<256x128xf32> to vector<256x4xf32>
    %slice3A_1155 = vector.extract_strided_slice %slice3A_1153 {offsets = [0, 4], sizes = [256, 32], strides = [1, 1]} : vector<256x128xf32> to vector<256x32xf32>
    %slice3A_1156 = vector.extract_strided_slice %slice3A_1153 {offsets = [0, 36], sizes = [256, 32], strides = [1, 1]} : vector<256x128xf32> to vector<256x32xf32>
    %sub3A_1157 = arith.subf %slice3A_4, %slice3A_1154 : vector<256x4xf32>
    %get3A_1158 = arith.constant 0 : index
    %get3A_1159 = arith.constant 0 : index
    %get3A_1160 = vector.load %arg5[%get3A_1158, %get3A_1159] : memref<1x4xf32, #tpu.memory_space<vmem>>, vector<1x4xf32>
    %add3A_1161 = vector.broadcast %get3A_1160 : vector<1x4xf32> to vector<256x4xf32>
    %add3A_1162 = arith.addf %sub3A_1157, %add3A_1161 : vector<256x4xf32>
    %sub3A_1163 = vector.broadcast %get3A_12 : vector<1x4xf32> to vector<256x4xf32>
    %sub3A_1164 = arith.subf %add3A_1162, %sub3A_1163 : vector<256x4xf32>
    %mul3A_1165 = vector.broadcast %div3A_19 : vector<1x4xf32> to vector<256x4xf32>
    %mul3A_1166 = arith.mulf %sub3A_1164, %mul3A_1165 : vector<256x4xf32>
    %get3A_1167 = arith.constant 0 : index
    %get3A_1168 = arith.constant 0 : index
    %get3A_1169 = vector.load %arg6[%get3A_1167, %get3A_1168] : memref<1x4xf32, #tpu.memory_space<vmem>>, vector<1x4xf32>
    %mul3A_1170 = vector.broadcast %get3A_1169 : vector<1x4xf32> to vector<256x4xf32>
    %mul3A_1171 = arith.mulf %mul3A_1166, %mul3A_1170 : vector<256x4xf32>
    %get3A_1172 = arith.constant 0 : index
    %get3A_1173 = arith.constant 0 : index
    %get3A_1174 = vector.load %arg7[%get3A_1172, %get3A_1173] : memref<1x4xf32, #tpu.memory_space<vmem>>, vector<1x4xf32>
    %add3A_1175 = vector.broadcast %get3A_1174 : vector<1x4xf32> to vector<256x4xf32>
    %add3A_1176 = arith.addf %mul3A_1171, %add3A_1175 : vector<256x4xf32>
    %max3A_1177 = arith.constant 0.000000e+00 : f32
    %max3A_1178 = vector.broadcast %max3A_1177 : f32 to vector<256x4xf32>
    %max3A_1179 = arith.maximumf %add3A_1176, %max3A_1178 : vector<256x4xf32>
    %get3A_1180 = arith.constant 0 : index
    %get3A_1181 = arith.constant 0 : index
    %get3A_1182 = vector.load %arg8[%get3A_1180, %get3A_1181] : memref<4x32xf32, #tpu.memory_space<vmem>>, vector<4x32xf32>
    %dot_general3A_1183 = arith.constant dense<0.000000e+00> : vector<256x32xf32>
    %dot_general3A_1184 = tpu.matmul %max3A_1179, %get3A_1182, %dot_general3A_1183 {dimension_numbers = #tpu.dot_dimension_numbers<[1], [0], [0], [1], [0, 0, 1, 1], [], []>, transpose_lhs_hint = false} : vector<256x4xf32>, vector<4x32xf32>, vector<256x32xf32> -> vector<256x32xf32>
    %get3A_1185 = arith.constant 0 : index
    %get3A_1186 = arith.constant 0 : index
    %get3A_1187 = vector.load %arg9[%get3A_1185, %get3A_1186] : memref<1x32xf32, #tpu.memory_space<vmem>>, vector<1x32xf32>
    %add3A_1188 = vector.broadcast %get3A_1187 : vector<1x32xf32> to vector<256x32xf32>
    %add3A_1189 = arith.addf %dot_general3A_1184, %add3A_1188 : vector<256x32xf32>
    %sub3A_1190 = arith.subf %slice3A, %slice3A_1155 : vector<256x32xf32>
    %add3A_1191 = arith.addf %sub3A_1190, %add3A_1189 : vector<256x32xf32>
    %get3A_1192 = arith.constant 0 : index
    %get3A_1193 = arith.constant 0 : index
    %get3A_1194 = vector.load %arg10[%get3A_1192, %get3A_1193] : memref<1x32xf32, #tpu.memory_space<vmem>>, vector<1x32xf32>
    %get3A_1195 = arith.constant 0 : index
    %get3A_1196 = arith.constant 0 : index
    %get3A_1197 = vector.load %arg11[%get3A_1195, %get3A_1196] : memref<1x32xf32, #tpu.memory_space<vmem>>, vector<1x32xf32>
    %reduce_sum3A_1198 = arith.constant dense<0.000000e+00> : vector<256xf32>
    %reduce_sum3A_1199 = vector.multi_reduction <add>, %add3A_1191, %reduce_sum3A_1198 [1] : vector<256x32xf32> to vector<256xf32>
    %broadcast_in_dim3A_1200 = vector.shape_cast %reduce_sum3A_1199 : vector<256xf32> to vector<256x1xf32>
    %div3A_1201 = arith.constant 3.200000e+01 : f32
    %div3A_1202 = vector.broadcast %div3A_1201 : f32 to vector<256x1xf32>
    %div3A_1203 = arith.divf %broadcast_in_dim3A_1200, %div3A_1202 : vector<256x1xf32>
    %sub3A_1204 = vector.broadcast %div3A_1203 : vector<256x1xf32> to vector<256x32xf32>
    %sub3A_1205 = arith.subf %add3A_1191, %sub3A_1204 : vector<256x32xf32>
    %integer_pow3A_1206 = arith.mulf %sub3A_1205, %sub3A_1205 : vector<256x32xf32>
    %reduce_sum3A_1207 = arith.constant dense<0.000000e+00> : vector<256xf32>
    %reduce_sum3A_1208 = vector.multi_reduction <add>, %integer_pow3A_1206, %reduce_sum3A_1207 [1] : vector<256x32xf32> to vector<256xf32>
    %broadcast_in_dim3A_1209 = vector.shape_cast %reduce_sum3A_1208 : vector<256xf32> to vector<256x1xf32>
    %div3A_1210 = arith.constant 3.200000e+01 : f32
    %div3A_1211 = vector.broadcast %div3A_1210 : f32 to vector<256x1xf32>
    %div3A_1212 = arith.divf %broadcast_in_dim3A_1209, %div3A_1211 : vector<256x1xf32>
    %sub3A_1213 = vector.broadcast %div3A_1203 : vector<256x1xf32> to vector<256x32xf32>
    %sub3A_1214 = arith.subf %add3A_1191, %sub3A_1213 : vector<256x32xf32>
    %add3A_1215 = arith.constant 9.99999974E-6 : f32
    %add3A_1216 = vector.broadcast %add3A_1215 : f32 to vector<256x1xf32>
    %add3A_1217 = arith.addf %div3A_1212, %add3A_1216 : vector<256x1xf32>
    %sqrt3A_1218 = math.sqrt %add3A_1217 : vector<256x1xf32>
    %div3A_1219 = vector.broadcast %sqrt3A_1218 : vector<256x1xf32> to vector<256x32xf32>
    %div3A_1220 = arith.divf %sub3A_1214, %div3A_1219 : vector<256x32xf32>
    %mul3A_1221 = vector.broadcast %get3A_1194 : vector<1x32xf32> to vector<256x32xf32>
    %mul3A_1222 = arith.mulf %div3A_1220, %mul3A_1221 : vector<256x32xf32>
    %add3A_1223 = vector.broadcast %get3A_1197 : vector<1x32xf32> to vector<256x32xf32>
    %add3A_1224 = arith.addf %mul3A_1222, %add3A_1223 : vector<256x32xf32>
    %mul3A_1225 = arith.constant 0.176776692 : f32
    %mul3A_1226 = vector.broadcast %mul3A_1225 : f32 to vector<256x32xf32>
    %mul3A_1227 = arith.mulf %add3A_1224, %mul3A_1226 : vector<256x32xf32>
    %add3A_1228 = arith.addf %slice3A_1156, %add3A_1189 : vector<256x32xf32>
    %max3A_1229 = arith.maximumf %mul3A_87, %mul3A_163 : vector<256x32xf32>
    %max3A_1230 = arith.maximumf %max3A_1229, %mul3A_239 : vector<256x32xf32>
    %max3A_1231 = arith.maximumf %max3A_1230, %mul3A_315 : vector<256x32xf32>
    %max3A_1232 = arith.maximumf %max3A_1231, %mul3A_391 : vector<256x32xf32>
    %max3A_1233 = arith.maximumf %max3A_1232, %mul3A_467 : vector<256x32xf32>
    %max3A_1234 = arith.maximumf %max3A_1233, %mul3A_543 : vector<256x32xf32>
    %max3A_1235 = arith.maximumf %max3A_1234, %mul3A_619 : vector<256x32xf32>
    %max3A_1236 = arith.maximumf %max3A_1235, %mul3A_695 : vector<256x32xf32>
    %max3A_1237 = arith.maximumf %max3A_1236, %mul3A_771 : vector<256x32xf32>
    %max3A_1238 = arith.maximumf %max3A_1237, %mul3A_847 : vector<256x32xf32>
    %max3A_1239 = arith.maximumf %max3A_1238, %mul3A_923 : vector<256x32xf32>
    %max3A_1240 = arith.maximumf %max3A_1239, %mul3A_999 : vector<256x32xf32>
    %max3A_1241 = arith.maximumf %max3A_1240, %mul3A_1075 : vector<256x32xf32>
    %max3A_1242 = arith.maximumf %max3A_1241, %mul3A_1151 : vector<256x32xf32>
    %max3A_1243 = arith.maximumf %max3A_1242, %mul3A_1227 : vector<256x32xf32>
    %broadcast_in_dim3A_1244 = arith.constant 0.000000e+00 : f32
    %broadcast_in_dim3A_1245 = vector.broadcast %broadcast_in_dim3A_1244 : f32 to vector<256x32xf32>
    %broadcast_in_dim3A_1246 = arith.constant 0.000000e+00 : f32
    %broadcast_in_dim3A_1247 = vector.broadcast %broadcast_in_dim3A_1246 : f32 to vector<256x32xf32>
    %sub3A_1248 = arith.subf %mul3A_87, %max3A_1243 : vector<256x32xf32>
    %exp3A = math.exp %sub3A_1248 : vector<256x32xf32>
    %add3A_1249 = arith.addf %broadcast_in_dim3A_1245, %exp3A : vector<256x32xf32>
    %mul3A_1250 = arith.mulf %exp3A, %add3A_88 : vector<256x32xf32>
    %add3A_1251 = arith.addf %broadcast_in_dim3A_1247, %mul3A_1250 : vector<256x32xf32>
    %sub3A_1252 = arith.subf %mul3A_163, %max3A_1243 : vector<256x32xf32>
    %exp3A_1253 = math.exp %sub3A_1252 : vector<256x32xf32>
    %add3A_1254 = arith.addf %add3A_1249, %exp3A_1253 : vector<256x32xf32>
    %mul3A_1255 = arith.mulf %exp3A_1253, %add3A_164 : vector<256x32xf32>
    %add3A_1256 = arith.addf %add3A_1251, %mul3A_1255 : vector<256x32xf32>
    %sub3A_1257 = arith.subf %mul3A_239, %max3A_1243 : vector<256x32xf32>
    %exp3A_1258 = math.exp %sub3A_1257 : vector<256x32xf32>
    %add3A_1259 = arith.addf %add3A_1254, %exp3A_1258 : vector<256x32xf32>
    %mul3A_1260 = arith.mulf %exp3A_1258, %add3A_240 : vector<256x32xf32>
    %add3A_1261 = arith.addf %add3A_1256, %mul3A_1260 : vector<256x32xf32>
    %sub3A_1262 = arith.subf %mul3A_315, %max3A_1243 : vector<256x32xf32>
    %exp3A_1263 = math.exp %sub3A_1262 : vector<256x32xf32>
    %add3A_1264 = arith.addf %add3A_1259, %exp3A_1263 : vector<256x32xf32>
    %mul3A_1265 = arith.mulf %exp3A_1263, %add3A_316 : vector<256x32xf32>
    %add3A_1266 = arith.addf %add3A_1261, %mul3A_1265 : vector<256x32xf32>
    %sub3A_1267 = arith.subf %mul3A_391, %max3A_1243 : vector<256x32xf32>
    %exp3A_1268 = math.exp %sub3A_1267 : vector<256x32xf32>
    %add3A_1269 = arith.addf %add3A_1264, %exp3A_1268 : vector<256x32xf32>
    %mul3A_1270 = arith.mulf %exp3A_1268, %add3A_392 : vector<256x32xf32>
    %add3A_1271 = arith.addf %add3A_1266, %mul3A_1270 : vector<256x32xf32>
    %sub3A_1272 = arith.subf %mul3A_467, %max3A_1243 : vector<256x32xf32>
    %exp3A_1273 = math.exp %sub3A_1272 : vector<256x32xf32>
    %add3A_1274 = arith.addf %add3A_1269, %exp3A_1273 : vector<256x32xf32>
    %mul3A_1275 = arith.mulf %exp3A_1273, %add3A_468 : vector<256x32xf32>
    %add3A_1276 = arith.addf %add3A_1271, %mul3A_1275 : vector<256x32xf32>
    %sub3A_1277 = arith.subf %mul3A_543, %max3A_1243 : vector<256x32xf32>
    %exp3A_1278 = math.exp %sub3A_1277 : vector<256x32xf32>
    %add3A_1279 = arith.addf %add3A_1274, %exp3A_1278 : vector<256x32xf32>
    %mul3A_1280 = arith.mulf %exp3A_1278, %add3A_544 : vector<256x32xf32>
    %add3A_1281 = arith.addf %add3A_1276, %mul3A_1280 : vector<256x32xf32>
    %sub3A_1282 = arith.subf %mul3A_619, %max3A_1243 : vector<256x32xf32>
    %exp3A_1283 = math.exp %sub3A_1282 : vector<256x32xf32>
    %add3A_1284 = arith.addf %add3A_1279, %exp3A_1283 : vector<256x32xf32>
    %mul3A_1285 = arith.mulf %exp3A_1283, %add3A_620 : vector<256x32xf32>
    %add3A_1286 = arith.addf %add3A_1281, %mul3A_1285 : vector<256x32xf32>
    %sub3A_1287 = arith.subf %mul3A_695, %max3A_1243 : vector<256x32xf32>
    %exp3A_1288 = math.exp %sub3A_1287 : vector<256x32xf32>
    %add3A_1289 = arith.addf %add3A_1284, %exp3A_1288 : vector<256x32xf32>
    %mul3A_1290 = arith.mulf %exp3A_1288, %add3A_696 : vector<256x32xf32>
    %add3A_1291 = arith.addf %add3A_1286, %mul3A_1290 : vector<256x32xf32>
    %sub3A_1292 = arith.subf %mul3A_771, %max3A_1243 : vector<256x32xf32>
    %exp3A_1293 = math.exp %sub3A_1292 : vector<256x32xf32>
    %add3A_1294 = arith.addf %add3A_1289, %exp3A_1293 : vector<256x32xf32>
    %mul3A_1295 = arith.mulf %exp3A_1293, %add3A_772 : vector<256x32xf32>
    %add3A_1296 = arith.addf %add3A_1291, %mul3A_1295 : vector<256x32xf32>
    %sub3A_1297 = arith.subf %mul3A_847, %max3A_1243 : vector<256x32xf32>
    %exp3A_1298 = math.exp %sub3A_1297 : vector<256x32xf32>
    %add3A_1299 = arith.addf %add3A_1294, %exp3A_1298 : vector<256x32xf32>
    %mul3A_1300 = arith.mulf %exp3A_1298, %add3A_848 : vector<256x32xf32>
    %add3A_1301 = arith.addf %add3A_1296, %mul3A_1300 : vector<256x32xf32>
    %sub3A_1302 = arith.subf %mul3A_923, %max3A_1243 : vector<256x32xf32>
    %exp3A_1303 = math.exp %sub3A_1302 : vector<256x32xf32>
    %add3A_1304 = arith.addf %add3A_1299, %exp3A_1303 : vector<256x32xf32>
    %mul3A_1305 = arith.mulf %exp3A_1303, %add3A_924 : vector<256x32xf32>
    %add3A_1306 = arith.addf %add3A_1301, %mul3A_1305 : vector<256x32xf32>
    %sub3A_1307 = arith.subf %mul3A_999, %max3A_1243 : vector<256x32xf32>
    %exp3A_1308 = math.exp %sub3A_1307 : vector<256x32xf32>
    %add3A_1309 = arith.addf %add3A_1304, %exp3A_1308 : vector<256x32xf32>
    %mul3A_1310 = arith.mulf %exp3A_1308, %add3A_1000 : vector<256x32xf32>
    %add3A_1311 = arith.addf %add3A_1306, %mul3A_1310 : vector<256x32xf32>
    %sub3A_1312 = arith.subf %mul3A_1075, %max3A_1243 : vector<256x32xf32>
    %exp3A_1313 = math.exp %sub3A_1312 : vector<256x32xf32>
    %add3A_1314 = arith.addf %add3A_1309, %exp3A_1313 : vector<256x32xf32>
    %mul3A_1315 = arith.mulf %exp3A_1313, %add3A_1076 : vector<256x32xf32>
    %add3A_1316 = arith.addf %add3A_1311, %mul3A_1315 : vector<256x32xf32>
    %sub3A_1317 = arith.subf %mul3A_1151, %max3A_1243 : vector<256x32xf32>
    %exp3A_1318 = math.exp %sub3A_1317 : vector<256x32xf32>
    %add3A_1319 = arith.addf %add3A_1314, %exp3A_1318 : vector<256x32xf32>
    %mul3A_1320 = arith.mulf %exp3A_1318, %add3A_1152 : vector<256x32xf32>
    %add3A_1321 = arith.addf %add3A_1316, %mul3A_1320 : vector<256x32xf32>
    %sub3A_1322 = arith.subf %mul3A_1227, %max3A_1243 : vector<256x32xf32>
    %exp3A_1323 = math.exp %sub3A_1322 : vector<256x32xf32>
    %add3A_1324 = arith.addf %add3A_1319, %exp3A_1323 : vector<256x32xf32>
    %mul3A_1325 = arith.mulf %exp3A_1323, %add3A_1228 : vector<256x32xf32>
    %add3A_1326 = arith.addf %add3A_1321, %mul3A_1325 : vector<256x32xf32>
    %div3A_1327 = arith.divf %add3A_1326, %add3A_1324 : vector<256x32xf32>
    %swap3A = arith.constant 0 : index
    %swap3A_1328 = arith.constant 0 : index
    %swap3A_1329 = arith.constant 0 : index
    %swap3A_1330 = vector.load %arg12[%swap3A, %swap3A_1328, %swap3A_1329] : memref<1x256x32xf32, #tpu.memory_space<vmem>>, vector<1x256x32xf32>
    %swap3A_1331 = vector.shape_cast %swap3A_1330 : vector<1x256x32xf32> to vector<256x32xf32>
    %swap3A_1332 = vector.shape_cast %div3A_1327 : vector<256x32xf32> to vector<1x256x32xf32>
    tpu.vector_store %arg12[%swap3A, %swap3A_1328, %swap3A_1329], %swap3A_1332 {strides = array<i32>} : memref<1x256x32xf32, #tpu.memory_space<vmem>>, vector<1x256x32xf32>,
    return
  }
  func.func @transform_0(%arg0: i32, %arg1: i32) -> (i32, i32, i32) {
    %c0_i32 = arith.constant 0 : i32
    %c0_i32_0 = arith.constant 0 : i32
    return %arg0, %arg1, %c0_i32 : i32, i32, i32
  }
  func.func @transform_1(%arg0: i32, %arg1: i32) -> (i32, i32, i32) {
    %c0_i32 = arith.constant 0 : i32
    %c0_i32_0 = arith.constant 0 : i32
    return %arg0, %arg1, %c0_i32 : i32, i32, i32
  }
  func.func @transform_2(%arg0: i32, %arg1: i32) -> (i32, i32) {
    %c0_i32 = arith.constant 0 : i32
    %c0_i32_0 = arith.constant 0 : i32
    %c0_i32_1 = arith.constant 0 : i32
    return %c0_i32, %c0_i32_0 : i32, i32
  }
  func.func @transform_3(%arg0: i32, %arg1: i32) -> (i32, i32) {
    %c0_i32 = arith.constant 0 : i32
    %c0_i32_0 = arith.constant 0 : i32
    %c0_i32_1 = arith.constant 0 : i32
    return %c0_i32, %c0_i32_0 : i32, i32
  }
  func.func @transform_4(%arg0: i32, %arg1: i32) -> (i32, i32) {
    %c0_i32 = arith.constant 0 : i32
    %c0_i32_0 = arith.constant 0 : i32
    %c0_i32_1 = arith.constant 0 : i32
    return %c0_i32, %c0_i32_0 : i32, i32
  }
  func.func @transform_5(%arg0: i32, %arg1: i32) -> (i32, i32) {
    %c0_i32 = arith.constant 0 : i32
    %c0_i32_0 = arith.constant 0 : i32
    %c0_i32_1 = arith.constant 0 : i32
    return %c0_i32, %c0_i32_0 : i32, i32
  }
  func.func @transform_6(%arg0: i32, %arg1: i32) -> (i32, i32) {
    %c0_i32 = arith.constant 0 : i32
    %c0_i32_0 = arith.constant 0 : i32
    %c0_i32_1 = arith.constant 0 : i32
    return %c0_i32, %c0_i32_0 : i32, i32
  }
  func.func @transform_7(%arg0: i32, %arg1: i32) -> (i32, i32) {
    %c0_i32 = arith.constant 0 : i32
    %c0_i32_0 = arith.constant 0 : i32
    %c0_i32_1 = arith.constant 0 : i32
    return %c0_i32, %c0_i32_0 : i32, i32
  }
  func.func @transform_8(%arg0: i32, %arg1: i32) -> (i32, i32) {
    %c0_i32 = arith.constant 0 : i32
    %c0_i32_0 = arith.constant 0 : i32
    %c0_i32_1 = arith.constant 0 : i32
    return %c0_i32, %c0_i32_0 : i32, i32
  }
  func.func @transform_9(%arg0: i32, %arg1: i32) -> (i32, i32) {
    %c0_i32 = arith.constant 0 : i32
    %c0_i32_0 = arith.constant 0 : i32
    %c0_i32_1 = arith.constant 0 : i32
    return %c0_i32, %c0_i32_0 : i32, i32
  }
  func.func @transform_10(%arg0: i32, %arg1: i32) -> (i32, i32, i32) {
    %c0_i32 = arith.constant 0 : i32
    %c0_i32_0 = arith.constant 0 : i32
    return %arg0, %arg1, %c0_i32 : i32, i32, i32
  }
}

module attributes {stable_mosaic.version = 14 : i64} {
  func.func @_mamba_body(%arg0: memref<2x4096x32xf32, #tpu.memory_space<vmem>>, %arg1: memref<2x4096x32xf32, #tpu.memory_space<vmem>>, %arg2: memref<32x128xf32, #tpu.memory_space<vmem>>, %arg3: memref<4x64xf32, #tpu.memory_space<vmem>>, %arg4: memref<1x64xf32, #tpu.memory_space<vmem>>, %arg5: memref<64x2xf32, #tpu.memory_space<vmem>>, %arg6: memref<64x64xf32, #tpu.memory_space<vmem>>, %arg7: memref<64x64xf32, #tpu.memory_space<vmem>>, %arg8: memref<2x64xf32, #tpu.memory_space<vmem>>, %arg9: memref<1x64xf32, #tpu.memory_space<vmem>>, %arg10: memref<64x64xf32, #tpu.memory_space<vmem>>, %arg11: memref<1x64xf32, #tpu.memory_space<vmem>>, %arg12: memref<64x32xf32, #tpu.memory_space<vmem>>, %arg13: memref<1x32xf32, #tpu.memory_space<vmem>>, %arg14: memref<1x32xf32, #tpu.memory_space<vmem>>, %arg15: memref<32x128xf32, #tpu.memory_space<vmem>>, %arg16: memref<1x128xf32, #tpu.memory_space<vmem>>, %arg17: memref<128x32xf32, #tpu.memory_space<vmem>>, %arg18: memref<1x32xf32, #tpu.memory_space<vmem>>, %arg19: memref<1x32xf32, #tpu.memory_space<vmem>>, %arg20: memref<1x1xf32, #tpu.memory_space<vmem>>, %arg21: memref<2x4096x8xf32, #tpu.memory_space<vmem>>, %arg22: memref<4096x64xf32, #tpu.memory_space<vmem>>, %arg23: memref<4096x64xf32, #tpu.memory_space<vmem>>, %arg24: memref<4096x64xf32, #tpu.memory_space<vmem>>, %arg25: memref<4096x64xf32, #tpu.memory_space<vmem>>, %arg26: memref<4096x64xf32, #tpu.memory_space<vmem>>) attributes {dimension_semantics = [], scalar_prefetch = 0 : i64, scratch_operands = 5 : i64, tpu.core_type = #tpu.core_type<tc>} {
    %get3A = arith.constant 0 : index
    %get3A_0 = arith.constant 0 : index
    %get3A_1 = vector.load %arg10[%get3A, %get3A_0] : memref<64x64xf32, #tpu.memory_space<vmem>>, vector<64x64xf32>
    %exp3A = math.exp %get3A_1 : vector<64x64xf32>
    %neg3A = arith.constant 0.000000e+00 : f32
    %neg3A_2 = vector.broadcast %neg3A : f32 to vector<64x64xf32>
    %neg3A_3 = arith.subf %neg3A_2, %exp3A : vector<64x64xf32>
    %broadcast_in_dim3A = arith.constant 1.000000e+00 : f32
    %broadcast_in_dim3A_4 = vector.broadcast %broadcast_in_dim3A : f32 to vector<1x64xf32>
    %get3A_5 = arith.constant 0 : index
    %get3A_6 = arith.constant 0 : index
    %get3A_7 = arith.constant 0 : index
    %get3A_8 = vector.load %arg0[%get3A_5, %get3A_6, %get3A_7] : memref<2x4096x32xf32, #tpu.memory_space<vmem>>, vector<1x4096x32xf32>
    %get3A_9 = vector.shape_cast %get3A_8 : vector<1x4096x32xf32> to vector<4096x32xf32>
    %get3A_10 = arith.constant 0 : index
    %get3A_11 = arith.constant 0 : index
    %get3A_12 = vector.load %arg2[%get3A_10, %get3A_11] : memref<32x128xf32, #tpu.memory_space<vmem>>, vector<32x128xf32>
    %dot_general3A = arith.constant dense<0.000000e+00> : vector<4096x128xf32>
    %dot_general3A_13 = tpu.matmul %get3A_9, %get3A_12, %dot_general3A {dimension_numbers = #tpu.dot_dimension_numbers<[1], [0], [0], [1], [0, 0, 1, 1], [], []>, transpose_lhs_hint = false} : vector<4096x32xf32>, vector<32x128xf32>, vector<4096x128xf32> -> vector<4096x128xf32>
    %slice3A = vector.extract_strided_slice %dot_general3A_13 {offsets = [0, 0], sizes = [4096, 64], strides = [1, 1]} : vector<4096x128xf32> to vector<4096x64xf32>
    %slice3A_14 = vector.extract_strided_slice %dot_general3A_13 {offsets = [0, 64], sizes = [4096, 64], strides = [1, 1]} : vector<4096x128xf32> to vector<4096x64xf32>
    %get3A_15 = arith.constant 0 : index
    %get3A_16 = arith.constant 0 : index
    %get3A_17 = vector.load %arg3[%get3A_15, %get3A_16] : memref<4x64xf32, #tpu.memory_space<vmem>>, vector<4x64xf32>
    %slice3A_18 = vector.extract_strided_slice %get3A_17 {offsets = [3, 0], sizes = [1, 64], strides = [1, 1]} : vector<4x64xf32> to vector<1x64xf32>
    %mul3A = vector.broadcast %slice3A_18 : vector<1x64xf32> to vector<4096x64xf32>
    %mul3A_19 = arith.mulf %slice3A, %mul3A : vector<4096x64xf32>
    %broadcast_in_dim3A_20 = arith.constant 0.000000e+00 : f32
    %broadcast_in_dim3A_21 = vector.broadcast %broadcast_in_dim3A_20 : f32 to vector<1x64xf32>
    %slice3A_22 = vector.extract_strided_slice %slice3A {offsets = [0, 0], sizes = [4095, 64], strides = [1, 1]} : vector<4096x64xf32> to vector<4095x64xf32>
    %concatenate3A = tpu.concatenate %broadcast_in_dim3A_21, %slice3A_22 in 0 : vector<1x64xf32>, vector<4095x64xf32> -> vector<4096x64xf32>
    %slice3A_23 = vector.extract_strided_slice %get3A_17 {offsets = [2, 0], sizes = [1, 64], strides = [1, 1]} : vector<4x64xf32> to vector<1x64xf32>
    %mul3A_24 = vector.broadcast %slice3A_23 : vector<1x64xf32> to vector<4096x64xf32>
    %mul3A_25 = arith.mulf %concatenate3A, %mul3A_24 : vector<4096x64xf32>
    %add3A = arith.addf %mul3A_19, %mul3A_25 : vector<4096x64xf32>
    %broadcast_in_dim3A_26 = arith.constant 0.000000e+00 : f32
    %broadcast_in_dim3A_27 = vector.broadcast %broadcast_in_dim3A_26 : f32 to vector<2x64xf32>
    %slice3A_28 = vector.extract_strided_slice %slice3A {offsets = [0, 0], sizes = [4094, 64], strides = [1, 1]} : vector<4096x64xf32> to vector<4094x64xf32>
    %concatenate3A_29 = tpu.concatenate %broadcast_in_dim3A_27, %slice3A_28 in 0 : vector<2x64xf32>, vector<4094x64xf32> -> vector<4096x64xf32>
    %slice3A_30 = vector.extract_strided_slice %get3A_17 {offsets = [1, 0], sizes = [1, 64], strides = [1, 1]} : vector<4x64xf32> to vector<1x64xf32>
    %mul3A_31 = vector.broadcast %slice3A_30 : vector<1x64xf32> to vector<4096x64xf32>
    %mul3A_32 = arith.mulf %concatenate3A_29, %mul3A_31 : vector<4096x64xf32>
    %add3A_33 = arith.addf %add3A, %mul3A_32 : vector<4096x64xf32>
    %broadcast_in_dim3A_34 = arith.constant 0.000000e+00 : f32
    %broadcast_in_dim3A_35 = vector.broadcast %broadcast_in_dim3A_34 : f32 to vector<3x64xf32>
    %slice3A_36 = vector.extract_strided_slice %slice3A {offsets = [0, 0], sizes = [4093, 64], strides = [1, 1]} : vector<4096x64xf32> to vector<4093x64xf32>
    %concatenate3A_37 = tpu.concatenate %broadcast_in_dim3A_35, %slice3A_36 in 0 : vector<3x64xf32>, vector<4093x64xf32> -> vector<4096x64xf32>
    %slice3A_38 = vector.extract_strided_slice %get3A_17 {offsets = [0, 0], sizes = [1, 64], strides = [1, 1]} : vector<4x64xf32> to vector<1x64xf32>
    %mul3A_39 = vector.broadcast %slice3A_38 : vector<1x64xf32> to vector<4096x64xf32>
    %mul3A_40 = arith.mulf %concatenate3A_37, %mul3A_39 : vector<4096x64xf32>
    %add3A_41 = arith.addf %add3A_33, %mul3A_40 : vector<4096x64xf32>
    %get3A_42 = arith.constant 0 : index
    %get3A_43 = arith.constant 0 : index
    %get3A_44 = vector.load %arg4[%get3A_42, %get3A_43] : memref<1x64xf32, #tpu.memory_space<vmem>>, vector<1x64xf32>
    %add3A_45 = vector.broadcast %get3A_44 : vector<1x64xf32> to vector<4096x64xf32>
    %add3A_46 = arith.addf %add3A_41, %add3A_45 : vector<4096x64xf32>
    %neg3A_47 = arith.constant 0.000000e+00 : f32
    %neg3A_48 = vector.broadcast %neg3A_47 : f32 to vector<4096x64xf32>
    %neg3A_49 = arith.subf %neg3A_48, %add3A_46 : vector<4096x64xf32>
    %exp3A_50 = math.exp %neg3A_49 : vector<4096x64xf32>
    %add3A_51 = arith.constant 1.000000e+00 : f32
    %add3A_52 = vector.broadcast %add3A_51 : f32 to vector<4096x64xf32>
    %add3A_53 = arith.addf %add3A_52, %exp3A_50 : vector<4096x64xf32>
    %div3A = arith.constant 1.000000e+00 : f32
    %div3A_54 = vector.broadcast %div3A : f32 to vector<4096x64xf32>
    %div3A_55 = arith.divf %div3A_54, %add3A_53 : vector<4096x64xf32>
    %mul3A_56 = arith.mulf %add3A_46, %div3A_55 : vector<4096x64xf32>
    %get3A_57 = arith.constant 0 : index
    %get3A_58 = arith.constant 0 : index
    %get3A_59 = vector.load %arg5[%get3A_57, %get3A_58] : memref<64x2xf32, #tpu.memory_space<vmem>>, vector<64x2xf32>
    %dot_general3A_60 = arith.constant dense<0.000000e+00> : vector<4096x2xf32>
    %dot_general3A_61 = tpu.matmul %mul3A_56, %get3A_59, %dot_general3A_60 {dimension_numbers = #tpu.dot_dimension_numbers<[1], [0], [0], [1], [0, 0, 1, 1], [], []>, transpose_lhs_hint = false} : vector<4096x64xf32>, vector<64x2xf32>, vector<4096x2xf32> -> vector<4096x2xf32>
    %get3A_62 = arith.constant 0 : index
    %get3A_63 = arith.constant 0 : index
    %get3A_64 = vector.load %arg8[%get3A_62, %get3A_63] : memref<2x64xf32, #tpu.memory_space<vmem>>, vector<2x64xf32>
    %dot_general3A_65 = arith.constant dense<0.000000e+00> : vector<4096x64xf32>
    %dot_general3A_66 = tpu.matmul %dot_general3A_61, %get3A_64, %dot_general3A_65 {dimension_numbers = #tpu.dot_dimension_numbers<[1], [0], [0], [1], [0, 0, 1, 1], [], []>, transpose_lhs_hint = false} : vector<4096x2xf32>, vector<2x64xf32>, vector<4096x64xf32> -> vector<4096x64xf32>
    %get3A_67 = arith.constant 0 : index
    %get3A_68 = arith.constant 0 : index
    %get3A_69 = vector.load %arg9[%get3A_67, %get3A_68] : memref<1x64xf32, #tpu.memory_space<vmem>>, vector<1x64xf32>
    %add3A_70 = vector.broadcast %get3A_69 : vector<1x64xf32> to vector<4096x64xf32>
    %add3A_71 = arith.addf %dot_general3A_66, %add3A_70 : vector<4096x64xf32>
    %max3A = arith.constant 0.000000e+00 : f32
    %max3A_72 = vector.broadcast %max3A : f32 to vector<4096x64xf32>
    %max3A_73 = arith.maximumf %add3A_71, %max3A_72 : vector<4096x64xf32>
    %abs3A = math.absf %add3A_71 : vector<4096x64xf32>
    %neg3A_74 = arith.constant 0.000000e+00 : f32
    %neg3A_75 = vector.broadcast %neg3A_74 : f32 to vector<4096x64xf32>
    %neg3A_76 = arith.subf %neg3A_75, %abs3A : vector<4096x64xf32>
    %exp3A_77 = math.exp %neg3A_76 : vector<4096x64xf32>
    %log1p3A = math.log1p %exp3A_77 : vector<4096x64xf32>
    %add3A_78 = arith.addf %max3A_73, %log1p3A : vector<4096x64xf32>
    %get3A_79 = arith.constant 0 : index
    %get3A_80 = arith.constant 0 : index
    %get3A_81 = vector.load %arg6[%get3A_79, %get3A_80] : memref<64x64xf32, #tpu.memory_space<vmem>>, vector<64x64xf32>
    %dot_general3A_82 = arith.constant dense<0.000000e+00> : vector<4096x64xf32>
    %dot_general3A_83 = tpu.matmul %mul3A_56, %get3A_81, %dot_general3A_82 {dimension_numbers = #tpu.dot_dimension_numbers<[1], [0], [0], [1], [0, 0, 1, 1], [], []>, transpose_lhs_hint = false} : vector<4096x64xf32>, vector<64x64xf32>, vector<4096x64xf32> -> vector<4096x64xf32>
    %get3A_84 = arith.constant 0 : index
    %get3A_85 = arith.constant 0 : index
    %get3A_86 = vector.load %arg7[%get3A_84, %get3A_85] : memref<64x64xf32, #tpu.memory_space<vmem>>, vector<64x64xf32>
    %dot_general3A_87 = arith.constant dense<0.000000e+00> : vector<4096x64xf32>
    %dot_general3A_88 = tpu.matmul %mul3A_56, %get3A_86, %dot_general3A_87 {dimension_numbers = #tpu.dot_dimension_numbers<[1], [0], [0], [1], [0, 0, 1, 1], [], []>, transpose_lhs_hint = false} : vector<4096x64xf32>, vector<64x64xf32>, vector<4096x64xf32> -> vector<4096x64xf32>
    %swap3A = arith.constant 0 : index
    %swap3A_89 = arith.constant 0 : index
    %swap3A_90 = vector.load %arg22[%swap3A, %swap3A_89] : memref<4096x64xf32, #tpu.memory_space<vmem>>, vector<4096x64xf32>
    tpu.vector_store %arg22[%swap3A, %swap3A_89], %add3A_78 {strides = array<i32>} : memref<4096x64xf32, #tpu.memory_space<vmem>>, vector<4096x64xf32>,
    %swap3A_91 = arith.constant 0 : index
    %swap3A_92 = arith.constant 0 : index
    %swap3A_93 = vector.load %arg23[%swap3A_91, %swap3A_92] : memref<4096x64xf32, #tpu.memory_space<vmem>>, vector<4096x64xf32>
    tpu.vector_store %arg23[%swap3A_91, %swap3A_92], %mul3A_56 {strides = array<i32>} : memref<4096x64xf32, #tpu.memory_space<vmem>>, vector<4096x64xf32>,
    %swap3A_94 = arith.constant 0 : index
    %swap3A_95 = arith.constant 0 : index
    %swap3A_96 = vector.load %arg24[%swap3A_94, %swap3A_95] : memref<4096x64xf32, #tpu.memory_space<vmem>>, vector<4096x64xf32>
    tpu.vector_store %arg24[%swap3A_94, %swap3A_95], %dot_general3A_83 {strides = array<i32>} : memref<4096x64xf32, #tpu.memory_space<vmem>>, vector<4096x64xf32>,
    %swap3A_97 = arith.constant 0 : index
    %swap3A_98 = arith.constant 0 : index
    %swap3A_99 = vector.load %arg25[%swap3A_97, %swap3A_98] : memref<4096x64xf32, #tpu.memory_space<vmem>>, vector<4096x64xf32>
    tpu.vector_store %arg25[%swap3A_97, %swap3A_98], %dot_general3A_88 {strides = array<i32>} : memref<4096x64xf32, #tpu.memory_space<vmem>>, vector<4096x64xf32>,
    %broadcast_in_dim3A_100 = arith.constant 0.000000e+00 : f32
    %broadcast_in_dim3A_101 = vector.broadcast %broadcast_in_dim3A_100 : f32 to vector<64x64xf32>
    %scan3A = arith.constant 0 : i32
    %scan3A_102 = arith.constant 4096 : i32
    %scan3A_103 = arith.addi %scan3A, %scan3A_102 : i32
    %scan3A_104 = arith.constant 1 : i32
    %scan3A_105 = scf.for %scan3A_463 = %scan3A to %scan3A_103 step %scan3A_104 iter_args(%scan3A_464 = %broadcast_in_dim3A_101) -> (vector<64x64xf32>)  : i32 {
      %get3A_465 = arith.index_cast %scan3A_463 : i32 to index
      %get3A_466 = arith.constant 0 : index
      %get3A_467 = vector.load %arg22[%get3A_465, %get3A_466] : memref<4096x64xf32, #tpu.memory_space<vmem>>, vector<1x64xf32>
      %get3A_468 = arith.index_cast %scan3A_463 : i32 to index
      %get3A_469 = arith.constant 0 : index
      %get3A_470 = vector.load %arg23[%get3A_468, %get3A_469] : memref<4096x64xf32, #tpu.memory_space<vmem>>, vector<1x64xf32>
      %get3A_471 = arith.index_cast %scan3A_463 : i32 to index
      %get3A_472 = arith.constant 0 : index
      %get3A_473 = vector.load %arg24[%get3A_471, %get3A_472] : memref<4096x64xf32, #tpu.memory_space<vmem>>, vector<1x64xf32>
      %get3A_474 = arith.index_cast %scan3A_463 : i32 to index
      %get3A_475 = arith.constant 0 : index
      %get3A_476 = vector.load %arg25[%get3A_474, %get3A_475] : memref<4096x64xf32, #tpu.memory_space<vmem>>, vector<1x64xf32>
      %dot_general3A_477 = arith.constant dense<0.000000e+00> : vector<64x64xf32>
      %dot_general3A_478 = tpu.matmul %get3A_473, %broadcast_in_dim3A_4, %dot_general3A_477 {dimension_numbers = #tpu.dot_dimension_numbers<[0], [0], [1], [1], [0, 1, 1, 1], [], []>, transpose_lhs_hint = false} : vector<1x64xf32>, vector<1x64xf32>, vector<64x64xf32> -> vector<64x64xf32>
      %mul3A_479 = vector.broadcast %get3A_467 : vector<1x64xf32> to vector<64x64xf32>
      %mul3A_480 = arith.mulf %neg3A_3, %mul3A_479 : vector<64x64xf32>
      %exp3A_481 = math.exp %mul3A_480 : vector<64x64xf32>
      %mul3A_482 = arith.mulf %exp3A_481, %scan3A_464 : vector<64x64xf32>
      %mul3A_483 = arith.mulf %get3A_467, %get3A_470 : vector<1x64xf32>
      %mul3A_484 = vector.broadcast %mul3A_483 : vector<1x64xf32> to vector<64x64xf32>
      %mul3A_485 = arith.mulf %dot_general3A_478, %mul3A_484 : vector<64x64xf32>
      %add3A_486 = arith.addf %mul3A_482, %mul3A_485 : vector<64x64xf32>
      %dot_general3A_487 = arith.constant dense<0.000000e+00> : vector<1x64xf32>
      %dot_general3A_488 = tpu.matmul %get3A_476, %add3A_486, %dot_general3A_487 {dimension_numbers = #tpu.dot_dimension_numbers<[1], [0], [0], [1], [0, 0, 1, 1], [], []>, transpose_lhs_hint = false} : vector<1x64xf32>, vector<64x64xf32>, vector<1x64xf32> -> vector<1x64xf32>
      %swap3A_489 = arith.index_cast %scan3A_463 : i32 to index
      %swap3A_490 = arith.constant 0 : index
      %swap3A_491 = vector.load %arg26[%swap3A_489, %swap3A_490] : memref<4096x64xf32, #tpu.memory_space<vmem>>, vector<1x64xf32>
      tpu.vector_store %arg26[%swap3A_489, %swap3A_490], %dot_general3A_488 {strides = array<i32>} : memref<4096x64xf32, #tpu.memory_space<vmem>>, vector<1x64xf32>,
      scf.yield %add3A_486 : vector<64x64xf32>
    }
    %scan3A_106 = arith.constant 4096 : i32
    %get3A_107 = arith.constant 0 : index
    %get3A_108 = arith.constant 0 : index
    %get3A_109 = vector.load %arg26[%get3A_107, %get3A_108] : memref<4096x64xf32, #tpu.memory_space<vmem>>, vector<4096x64xf32>
    %get3A_110 = arith.constant 0 : index
    %get3A_111 = arith.constant 0 : index
    %get3A_112 = vector.load %arg11[%get3A_110, %get3A_111] : memref<1x64xf32, #tpu.memory_space<vmem>>, vector<1x64xf32>
    %mul3A_113 = vector.broadcast %get3A_112 : vector<1x64xf32> to vector<4096x64xf32>
    %mul3A_114 = arith.mulf %mul3A_56, %mul3A_113 : vector<4096x64xf32>
    %add3A_115 = arith.addf %get3A_109, %mul3A_114 : vector<4096x64xf32>
    %neg3A_116 = arith.constant 0.000000e+00 : f32
    %neg3A_117 = vector.broadcast %neg3A_116 : f32 to vector<4096x64xf32>
    %neg3A_118 = arith.subf %neg3A_117, %slice3A_14 : vector<4096x64xf32>
    %exp3A_119 = math.exp %neg3A_118 : vector<4096x64xf32>
    %add3A_120 = arith.constant 1.000000e+00 : f32
    %add3A_121 = vector.broadcast %add3A_120 : f32 to vector<4096x64xf32>
    %add3A_122 = arith.addf %add3A_121, %exp3A_119 : vector<4096x64xf32>
    %div3A_123 = arith.constant 1.000000e+00 : f32
    %div3A_124 = vector.broadcast %div3A_123 : f32 to vector<4096x64xf32>
    %div3A_125 = arith.divf %div3A_124, %add3A_122 : vector<4096x64xf32>
    %mul3A_126 = arith.mulf %slice3A_14, %div3A_125 : vector<4096x64xf32>
    %mul3A_127 = arith.mulf %add3A_115, %mul3A_126 : vector<4096x64xf32>
    %get3A_128 = arith.constant 0 : index
    %get3A_129 = arith.constant 0 : index
    %get3A_130 = vector.load %arg12[%get3A_128, %get3A_129] : memref<64x32xf32, #tpu.memory_space<vmem>>, vector<64x32xf32>
    %dot_general3A_131 = arith.constant dense<0.000000e+00> : vector<4096x32xf32>
    %dot_general3A_132 = tpu.matmul %mul3A_127, %get3A_130, %dot_general3A_131 {dimension_numbers = #tpu.dot_dimension_numbers<[1], [0], [0], [1], [0, 0, 1, 1], [], []>, transpose_lhs_hint = false} : vector<4096x64xf32>, vector<64x32xf32>, vector<4096x32xf32> -> vector<4096x32xf32>
    %get3A_133 = arith.constant 0 : index
    %get3A_134 = arith.constant 0 : index
    %get3A_135 = arith.constant 0 : index
    %get3A_136 = vector.load %arg1[%get3A_133, %get3A_134, %get3A_135] : memref<2x4096x32xf32, #tpu.memory_space<vmem>>, vector<1x4096x32xf32>
    %get3A_137 = vector.shape_cast %get3A_136 : vector<1x4096x32xf32> to vector<4096x32xf32>
    %add3A_138 = arith.addf %dot_general3A_132, %get3A_137 : vector<4096x32xf32>
    %get3A_139 = arith.constant 0 : index
    %get3A_140 = arith.constant 0 : index
    %get3A_141 = vector.load %arg13[%get3A_139, %get3A_140] : memref<1x32xf32, #tpu.memory_space<vmem>>, vector<1x32xf32>
    %get3A_142 = arith.constant 0 : index
    %get3A_143 = arith.constant 0 : index
    %get3A_144 = vector.load %arg14[%get3A_142, %get3A_143] : memref<1x32xf32, #tpu.memory_space<vmem>>, vector<1x32xf32>
    %reduce_sum3A = arith.constant dense<0.000000e+00> : vector<4096xf32>
    %reduce_sum3A_145 = vector.multi_reduction <add>, %add3A_138, %reduce_sum3A [1] : vector<4096x32xf32> to vector<4096xf32>
    %broadcast_in_dim3A_146 = vector.shape_cast %reduce_sum3A_145 : vector<4096xf32> to vector<4096x1xf32>
    %div3A_147 = arith.constant 3.200000e+01 : f32
    %div3A_148 = vector.broadcast %div3A_147 : f32 to vector<4096x1xf32>
    %div3A_149 = arith.divf %broadcast_in_dim3A_146, %div3A_148 : vector<4096x1xf32>
    %sub3A = vector.broadcast %div3A_149 : vector<4096x1xf32> to vector<4096x32xf32>
    %sub3A_150 = arith.subf %add3A_138, %sub3A : vector<4096x32xf32>
    %integer_pow3A = arith.mulf %sub3A_150, %sub3A_150 : vector<4096x32xf32>
    %reduce_sum3A_151 = arith.constant dense<0.000000e+00> : vector<4096xf32>
    %reduce_sum3A_152 = vector.multi_reduction <add>, %integer_pow3A, %reduce_sum3A_151 [1] : vector<4096x32xf32> to vector<4096xf32>
    %broadcast_in_dim3A_153 = vector.shape_cast %reduce_sum3A_152 : vector<4096xf32> to vector<4096x1xf32>
    %div3A_154 = arith.constant 3.200000e+01 : f32
    %div3A_155 = vector.broadcast %div3A_154 : f32 to vector<4096x1xf32>
    %div3A_156 = arith.divf %broadcast_in_dim3A_153, %div3A_155 : vector<4096x1xf32>
    %sub3A_157 = vector.broadcast %div3A_149 : vector<4096x1xf32> to vector<4096x32xf32>
    %sub3A_158 = arith.subf %add3A_138, %sub3A_157 : vector<4096x32xf32>
    %add3A_159 = arith.constant 9.99999974E-6 : f32
    %add3A_160 = vector.broadcast %add3A_159 : f32 to vector<4096x1xf32>
    %add3A_161 = arith.addf %div3A_156, %add3A_160 : vector<4096x1xf32>
    %sqrt3A = math.sqrt %add3A_161 : vector<4096x1xf32>
    %div3A_162 = vector.broadcast %sqrt3A : vector<4096x1xf32> to vector<4096x32xf32>
    %div3A_163 = arith.divf %sub3A_158, %div3A_162 : vector<4096x32xf32>
    %mul3A_164 = vector.broadcast %get3A_141 : vector<1x32xf32> to vector<4096x32xf32>
    %mul3A_165 = arith.mulf %div3A_163, %mul3A_164 : vector<4096x32xf32>
    %add3A_166 = vector.broadcast %get3A_144 : vector<1x32xf32> to vector<4096x32xf32>
    %add3A_167 = arith.addf %mul3A_165, %add3A_166 : vector<4096x32xf32>
    %get3A_168 = arith.constant 0 : index
    %get3A_169 = arith.constant 0 : index
    %get3A_170 = vector.load %arg15[%get3A_168, %get3A_169] : memref<32x128xf32, #tpu.memory_space<vmem>>, vector<32x128xf32>
    %dot_general3A_171 = arith.constant dense<0.000000e+00> : vector<4096x128xf32>
    %dot_general3A_172 = tpu.matmul %add3A_167, %get3A_170, %dot_general3A_171 {dimension_numbers = #tpu.dot_dimension_numbers<[1], [0], [0], [1], [0, 0, 1, 1], [], []>, transpose_lhs_hint = false} : vector<4096x32xf32>, vector<32x128xf32>, vector<4096x128xf32> -> vector<4096x128xf32>
    %get3A_173 = arith.constant 0 : index
    %get3A_174 = arith.constant 0 : index
    %get3A_175 = vector.load %arg16[%get3A_173, %get3A_174] : memref<1x128xf32, #tpu.memory_space<vmem>>, vector<1x128xf32>
    %add3A_176 = vector.broadcast %get3A_175 : vector<1x128xf32> to vector<4096x128xf32>
    %add3A_177 = arith.addf %dot_general3A_172, %add3A_176 : vector<4096x128xf32>
    %mul3A_178 = arith.constant 5.000000e-01 : f32
    %mul3A_179 = vector.broadcast %mul3A_178 : f32 to vector<4096x128xf32>
    %mul3A_180 = arith.mulf %mul3A_179, %add3A_177 : vector<4096x128xf32>
    %mul3A_181 = arith.mulf %add3A_177, %add3A_177 : vector<4096x128xf32>
    %mul3A_182 = arith.mulf %mul3A_181, %add3A_177 : vector<4096x128xf32>
    %mul3A_183 = arith.constant 4.471500e-02 : f32
    %mul3A_184 = vector.broadcast %mul3A_183 : f32 to vector<4096x128xf32>
    %mul3A_185 = arith.mulf %mul3A_184, %mul3A_182 : vector<4096x128xf32>
    %add3A_186 = arith.addf %add3A_177, %mul3A_185 : vector<4096x128xf32>
    %mul3A_187 = arith.constant 0.797884583 : f32
    %mul3A_188 = vector.broadcast %mul3A_187 : f32 to vector<4096x128xf32>
    %mul3A_189 = arith.mulf %mul3A_188, %add3A_186 : vector<4096x128xf32>
    %tanh3A = math.tanh %mul3A_189 : vector<4096x128xf32>
    %add3A_190 = arith.constant 1.000000e+00 : f32
    %add3A_191 = vector.broadcast %add3A_190 : f32 to vector<4096x128xf32>
    %add3A_192 = arith.addf %add3A_191, %tanh3A : vector<4096x128xf32>
    %mul3A_193 = arith.mulf %mul3A_180, %add3A_192 : vector<4096x128xf32>
    %get3A_194 = arith.constant 0 : index
    %get3A_195 = arith.constant 0 : index
    %get3A_196 = vector.load %arg17[%get3A_194, %get3A_195] : memref<128x32xf32, #tpu.memory_space<vmem>>, vector<128x32xf32>
    %dot_general3A_197 = arith.constant dense<0.000000e+00> : vector<4096x32xf32>
    %dot_general3A_198 = tpu.matmul %mul3A_193, %get3A_196, %dot_general3A_197 {dimension_numbers = #tpu.dot_dimension_numbers<[1], [0], [0], [1], [0, 0, 1, 1], [], []>, transpose_lhs_hint = false} : vector<4096x128xf32>, vector<128x32xf32>, vector<4096x32xf32> -> vector<4096x32xf32>
    %get3A_199 = arith.constant 0 : index
    %get3A_200 = arith.constant 0 : index
    %get3A_201 = vector.load %arg18[%get3A_199, %get3A_200] : memref<1x32xf32, #tpu.memory_space<vmem>>, vector<1x32xf32>
    %add3A_202 = vector.broadcast %get3A_201 : vector<1x32xf32> to vector<4096x32xf32>
    %add3A_203 = arith.addf %dot_general3A_198, %add3A_202 : vector<4096x32xf32>
    %add3A_204 = arith.addf %add3A_203, %add3A_138 : vector<4096x32xf32>
    %get3A_205 = arith.constant 0 : index
    %get3A_206 = arith.constant 0 : index
    %get3A_207 = vector.load %arg19[%get3A_205, %get3A_206] : memref<1x32xf32, #tpu.memory_space<vmem>>, vector<1x32xf32>
    %mul3A_208 = vector.broadcast %get3A_207 : vector<1x32xf32> to vector<4096x32xf32>
    %mul3A_209 = arith.mulf %add3A_204, %mul3A_208 : vector<4096x32xf32>
    %reduce_sum3A_210 = arith.constant dense<0.000000e+00> : vector<4096xf32>
    %reduce_sum3A_211 = vector.multi_reduction <add>, %mul3A_209, %reduce_sum3A_210 [1] : vector<4096x32xf32> to vector<4096xf32>
    %broadcast_in_dim3A_212 = vector.shape_cast %reduce_sum3A_211 : vector<4096xf32> to vector<4096x1xf32>
    %get3A_213 = arith.constant 0 : index
    %get3A_214 = arith.constant 0 : index
    %get3A_215 = vector.load %arg20[%get3A_213, %get3A_214] : memref<1x1xf32, #tpu.memory_space<vmem>>, vector<1x1xf32>
    %add3A_216 = vector.broadcast %get3A_215 : vector<1x1xf32> to vector<4096x1xf32>
    %add3A_217 = arith.addf %broadcast_in_dim3A_212, %add3A_216 : vector<4096x1xf32>
    %broadcast_in_dim3A_218 = vector.shape_cast %add3A_217 : vector<4096x1xf32> to vector<4096x1xf32>
    %broadcast_in_dim3A_219 = vector.broadcast %broadcast_in_dim3A_218 : vector<4096x1xf32> to vector<4096x8xf32>
    %swap3A_220 = arith.constant 0 : index
    %swap3A_221 = arith.constant 0 : index
    %swap3A_222 = arith.constant 0 : index
    %swap3A_223 = vector.load %arg21[%swap3A_220, %swap3A_221, %swap3A_222] : memref<2x4096x8xf32, #tpu.memory_space<vmem>>, vector<1x4096x8xf32>
    %swap3A_224 = vector.shape_cast %swap3A_223 : vector<1x4096x8xf32> to vector<4096x8xf32>
    %swap3A_225 = vector.shape_cast %broadcast_in_dim3A_219 : vector<4096x8xf32> to vector<1x4096x8xf32>
    tpu.vector_store %arg21[%swap3A_220, %swap3A_221, %swap3A_222], %swap3A_225 {strides = array<i32>} : memref<2x4096x8xf32, #tpu.memory_space<vmem>>, vector<1x4096x8xf32>,
    %get3A_226 = arith.constant 1 : index
    %get3A_227 = arith.constant 0 : index
    %get3A_228 = arith.constant 0 : index
    %get3A_229 = vector.load %arg0[%get3A_226, %get3A_227, %get3A_228] : memref<2x4096x32xf32, #tpu.memory_space<vmem>>, vector<1x4096x32xf32>
    %get3A_230 = vector.shape_cast %get3A_229 : vector<1x4096x32xf32> to vector<4096x32xf32>
    %get3A_231 = arith.constant 0 : index
    %get3A_232 = arith.constant 0 : index
    %get3A_233 = vector.load %arg2[%get3A_231, %get3A_232] : memref<32x128xf32, #tpu.memory_space<vmem>>, vector<32x128xf32>
    %dot_general3A_234 = arith.constant dense<0.000000e+00> : vector<4096x128xf32>
    %dot_general3A_235 = tpu.matmul %get3A_230, %get3A_233, %dot_general3A_234 {dimension_numbers = #tpu.dot_dimension_numbers<[1], [0], [0], [1], [0, 0, 1, 1], [], []>, transpose_lhs_hint = false} : vector<4096x32xf32>, vector<32x128xf32>, vector<4096x128xf32> -> vector<4096x128xf32>
    %slice3A_236 = vector.extract_strided_slice %dot_general3A_235 {offsets = [0, 0], sizes = [4096, 64], strides = [1, 1]} : vector<4096x128xf32> to vector<4096x64xf32>
    %slice3A_237 = vector.extract_strided_slice %dot_general3A_235 {offsets = [0, 64], sizes = [4096, 64], strides = [1, 1]} : vector<4096x128xf32> to vector<4096x64xf32>
    %get3A_238 = arith.constant 0 : index
    %get3A_239 = arith.constant 0 : index
    %get3A_240 = vector.load %arg3[%get3A_238, %get3A_239] : memref<4x64xf32, #tpu.memory_space<vmem>>, vector<4x64xf32>
    %slice3A_241 = vector.extract_strided_slice %get3A_240 {offsets = [3, 0], sizes = [1, 64], strides = [1, 1]} : vector<4x64xf32> to vector<1x64xf32>
    %mul3A_242 = vector.broadcast %slice3A_241 : vector<1x64xf32> to vector<4096x64xf32>
    %mul3A_243 = arith.mulf %slice3A_236, %mul3A_242 : vector<4096x64xf32>
    %broadcast_in_dim3A_244 = arith.constant 0.000000e+00 : f32
    %broadcast_in_dim3A_245 = vector.broadcast %broadcast_in_dim3A_244 : f32 to vector<1x64xf32>
    %slice3A_246 = vector.extract_strided_slice %slice3A_236 {offsets = [0, 0], sizes = [4095, 64], strides = [1, 1]} : vector<4096x64xf32> to vector<4095x64xf32>
    %concatenate3A_247 = tpu.concatenate %broadcast_in_dim3A_245, %slice3A_246 in 0 : vector<1x64xf32>, vector<4095x64xf32> -> vector<4096x64xf32>
    %slice3A_248 = vector.extract_strided_slice %get3A_240 {offsets = [2, 0], sizes = [1, 64], strides = [1, 1]} : vector<4x64xf32> to vector<1x64xf32>
    %mul3A_249 = vector.broadcast %slice3A_248 : vector<1x64xf32> to vector<4096x64xf32>
    %mul3A_250 = arith.mulf %concatenate3A_247, %mul3A_249 : vector<4096x64xf32>
    %add3A_251 = arith.addf %mul3A_243, %mul3A_250 : vector<4096x64xf32>
    %broadcast_in_dim3A_252 = arith.constant 0.000000e+00 : f32
    %broadcast_in_dim3A_253 = vector.broadcast %broadcast_in_dim3A_252 : f32 to vector<2x64xf32>
    %slice3A_254 = vector.extract_strided_slice %slice3A_236 {offsets = [0, 0], sizes = [4094, 64], strides = [1, 1]} : vector<4096x64xf32> to vector<4094x64xf32>
    %concatenate3A_255 = tpu.concatenate %broadcast_in_dim3A_253, %slice3A_254 in 0 : vector<2x64xf32>, vector<4094x64xf32> -> vector<4096x64xf32>
    %slice3A_256 = vector.extract_strided_slice %get3A_240 {offsets = [1, 0], sizes = [1, 64], strides = [1, 1]} : vector<4x64xf32> to vector<1x64xf32>
    %mul3A_257 = vector.broadcast %slice3A_256 : vector<1x64xf32> to vector<4096x64xf32>
    %mul3A_258 = arith.mulf %concatenate3A_255, %mul3A_257 : vector<4096x64xf32>
    %add3A_259 = arith.addf %add3A_251, %mul3A_258 : vector<4096x64xf32>
    %broadcast_in_dim3A_260 = arith.constant 0.000000e+00 : f32
    %broadcast_in_dim3A_261 = vector.broadcast %broadcast_in_dim3A_260 : f32 to vector<3x64xf32>
    %slice3A_262 = vector.extract_strided_slice %slice3A_236 {offsets = [0, 0], sizes = [4093, 64], strides = [1, 1]} : vector<4096x64xf32> to vector<4093x64xf32>
    %concatenate3A_263 = tpu.concatenate %broadcast_in_dim3A_261, %slice3A_262 in 0 : vector<3x64xf32>, vector<4093x64xf32> -> vector<4096x64xf32>
    %slice3A_264 = vector.extract_strided_slice %get3A_240 {offsets = [0, 0], sizes = [1, 64], strides = [1, 1]} : vector<4x64xf32> to vector<1x64xf32>
    %mul3A_265 = vector.broadcast %slice3A_264 : vector<1x64xf32> to vector<4096x64xf32>
    %mul3A_266 = arith.mulf %concatenate3A_263, %mul3A_265 : vector<4096x64xf32>
    %add3A_267 = arith.addf %add3A_259, %mul3A_266 : vector<4096x64xf32>
    %get3A_268 = arith.constant 0 : index
    %get3A_269 = arith.constant 0 : index
    %get3A_270 = vector.load %arg4[%get3A_268, %get3A_269] : memref<1x64xf32, #tpu.memory_space<vmem>>, vector<1x64xf32>
    %add3A_271 = vector.broadcast %get3A_270 : vector<1x64xf32> to vector<4096x64xf32>
    %add3A_272 = arith.addf %add3A_267, %add3A_271 : vector<4096x64xf32>
    %neg3A_273 = arith.constant 0.000000e+00 : f32
    %neg3A_274 = vector.broadcast %neg3A_273 : f32 to vector<4096x64xf32>
    %neg3A_275 = arith.subf %neg3A_274, %add3A_272 : vector<4096x64xf32>
    %exp3A_276 = math.exp %neg3A_275 : vector<4096x64xf32>
    %add3A_277 = arith.constant 1.000000e+00 : f32
    %add3A_278 = vector.broadcast %add3A_277 : f32 to vector<4096x64xf32>
    %add3A_279 = arith.addf %add3A_278, %exp3A_276 : vector<4096x64xf32>
    %div3A_280 = arith.constant 1.000000e+00 : f32
    %div3A_281 = vector.broadcast %div3A_280 : f32 to vector<4096x64xf32>
    %div3A_282 = arith.divf %div3A_281, %add3A_279 : vector<4096x64xf32>
    %mul3A_283 = arith.mulf %add3A_272, %div3A_282 : vector<4096x64xf32>
    %get3A_284 = arith.constant 0 : index
    %get3A_285 = arith.constant 0 : index
    %get3A_286 = vector.load %arg5[%get3A_284, %get3A_285] : memref<64x2xf32, #tpu.memory_space<vmem>>, vector<64x2xf32>
    %dot_general3A_287 = arith.constant dense<0.000000e+00> : vector<4096x2xf32>
    %dot_general3A_288 = tpu.matmul %mul3A_283, %get3A_286, %dot_general3A_287 {dimension_numbers = #tpu.dot_dimension_numbers<[1], [0], [0], [1], [0, 0, 1, 1], [], []>, transpose_lhs_hint = false} : vector<4096x64xf32>, vector<64x2xf32>, vector<4096x2xf32> -> vector<4096x2xf32>
    %get3A_289 = arith.constant 0 : index
    %get3A_290 = arith.constant 0 : index
    %get3A_291 = vector.load %arg8[%get3A_289, %get3A_290] : memref<2x64xf32, #tpu.memory_space<vmem>>, vector<2x64xf32>
    %dot_general3A_292 = arith.constant dense<0.000000e+00> : vector<4096x64xf32>
    %dot_general3A_293 = tpu.matmul %dot_general3A_288, %get3A_291, %dot_general3A_292 {dimension_numbers = #tpu.dot_dimension_numbers<[1], [0], [0], [1], [0, 0, 1, 1], [], []>, transpose_lhs_hint = false} : vector<4096x2xf32>, vector<2x64xf32>, vector<4096x64xf32> -> vector<4096x64xf32>
    %get3A_294 = arith.constant 0 : index
    %get3A_295 = arith.constant 0 : index
    %get3A_296 = vector.load %arg9[%get3A_294, %get3A_295] : memref<1x64xf32, #tpu.memory_space<vmem>>, vector<1x64xf32>
    %add3A_297 = vector.broadcast %get3A_296 : vector<1x64xf32> to vector<4096x64xf32>
    %add3A_298 = arith.addf %dot_general3A_293, %add3A_297 : vector<4096x64xf32>
    %max3A_299 = arith.constant 0.000000e+00 : f32
    %max3A_300 = vector.broadcast %max3A_299 : f32 to vector<4096x64xf32>
    %max3A_301 = arith.maximumf %add3A_298, %max3A_300 : vector<4096x64xf32>
    %abs3A_302 = math.absf %add3A_298 : vector<4096x64xf32>
    %neg3A_303 = arith.constant 0.000000e+00 : f32
    %neg3A_304 = vector.broadcast %neg3A_303 : f32 to vector<4096x64xf32>
    %neg3A_305 = arith.subf %neg3A_304, %abs3A_302 : vector<4096x64xf32>
    %exp3A_306 = math.exp %neg3A_305 : vector<4096x64xf32>
    %log1p3A_307 = math.log1p %exp3A_306 : vector<4096x64xf32>
    %add3A_308 = arith.addf %max3A_301, %log1p3A_307 : vector<4096x64xf32>
    %get3A_309 = arith.constant 0 : index
    %get3A_310 = arith.constant 0 : index
    %get3A_311 = vector.load %arg6[%get3A_309, %get3A_310] : memref<64x64xf32, #tpu.memory_space<vmem>>, vector<64x64xf32>
    %dot_general3A_312 = arith.constant dense<0.000000e+00> : vector<4096x64xf32>
    %dot_general3A_313 = tpu.matmul %mul3A_283, %get3A_311, %dot_general3A_312 {dimension_numbers = #tpu.dot_dimension_numbers<[1], [0], [0], [1], [0, 0, 1, 1], [], []>, transpose_lhs_hint = false} : vector<4096x64xf32>, vector<64x64xf32>, vector<4096x64xf32> -> vector<4096x64xf32>
    %get3A_314 = arith.constant 0 : index
    %get3A_315 = arith.constant 0 : index
    %get3A_316 = vector.load %arg7[%get3A_314, %get3A_315] : memref<64x64xf32, #tpu.memory_space<vmem>>, vector<64x64xf32>
    %dot_general3A_317 = arith.constant dense<0.000000e+00> : vector<4096x64xf32>
    %dot_general3A_318 = tpu.matmul %mul3A_283, %get3A_316, %dot_general3A_317 {dimension_numbers = #tpu.dot_dimension_numbers<[1], [0], [0], [1], [0, 0, 1, 1], [], []>, transpose_lhs_hint = false} : vector<4096x64xf32>, vector<64x64xf32>, vector<4096x64xf32> -> vector<4096x64xf32>
    %swap3A_319 = arith.constant 0 : index
    %swap3A_320 = arith.constant 0 : index
    %swap3A_321 = vector.load %arg22[%swap3A_319, %swap3A_320] : memref<4096x64xf32, #tpu.memory_space<vmem>>, vector<4096x64xf32>
    tpu.vector_store %arg22[%swap3A_319, %swap3A_320], %add3A_308 {strides = array<i32>} : memref<4096x64xf32, #tpu.memory_space<vmem>>, vector<4096x64xf32>,
    %swap3A_322 = arith.constant 0 : index
    %swap3A_323 = arith.constant 0 : index
    %swap3A_324 = vector.load %arg23[%swap3A_322, %swap3A_323] : memref<4096x64xf32, #tpu.memory_space<vmem>>, vector<4096x64xf32>
    tpu.vector_store %arg23[%swap3A_322, %swap3A_323], %mul3A_283 {strides = array<i32>} : memref<4096x64xf32, #tpu.memory_space<vmem>>, vector<4096x64xf32>,
    %swap3A_325 = arith.constant 0 : index
    %swap3A_326 = arith.constant 0 : index
    %swap3A_327 = vector.load %arg24[%swap3A_325, %swap3A_326] : memref<4096x64xf32, #tpu.memory_space<vmem>>, vector<4096x64xf32>
    tpu.vector_store %arg24[%swap3A_325, %swap3A_326], %dot_general3A_313 {strides = array<i32>} : memref<4096x64xf32, #tpu.memory_space<vmem>>, vector<4096x64xf32>,
    %swap3A_328 = arith.constant 0 : index
    %swap3A_329 = arith.constant 0 : index
    %swap3A_330 = vector.load %arg25[%swap3A_328, %swap3A_329] : memref<4096x64xf32, #tpu.memory_space<vmem>>, vector<4096x64xf32>
    tpu.vector_store %arg25[%swap3A_328, %swap3A_329], %dot_general3A_318 {strides = array<i32>} : memref<4096x64xf32, #tpu.memory_space<vmem>>, vector<4096x64xf32>,
    %broadcast_in_dim3A_331 = arith.constant 0.000000e+00 : f32
    %broadcast_in_dim3A_332 = vector.broadcast %broadcast_in_dim3A_331 : f32 to vector<64x64xf32>
    %scan3A_333 = arith.constant 0 : i32
    %scan3A_334 = arith.constant 4096 : i32
    %scan3A_335 = arith.addi %scan3A_333, %scan3A_334 : i32
    %scan3A_336 = arith.constant 1 : i32
    %scan3A_337 = scf.for %scan3A_463 = %scan3A_333 to %scan3A_335 step %scan3A_336 iter_args(%scan3A_464 = %broadcast_in_dim3A_332) -> (vector<64x64xf32>)  : i32 {
      %get3A_465 = arith.index_cast %scan3A_463 : i32 to index
      %get3A_466 = arith.constant 0 : index
      %get3A_467 = vector.load %arg22[%get3A_465, %get3A_466] : memref<4096x64xf32, #tpu.memory_space<vmem>>, vector<1x64xf32>
      %get3A_468 = arith.index_cast %scan3A_463 : i32 to index
      %get3A_469 = arith.constant 0 : index
      %get3A_470 = vector.load %arg23[%get3A_468, %get3A_469] : memref<4096x64xf32, #tpu.memory_space<vmem>>, vector<1x64xf32>
      %get3A_471 = arith.index_cast %scan3A_463 : i32 to index
      %get3A_472 = arith.constant 0 : index
      %get3A_473 = vector.load %arg24[%get3A_471, %get3A_472] : memref<4096x64xf32, #tpu.memory_space<vmem>>, vector<1x64xf32>
      %get3A_474 = arith.index_cast %scan3A_463 : i32 to index
      %get3A_475 = arith.constant 0 : index
      %get3A_476 = vector.load %arg25[%get3A_474, %get3A_475] : memref<4096x64xf32, #tpu.memory_space<vmem>>, vector<1x64xf32>
      %dot_general3A_477 = arith.constant dense<0.000000e+00> : vector<64x64xf32>
      %dot_general3A_478 = tpu.matmul %get3A_473, %broadcast_in_dim3A_4, %dot_general3A_477 {dimension_numbers = #tpu.dot_dimension_numbers<[0], [0], [1], [1], [0, 1, 1, 1], [], []>, transpose_lhs_hint = false} : vector<1x64xf32>, vector<1x64xf32>, vector<64x64xf32> -> vector<64x64xf32>
      %mul3A_479 = vector.broadcast %get3A_467 : vector<1x64xf32> to vector<64x64xf32>
      %mul3A_480 = arith.mulf %neg3A_3, %mul3A_479 : vector<64x64xf32>
      %exp3A_481 = math.exp %mul3A_480 : vector<64x64xf32>
      %mul3A_482 = arith.mulf %exp3A_481, %scan3A_464 : vector<64x64xf32>
      %mul3A_483 = arith.mulf %get3A_467, %get3A_470 : vector<1x64xf32>
      %mul3A_484 = vector.broadcast %mul3A_483 : vector<1x64xf32> to vector<64x64xf32>
      %mul3A_485 = arith.mulf %dot_general3A_478, %mul3A_484 : vector<64x64xf32>
      %add3A_486 = arith.addf %mul3A_482, %mul3A_485 : vector<64x64xf32>
      %dot_general3A_487 = arith.constant dense<0.000000e+00> : vector<1x64xf32>
      %dot_general3A_488 = tpu.matmul %get3A_476, %add3A_486, %dot_general3A_487 {dimension_numbers = #tpu.dot_dimension_numbers<[1], [0], [0], [1], [0, 0, 1, 1], [], []>, transpose_lhs_hint = false} : vector<1x64xf32>, vector<64x64xf32>, vector<1x64xf32> -> vector<1x64xf32>
      %swap3A_489 = arith.index_cast %scan3A_463 : i32 to index
      %swap3A_490 = arith.constant 0 : index
      %swap3A_491 = vector.load %arg26[%swap3A_489, %swap3A_490] : memref<4096x64xf32, #tpu.memory_space<vmem>>, vector<1x64xf32>
      tpu.vector_store %arg26[%swap3A_489, %swap3A_490], %dot_general3A_488 {strides = array<i32>} : memref<4096x64xf32, #tpu.memory_space<vmem>>, vector<1x64xf32>,
      scf.yield %add3A_486 : vector<64x64xf32>
    }
    %scan3A_338 = arith.constant 4096 : i32
    %get3A_339 = arith.constant 0 : index
    %get3A_340 = arith.constant 0 : index
    %get3A_341 = vector.load %arg26[%get3A_339, %get3A_340] : memref<4096x64xf32, #tpu.memory_space<vmem>>, vector<4096x64xf32>
    %get3A_342 = arith.constant 0 : index
    %get3A_343 = arith.constant 0 : index
    %get3A_344 = vector.load %arg11[%get3A_342, %get3A_343] : memref<1x64xf32, #tpu.memory_space<vmem>>, vector<1x64xf32>
    %mul3A_345 = vector.broadcast %get3A_344 : vector<1x64xf32> to vector<4096x64xf32>
    %mul3A_346 = arith.mulf %mul3A_283, %mul3A_345 : vector<4096x64xf32>
    %add3A_347 = arith.addf %get3A_341, %mul3A_346 : vector<4096x64xf32>
    %neg3A_348 = arith.constant 0.000000e+00 : f32
    %neg3A_349 = vector.broadcast %neg3A_348 : f32 to vector<4096x64xf32>
    %neg3A_350 = arith.subf %neg3A_349, %slice3A_237 : vector<4096x64xf32>
    %exp3A_351 = math.exp %neg3A_350 : vector<4096x64xf32>
    %add3A_352 = arith.constant 1.000000e+00 : f32
    %add3A_353 = vector.broadcast %add3A_352 : f32 to vector<4096x64xf32>
    %add3A_354 = arith.addf %add3A_353, %exp3A_351 : vector<4096x64xf32>
    %div3A_355 = arith.constant 1.000000e+00 : f32
    %div3A_356 = vector.broadcast %div3A_355 : f32 to vector<4096x64xf32>
    %div3A_357 = arith.divf %div3A_356, %add3A_354 : vector<4096x64xf32>
    %mul3A_358 = arith.mulf %slice3A_237, %div3A_357 : vector<4096x64xf32>
    %mul3A_359 = arith.mulf %add3A_347, %mul3A_358 : vector<4096x64xf32>
    %get3A_360 = arith.constant 0 : index
    %get3A_361 = arith.constant 0 : index
    %get3A_362 = vector.load %arg12[%get3A_360, %get3A_361] : memref<64x32xf32, #tpu.memory_space<vmem>>, vector<64x32xf32>
    %dot_general3A_363 = arith.constant dense<0.000000e+00> : vector<4096x32xf32>
    %dot_general3A_364 = tpu.matmul %mul3A_359, %get3A_362, %dot_general3A_363 {dimension_numbers = #tpu.dot_dimension_numbers<[1], [0], [0], [1], [0, 0, 1, 1], [], []>, transpose_lhs_hint = false} : vector<4096x64xf32>, vector<64x32xf32>, vector<4096x32xf32> -> vector<4096x32xf32>
    %get3A_365 = arith.constant 1 : index
    %get3A_366 = arith.constant 0 : index
    %get3A_367 = arith.constant 0 : index
    %get3A_368 = vector.load %arg1[%get3A_365, %get3A_366, %get3A_367] : memref<2x4096x32xf32, #tpu.memory_space<vmem>>, vector<1x4096x32xf32>
    %get3A_369 = vector.shape_cast %get3A_368 : vector<1x4096x32xf32> to vector<4096x32xf32>
    %add3A_370 = arith.addf %dot_general3A_364, %get3A_369 : vector<4096x32xf32>
    %get3A_371 = arith.constant 0 : index
    %get3A_372 = arith.constant 0 : index
    %get3A_373 = vector.load %arg13[%get3A_371, %get3A_372] : memref<1x32xf32, #tpu.memory_space<vmem>>, vector<1x32xf32>
    %get3A_374 = arith.constant 0 : index
    %get3A_375 = arith.constant 0 : index
    %get3A_376 = vector.load %arg14[%get3A_374, %get3A_375] : memref<1x32xf32, #tpu.memory_space<vmem>>, vector<1x32xf32>
    %reduce_sum3A_377 = arith.constant dense<0.000000e+00> : vector<4096xf32>
    %reduce_sum3A_378 = vector.multi_reduction <add>, %add3A_370, %reduce_sum3A_377 [1] : vector<4096x32xf32> to vector<4096xf32>
    %broadcast_in_dim3A_379 = vector.shape_cast %reduce_sum3A_378 : vector<4096xf32> to vector<4096x1xf32>
    %div3A_380 = arith.constant 3.200000e+01 : f32
    %div3A_381 = vector.broadcast %div3A_380 : f32 to vector<4096x1xf32>
    %div3A_382 = arith.divf %broadcast_in_dim3A_379, %div3A_381 : vector<4096x1xf32>
    %sub3A_383 = vector.broadcast %div3A_382 : vector<4096x1xf32> to vector<4096x32xf32>
    %sub3A_384 = arith.subf %add3A_370, %sub3A_383 : vector<4096x32xf32>
    %integer_pow3A_385 = arith.mulf %sub3A_384, %sub3A_384 : vector<4096x32xf32>
    %reduce_sum3A_386 = arith.constant dense<0.000000e+00> : vector<4096xf32>
    %reduce_sum3A_387 = vector.multi_reduction <add>, %integer_pow3A_385, %reduce_sum3A_386 [1] : vector<4096x32xf32> to vector<4096xf32>
    %broadcast_in_dim3A_388 = vector.shape_cast %reduce_sum3A_387 : vector<4096xf32> to vector<4096x1xf32>
    %div3A_389 = arith.constant 3.200000e+01 : f32
    %div3A_390 = vector.broadcast %div3A_389 : f32 to vector<4096x1xf32>
    %div3A_391 = arith.divf %broadcast_in_dim3A_388, %div3A_390 : vector<4096x1xf32>
    %sub3A_392 = vector.broadcast %div3A_382 : vector<4096x1xf32> to vector<4096x32xf32>
    %sub3A_393 = arith.subf %add3A_370, %sub3A_392 : vector<4096x32xf32>
    %add3A_394 = arith.constant 9.99999974E-6 : f32
    %add3A_395 = vector.broadcast %add3A_394 : f32 to vector<4096x1xf32>
    %add3A_396 = arith.addf %div3A_391, %add3A_395 : vector<4096x1xf32>
    %sqrt3A_397 = math.sqrt %add3A_396 : vector<4096x1xf32>
    %div3A_398 = vector.broadcast %sqrt3A_397 : vector<4096x1xf32> to vector<4096x32xf32>
    %div3A_399 = arith.divf %sub3A_393, %div3A_398 : vector<4096x32xf32>
    %mul3A_400 = vector.broadcast %get3A_373 : vector<1x32xf32> to vector<4096x32xf32>
    %mul3A_401 = arith.mulf %div3A_399, %mul3A_400 : vector<4096x32xf32>
    %add3A_402 = vector.broadcast %get3A_376 : vector<1x32xf32> to vector<4096x32xf32>
    %add3A_403 = arith.addf %mul3A_401, %add3A_402 : vector<4096x32xf32>
    %get3A_404 = arith.constant 0 : index
    %get3A_405 = arith.constant 0 : index
    %get3A_406 = vector.load %arg15[%get3A_404, %get3A_405] : memref<32x128xf32, #tpu.memory_space<vmem>>, vector<32x128xf32>
    %dot_general3A_407 = arith.constant dense<0.000000e+00> : vector<4096x128xf32>
    %dot_general3A_408 = tpu.matmul %add3A_403, %get3A_406, %dot_general3A_407 {dimension_numbers = #tpu.dot_dimension_numbers<[1], [0], [0], [1], [0, 0, 1, 1], [], []>, transpose_lhs_hint = false} : vector<4096x32xf32>, vector<32x128xf32>, vector<4096x128xf32> -> vector<4096x128xf32>
    %get3A_409 = arith.constant 0 : index
    %get3A_410 = arith.constant 0 : index
    %get3A_411 = vector.load %arg16[%get3A_409, %get3A_410] : memref<1x128xf32, #tpu.memory_space<vmem>>, vector<1x128xf32>
    %add3A_412 = vector.broadcast %get3A_411 : vector<1x128xf32> to vector<4096x128xf32>
    %add3A_413 = arith.addf %dot_general3A_408, %add3A_412 : vector<4096x128xf32>
    %mul3A_414 = arith.constant 5.000000e-01 : f32
    %mul3A_415 = vector.broadcast %mul3A_414 : f32 to vector<4096x128xf32>
    %mul3A_416 = arith.mulf %mul3A_415, %add3A_413 : vector<4096x128xf32>
    %mul3A_417 = arith.mulf %add3A_413, %add3A_413 : vector<4096x128xf32>
    %mul3A_418 = arith.mulf %mul3A_417, %add3A_413 : vector<4096x128xf32>
    %mul3A_419 = arith.constant 4.471500e-02 : f32
    %mul3A_420 = vector.broadcast %mul3A_419 : f32 to vector<4096x128xf32>
    %mul3A_421 = arith.mulf %mul3A_420, %mul3A_418 : vector<4096x128xf32>
    %add3A_422 = arith.addf %add3A_413, %mul3A_421 : vector<4096x128xf32>
    %mul3A_423 = arith.constant 0.797884583 : f32
    %mul3A_424 = vector.broadcast %mul3A_423 : f32 to vector<4096x128xf32>
    %mul3A_425 = arith.mulf %mul3A_424, %add3A_422 : vector<4096x128xf32>
    %tanh3A_426 = math.tanh %mul3A_425 : vector<4096x128xf32>
    %add3A_427 = arith.constant 1.000000e+00 : f32
    %add3A_428 = vector.broadcast %add3A_427 : f32 to vector<4096x128xf32>
    %add3A_429 = arith.addf %add3A_428, %tanh3A_426 : vector<4096x128xf32>
    %mul3A_430 = arith.mulf %mul3A_416, %add3A_429 : vector<4096x128xf32>
    %get3A_431 = arith.constant 0 : index
    %get3A_432 = arith.constant 0 : index
    %get3A_433 = vector.load %arg17[%get3A_431, %get3A_432] : memref<128x32xf32, #tpu.memory_space<vmem>>, vector<128x32xf32>
    %dot_general3A_434 = arith.constant dense<0.000000e+00> : vector<4096x32xf32>
    %dot_general3A_435 = tpu.matmul %mul3A_430, %get3A_433, %dot_general3A_434 {dimension_numbers = #tpu.dot_dimension_numbers<[1], [0], [0], [1], [0, 0, 1, 1], [], []>, transpose_lhs_hint = false} : vector<4096x128xf32>, vector<128x32xf32>, vector<4096x32xf32> -> vector<4096x32xf32>
    %get3A_436 = arith.constant 0 : index
    %get3A_437 = arith.constant 0 : index
    %get3A_438 = vector.load %arg18[%get3A_436, %get3A_437] : memref<1x32xf32, #tpu.memory_space<vmem>>, vector<1x32xf32>
    %add3A_439 = vector.broadcast %get3A_438 : vector<1x32xf32> to vector<4096x32xf32>
    %add3A_440 = arith.addf %dot_general3A_435, %add3A_439 : vector<4096x32xf32>
    %add3A_441 = arith.addf %add3A_440, %add3A_370 : vector<4096x32xf32>
    %get3A_442 = arith.constant 0 : index
    %get3A_443 = arith.constant 0 : index
    %get3A_444 = vector.load %arg19[%get3A_442, %get3A_443] : memref<1x32xf32, #tpu.memory_space<vmem>>, vector<1x32xf32>
    %mul3A_445 = vector.broadcast %get3A_444 : vector<1x32xf32> to vector<4096x32xf32>
    %mul3A_446 = arith.mulf %add3A_441, %mul3A_445 : vector<4096x32xf32>
    %reduce_sum3A_447 = arith.constant dense<0.000000e+00> : vector<4096xf32>
    %reduce_sum3A_448 = vector.multi_reduction <add>, %mul3A_446, %reduce_sum3A_447 [1] : vector<4096x32xf32> to vector<4096xf32>
    %broadcast_in_dim3A_449 = vector.shape_cast %reduce_sum3A_448 : vector<4096xf32> to vector<4096x1xf32>
    %get3A_450 = arith.constant 0 : index
    %get3A_451 = arith.constant 0 : index
    %get3A_452 = vector.load %arg20[%get3A_450, %get3A_451] : memref<1x1xf32, #tpu.memory_space<vmem>>, vector<1x1xf32>
    %add3A_453 = vector.broadcast %get3A_452 : vector<1x1xf32> to vector<4096x1xf32>
    %add3A_454 = arith.addf %broadcast_in_dim3A_449, %add3A_453 : vector<4096x1xf32>
    %broadcast_in_dim3A_455 = vector.shape_cast %add3A_454 : vector<4096x1xf32> to vector<4096x1xf32>
    %broadcast_in_dim3A_456 = vector.broadcast %broadcast_in_dim3A_455 : vector<4096x1xf32> to vector<4096x8xf32>
    %swap3A_457 = arith.constant 1 : index
    %swap3A_458 = arith.constant 0 : index
    %swap3A_459 = arith.constant 0 : index
    %swap3A_460 = vector.load %arg21[%swap3A_457, %swap3A_458, %swap3A_459] : memref<2x4096x8xf32, #tpu.memory_space<vmem>>, vector<1x4096x8xf32>
    %swap3A_461 = vector.shape_cast %swap3A_460 : vector<1x4096x8xf32> to vector<4096x8xf32>
    %swap3A_462 = vector.shape_cast %broadcast_in_dim3A_456 : vector<4096x8xf32> to vector<1x4096x8xf32>
    tpu.vector_store %arg21[%swap3A_457, %swap3A_458, %swap3A_459], %swap3A_462 {strides = array<i32>} : memref<2x4096x8xf32, #tpu.memory_space<vmem>>, vector<1x4096x8xf32>,
    return
  }
}

</mosaic_0001>

<sc_bundles>
// kernel: kernel.12.cloned.1.call-start
scs
__scs_entry_jumppad:
0x0: {  	(pc) =	sbr.rel $0x88, $3  }
0x1: {  	(tag) =	ssettag $0x0;
	lr =	simm.s32 $0x1  }
0x2: {  	[smem:$0x3F78] =	sst lr;
	_ =	strace $0xD0000000  }
0x3: {  	_ = 	snop  }
0x4: {  	_ = 	snop  }
0x5: {  	_ = 	snop  }
0x6: {  	_ = 	snop  }
0x7: {  	_ = 	snop  }
__scs_overlays_trampoline_lowered:
0x8: {  	[smem:$0x3F87] =	sst s0  }
0x9: {  	[smem:$0x3F88] =	sst s1  }
0xa: {  	[smem:$0x3F89] =	sst s2  }
0xb: {  	[smem:$0x3F8A] =	sst s3  }
0xc: {  	[smem:$0x3F8B] =	sst s4  }
0xd: {  	[smem:$0x3F8C] =	sst s5  }
0xe: {  	[smem:$0x3F8D] =	sst s6  }
0xf: {  	[smem:$0x3F8E] =	sst s7  }
0x10: {  	[smem:$0x3F8F] =	sst s8  }
0x11: {  	[smem:$0x3F90] =	sst s9;
	s0 =	simm.s32 @!p0 $0x0  }
0x12: {  	s1 =	sld [smem:$0x3F76];
	s0 =	simm.s32 @p0 $0x1  }
0x13: {  	[smem:$0x3F91] =	sst s0;
	s0 =	simm.s32 @!p1 $0x0  }
0x14: {  	s2 =	sld [smem:$0x3F75];
	s0 =	simm.s32 @p1 $0x1  }
0x15: {  	[smem:$0x3F92] =	sst s0;
	s0 =	simm.s32 @!p2 $0x0  }
0x16: {  	s3 =	sld [smem:$0x3FDB];
	s0 =	simm.s32 @p2 $0x1  }
0x17: {  	s4 =	simm.s32 $0x1BF5;
	[smem:$0x3F94] =	sst s0  }
0x18: {  	s0 =	sld [smem:$0x3F77];
	_ =	swait.ge [sflag:s4], $0x0  }
0x19: {  	s7 =	sld [smem:$0x3F78]  }
0x1a: {  	s8 =	sadd.s32 $0xFFFFE003, lr  }
0x1b: {  	s9 =	sadd.s32 $0xFFFFFEF7, lr;
	s5 =	simm.s32 $0xFFFFFFFF;
	p2 =	slt.u32 s8, $0xFFFFF086  }
0x1c: {  	p1 =	slt.u32 s9, $0xF7A;
	s5 =	simm.s32 @!p2 $0x0  }
0x1d: {  	s5 =	simm.s32 @p1 $0x1;
	p0 =	seq.s32 s7, s2  }
0x1e: {  	s7 =	smul.u32 @!p0 $0xF7A, s2;
	p2 =	seq.s32 @!p0 s5, $0x0  }
0x1f: {  	s9 =	smul.u32 $0xF7A, s1;
	s8 =	simm.s32 @!p0 $0x1BF5;
	p2 =	por !p2, p0  }
0x20: {  	[sflag:s8] =	ssyncset.s32 @!p0 $0xFFFFF086;
	s6 =	sadd.s32 @!p0 s3, s7;
	s7 =	simm.s32 @!p0 $0x108  }
0x21: {  	s3 =	sadd.s32 s3, s9;
	s6 =	sadd.s32 @!p0 $0x88, s6;
	s7 =	simm.s32 @p2 $0x1082  }
0x22: {  	[simem:s7], [sflag:s8] =	dma.local @!p0 [hbm:s6], $0xF7A  }
0x23: {  	s9 =	sor.u32 $0xD0000000, s2;
	s6 =	simm.s32 $0x108;
	_ =	swait.ge @!p0 [sflag:s8], $0x0  }
0x24: {  	s3 =	sadd.s32 $0x88, s3;
	s6 =	simm.s32 @!p1 $0x1082;
	[sflag:s4] =	ssyncset.s32 $0xFFFFF086  }
0x25: {  	[simem:s6], [sflag:s4] =	dma.local [hbm:s3], $0xF7A  }
0x26: {  	[smem:$0x3F78] =	sst s1;
	(tag) =	ssettag s2;
	_ =	strace s9  }
0x27: {  	s1 =	sld [smem:$0x3F88]  }
0x28: {  	s2 =	sld [smem:$0x3F89]  }
0x29: {  	s4 =	sld [smem:$0x3F8B]  }
0x2a: {  	p0 =	seq.s32 s5, $0x0;
	s5 =	sld [smem:$0x3F8C]  }
0x2b: {  	s6 =	sld [smem:$0x3F8D]  }
0x2c: {  	s7 =	sld [smem:$0x3F8E]  }
0x2d: {  	s3 =	simm.s32 $0x108;
	s8 =	sld [smem:$0x3F8F]  }
0x2e: {  	s3 =	simm.s32 @!p0 $0x1082;
	s9 =	sld [smem:$0x3F90]  }
0x2f: {  	lr =	sadd.s32 s0, s3;
	s0 =	sld [smem:$0x3F87]  }
0x30: {  	s3 =	sld [smem:$0x3F8A]  }
0x31: {  	[smem:$0x3F93] =	sst s10  }
0x32: {  	s10 =	sld [smem:$0x3F91];
	_ =	sdelay $0x3  }
0x33: {  	p0 =	seq.s32 s10, $0x1;
	s10 =	sld [smem:$0x3F93];
	_ =	sdelay $0x3  }
0x34: {  	[smem:$0x3F93] =	sst s10  }
0x35: {  	s10 =	sld [smem:$0x3F92];
	_ =	sdelay $0x3  }
0x36: {  	p1 =	seq.s32 s10, $0x1;
	s10 =	sld [smem:$0x3F93];
	_ =	sdelay $0x3  }
0x37: {  	[smem:$0x3F93] =	sst s10  }
0x38: {  	s10 =	sld [smem:$0x3F94]  }
0x39: {  	_ = 	snop;
	(pc) =	sbr.ind lr, $3  }
0x3a: {  	_ = 	snop  }
0x3b: {  	_ = 	snop  }
0x3c: {  	p2 =	seq.s32 s10, $0x1;
	s10 =	sld [smem:$0x3F93]  }
0x3d: {  	_ =	shalt  }
0x3e: {  	_ =	shalt  }
0x3f: {  	_ =	shalt  }
0x40: {  	_ =	shalt  }
0x41: {  	_ =	shalt  }
0x42: {  	_ =	shalt  }
0x43: {  	_ =	shalt  }
0x44: {  	_ =	shalt  }
0x45: {  	_ =	shalt  }
0x46: {  	_ =	shalt  }
0x47: {  	_ =	shalt  }
0x48: {  	_ =	shalt  }
0x49: {  	_ =	shalt  }
0x4a: {  	_ =	shalt  }
0x4b: {  	_ =	shalt  }
0x4c: {  	_ =	shalt  }
0x4d: {  	_ =	shalt  }
0x4e: {  	_ =	shalt  }
0x4f: {  	_ =	shalt  }
0x50: {  	_ =	shalt  }
0x51: {  	_ =	shalt  }
0x52: {  	_ =	shalt  }
0x53: {  	_ =	shalt  }
0x54: {  	_ =	shalt  }
0x55: {  	_ =	shalt  }
0x56: {  	_ =	shalt  }
0x57: {  	_ =	shalt  }
0x58: {  	_ =	shalt  }
0x59: {  	_ =	shalt  }
0x5a: {  	_ =	shalt  }
0x5b: {  	_ =	shalt  }
0x5c: {  	_ =	shalt  }
0x5d: {  	_ =	shalt  }
0x5e: {  	_ =	shalt  }
0x5f: {  	_ =	shalt  }
0x60: {  	_ =	shalt  }
0x61: {  	_ =	shalt  }
0x62: {  	_ =	shalt  }
0x63: {  	_ =	shalt  }
0x64: {  	_ =	shalt  }
0x65: {  	_ =	shalt  }
0x66: {  	_ =	shalt  }
0x67: {  	_ =	shalt  }
0x68: {  	_ =	shalt  }
0x69: {  	_ =	shalt  }
0x6a: {  	_ =	shalt  }
0x6b: {  	_ =	shalt  }
0x6c: {  	_ =	shalt  }
0x6d: {  	_ =	shalt  }
0x6e: {  	_ =	shalt  }
0x6f: {  	_ =	shalt  }
0x70: {  	_ =	shalt  }
0x71: {  	_ =	shalt  }
0x72: {  	_ =	shalt  }
0x73: {  	_ =	shalt  }
0x74: {  	_ =	shalt  }
0x75: {  	_ =	shalt  }
0x76: {  	_ =	shalt  }
0x77: {  	_ =	shalt  }
0x78: {  	_ =	shalt  }
0x79: {  	_ =	shalt  }
0x7a: {  	_ =	shalt  }
0x7b: {  	_ =	shalt  }
0x7c: {  	_ =	shalt  }
0x7d: {  	_ =	shalt  }
0x7e: {  	_ =	shalt  }
0x7f: {  	_ =	shalt  }
0x80: {  	_ =	shalt  }
0x81: {  	_ =	shalt  }
0x82: {  	_ =	shalt  }
0x83: {  	_ =	shalt  }
0x84: {  	_ =	shalt  }
0x85: {  	_ =	shalt  }
0x86: {  	_ =	shalt  }
0x87: {  	_ =	shalt  }
.Lfunc_end0:
.L_simem_size_0:
called_computation.1_lowered:
.L_overlay_start_0:
0x88: {  	s2 =	sld [smem:$0x3FD9]  }
0x89: {  	s3 =	sld [smem:$0x3FFE];
	_ =	sdelay $0x1  }
0x8a: {  	s1 =	srdreg.scid  }
0x8b: {  	s0 =	sand.u32 $0x1, s1  }
0x8c: {  	s16 =	sshll.u32 s0, $0xA;
	s2 =	sadd.s32 s3, s2  }
0x8d: {  	s2 =	sadd.s32 s2, s16  }
0x8e: {  	[smem:$0x3F9F] =	sst s2  }
0x8f: {  	_ = 	snop  }
0x90: {  	(tm) =	ssettm $0x1  }
0x91: {  	s17 =	sld [smem:$0x3FFB];
	_ =	sdelay $0x3  }
0x92: {  	_ =	strace s17  }
0x93: {  	s2 =	sld [smem:$0x3FFC];
	_ =	sdelay $0x3  }
0x94: {  	_ =	strace s2  }
0x95: {  	s2 =	sld [smem:$0x3FFD];
	_ =	sdelay $0x3  }
0x96: {  	_ =	strace s2  }
0x97: {  	_ =	strace $0x8FFFFFFF  }
0x98: {  	s18 =	sld [smem:$0x3FDB];
	_ =	sdelay $0x1  }
0x99: {  	s19 =	simm.s32 $_scs_section_size  }
0x9a: {  	s4 =	simm.s32 $_size__tile_overlayer_lowered;
	s5 =	simm.s32 $_tile_overlayer_lowered  }
0x9b: {  	s22 =	simm.s32 $0x1BFF;
	s21 =	sshll.u32 s5, $0x1;
	s2 =	sadd.s32 s19, s18  }
0x9c: {  	s6 =	simm.s32 $0x0;
	s20 =	sshll.u32 s4, $0x1;
	s4 =	sadd.s32 s21, s2  }
0x9d: {  	[timem:s6], [sflag:s22] =	dma.local [hbm:s4], s20  }
0x9e: {  	_ =	swait.ge [sflag:s22], s20  }
0x9f: {  	s3 =	ssub.s32 $0x0, s20;
	[sflag:s22] =	ssyncset.done $0x0  }
0xa0: {  	[sflag:s22] =	ssyncadd.s32 s3;
	_ =	sdelay $0x1  }
0xa1: {  	s23 =	simm.s32 $0x1B8B  }
0xa2: {  	_ =	swait.ge [sflag:s23], $0x1  }
0xa3: {  	[sflag:s23] =	ssyncset.done $0x0  }
0xa4: {  	s25 =	simm.s32 $0x1B8E;
	s24 =	sld [smem:$0x3FFE];
	[sflag:s23] =	ssyncadd.s32 $0xFFFFFFFF  }
0xa5: {  	s26 =	simm.s32 $execute0_lowered;
	[smem:$0x3FD2] =	sst s25  }
0xa6: {  	s4 =	sshll.u32 s26, $0x1;
	_ =	strace $0x80000049;
	[dreg:$0x1] =	wrdreg $0xFFFFFFFF  }
0xa7: {  	s28 =	simm.s32 $_size_execute0_lowered;
	s2 =	sadd.s32 s2, s4;
	[dreg:$0x0] =	wrdreg $0x0  }
0xa8: {  	s4 =	sshll.u32 s28, $0x1;
	[dreg:$0x2] =	wrdreg s2  }
0xa9: {  	[dreg:$0x3] =	wrdreg s4  }
0xaa: {  	[dreg:$0x4] =	wrdreg $0xC0  }
0xab: {  	_ =	task [dreg:s6], $0x5FFFF  }
0xac: {  	[dreg:$0x1] =	wrdreg $0xFFFFFFFF  }
0xad: {  	[dreg:$0x0] =	wrdreg $0x60  }
0xae: {  	[dreg:$0x2] =	wrdreg s24  }
0xaf: {  	[dreg:$0x3] =	wrdreg $0x9  }
0xb0: {  	_ =	task.clear_ibuf [dreg:s6], $0x4FFFF;
	_ =	strace $0x90000049  }
0xb1: {  	s29 =	simm.s32 $0x9;
	_ =	strace $0x8000004B  }
0xb2: {  	_ =	swait.ge [sflag:s29], $0x1  }
0xb3: {  	[sflag:s29] =	ssyncadd.s32 $0xFFFFFFFF  }
0xb4: {  	_ =	strace $0x9000004B  }
0xb5: {  	_ =	sfence  }
0xb6: {  	s30 =	sld [smem:$0x0];
	_ =	sdelay $0x2  }
0xb7: {  	s31 =	sshll.u32 s1, $0xD;
	s1 =	sshrl.u32 s1, $0x2  }
0xb8: {  	s3 =	sand.u32 $0x4000, s31;
	s1 =	sadd.s32 s1, s30  }
0xb9: {  	s0 =	sor.u32 s3, s0;
	s1 =	sshll.u32 s1, $0x11  }
0xba: {  	s0 =	sor.u32 s1, s0  }
0xbb: {  	s0 =	sadd.s32 $0x8F2B, s0  }
0xbc: {  	[sflag:s0] =	ssyncadd.remote.s32 $0x1  }
0xbd: {  	_ =	sfence.sel $0xFFFF  }
0xbe: {  	[dreg:$0x0] =	wrdreg $0xFFFFFFFF;
	(pc) =	sbr.abs _section_cstart, $3  }
0xbf: {  	[dreg:$0x1] =	wrdreg $0xFFFFFFFF  }
0xc0: {  	_ =	task.clear_ibuf [dreg:s6], $0x2FFFF;
	_ =	strace $0x9FFFFFFF  }
0xc1: {  	(tm) =	ssettm $0x7FFFFFFF  }
tec
execute0_lowered:
.L_overlay_start_1:
0x0: {  	(tag) =	ssettag $0x1  }
0x1: {  	s4 =	rddreg [dreg:$0x0]  }
0x2: {  	s0 =	rddreg [dreg:$0x1];
	s2 =	simm.s32 $0x0;
	s3 =	srdreg.scid  }
0x3: {  	s1 =	stileid.u32;
	s10 =	simm.s32 $0x0;
	[smem:$0x7FF] =	sst s2  }
0x4: {  	s5 =	sand.u32 $0x1, s3;
	s6 =	sshll.u32 s1, $0xD;
	s3 =	sadd.s32 $0x6000, s4  }
0x5: {  	s8 =	sshll.u32 s1, $0x11;
	_ =	strace $0x8000004A;
	s7 =	sshll.u32 s5, $0xC  }
0x6: {  	s31 =	ssub.s32 $0x2, s5;
	s8 =	sadd.s32 s8, s4;
	s5 =	sshll.u32 s5, $0x10  }
0x7: {  	s6 =	sor.u32 s7, s6;
	s9 =	sshrl.u32 s31, $0x1;
	s5 =	sadd.s32 s5, s8  }
0x8: {  	s8 =	simm.s32 $0x80;
	s6 =	sshrl.u32 s6, $0x3;
	s7 =	ssub.s32 s31, s9  }
0x9: {  	s5 =	sadd.s32 $0x14C400, s5;
	s9 =	simm.s32 $0x1;
	s6 =	sadd.s32 s6, s4  }
0xa: {  	s4 =	smax.u32 s7, $0x1;
	s7 =	simm.s32 $0x2;
	s6 =	sadd.s32 $0x148400, s6  }
.LBB2_1:
0xb: {  	s11 =	sadd.s32 $0x0, s6  }
0xc: {  	[tilespmem:s2], [sflag:$0x2] =	stream.linear.gather [hbm4b:s11+s2], $0x80, $0x38;
	[tilespmem:$0x4080] =	vst v63  }
0xd: {  	_ =	swait.ge [sflag:s7], $0x80  }
0xe: {  	[sflag:s7] =	ssyncset.done $0x0  }
0xf: {  	[sflag:s7] =	ssyncadd.s32 $0xFFFFFF80  }
0x10: {  	[tilespmem:s8], [sflag:$0x1] =	stream.indirect.gather [hbm4b:s3+s8], $0x80, s2, s8, $0xb8;
	[tilespmem:$0x4080] =	vst v63  }
0x11: {  	_ =	swait.ge [sflag:s9], $0x4000  }
0x12: {  	[sflag:s9] =	ssyncset.done $0x0  }
0x13: {  	[sflag:s9] =	ssyncadd.s32 $0xFFFFC000  }
0x14: {  	[hbm4b:s5+s2] =	stream.linear.scatter [tilespmem:s8], [sflag:$0x2], $0x4000, $0x38;
	[tilespmem:$0x4080] =	vst v63  }
0x15: {  	s12 =	simm.s32 $0x10;
	_ =	swait.ge [sflag:s7], $0x4000  }
0x16: {  	s13 =	simm.s32 $0x20;
	s11 =	sadd.s32 $0x800, s5;
	[sflag:s7] =	ssyncset.done $0x0  }
.LBB2_2:
0x17: {  	s14 =	sadd.s32 s12, s6  }
0x18: {  	[sflag:s7] =	ssyncadd.s32 $0xFFFFC000;
	s12 =	smov.u32 s13;
	s15 =	sadd.s32 $0x10, s13  }
0x19: {  	[tilespmem:s2], [sflag:$0x2] =	stream.linear.gather [hbm4b:s14+s2], $0x80, $0x38;
	[tilespmem:$0x4080] =	vst v63  }
0x1a: {  	p0 =	sne.s32 s13, $0x1F0;
	_ =	swait.ge [sflag:s7], $0x80  }
0x1b: {  	[sflag:s7] =	ssyncset.done $0x0  }
0x1c: {  	[sflag:s7] =	ssyncadd.s32 $0xFFFFFF80  }
0x1d: {  	[tilespmem:s8], [sflag:$0x1] =	stream.indirect.gather [hbm4b:s3+s8], $0x80, s2, s8, $0xb8;
	[tilespmem:$0x4080] =	vst v63  }
0x1e: {  	_ =	swait.ge [sflag:s9], $0x4000  }
.Ltmp0:
0x1f: {  	[sflag:s9] =	ssyncset.done $0x0;
	(pc) =	sbr.rel @p0 .LBB2_2-.Ltmp0, $4  }
0x20: {  	[sflag:s9] =	ssyncadd.s32 $0xFFFFC000  }
0x21: {  	[hbm4b:s11+s2] =	stream.linear.scatter [tilespmem:s8], [sflag:$0x2], $0x4000, $0x38;
	[tilespmem:$0x4080] =	vst v63  }
0x22: {  	_ =	swait.ge [sflag:s7], $0x4000  }
0x23: {  	s13 =	smov.u32 s15;
	s11 =	sadd.s32 $0x800, s11;
	[sflag:s7] =	ssyncset.done $0x0  }
0x24: {  	s12 =	sadd.s32 s12, s6;
	[sflag:s7] =	ssyncadd.s32 $0xFFFFC000  }
0x25: {  	[tilespmem:s2], [sflag:$0x2] =	stream.linear.gather [hbm4b:s12+s2], $0x80, $0x38;
	[tilespmem:$0x4080] =	vst v63  }
0x26: {  	_ =	swait.ge [sflag:s7], $0x80  }
0x27: {  	[sflag:s7] =	ssyncset.done $0x0  }
0x28: {  	[sflag:s7] =	ssyncadd.s32 $0xFFFFFF80  }
0x29: {  	[tilespmem:s8], [sflag:$0x1] =	stream.indirect.gather [hbm4b:s3+s8], $0x80, s2, s8, $0xb8;
	[tilespmem:$0x4080] =	vst v63  }
0x2a: {  	s10 =	sadd.s32 $0x1, s10;
	_ =	swait.ge [sflag:s9], $0x4000  }
0x2b: {  	p0 =	sne.s32 s10, s4;
	[sflag:s9] =	ssyncset.done $0x0  }
.Ltmp1:
0x2c: {  	[sflag:s9] =	ssyncadd.s32 $0xFFFFC000;
	(pc) =	sbr.rel @p0 .LBB2_1-.Ltmp1, $4  }
0x2d: {  	[hbm4b:s11+s2] =	stream.linear.scatter [tilespmem:s8], [sflag:$0x2], $0x4000, $0x38;
	[tilespmem:$0x4080] =	vst v63  }
0x2e: {  	_ =	swait.ge [sflag:s7], $0x4000  }
0x2f: {  	[sflag:s7] =	ssyncset.done $0x0  }
0x30: {  	[sflag:s7] =	ssyncadd.s32 $0xFFFFC000  }
0x31: {  	_ =	sfence.sel $0x180000  }
0x32: {  	[bflag:$0x0] =	sbarrier.arrive $0xFFFF  }
0x33: {  	p0 =	sne.s32 s1, $0x0;
	_ =	strace $0x9000004A  }
0x34: {  	s0 =	sadd.s32 @!p0 $0x100000, s0;
	[bflag:$0x2] =	sbarrier.arrive $0xFFFF  }
0x35: {  	[sflag:s0] =	ssyncadd.tile.s32 @!p0 $0x1;
	_ =	shalt  }
.Lfunc_end2:
_tile_overlayer_lowered:
.L_overlay_start_2:
0x36: {  	(tag) =	ssettag $0x2  }
0x37: {  	s0 =	rddreg [dreg:$0x0];
	s2 =	stileid.u32  }
0x38: {  	s1 =	rddreg [dreg:$0x1];
	p0 =	sne.s32 s2, $0x0  }
0x39: {  	s3 =	rddreg [dreg:$0x2];
	[bflag:$0x3] =	sbarrier.arrive $0xFFFF;
	s2 =	simm.s32 @!p0 $0x1C02  }
0x3a: {  	[timem:s3], [sflag:s2] =	dma.local @!p0 [hbm:s0], s1  }
0x3b: {  	s0 =	simm.s32 @!p0 $0x2  }
0x3c: {  	_ =	swait.ge @!p0 [sflag:s0], s1  }
0x3d: {  	s1 =	ssub.s32 @!p0 $0x0, s1;
	[sflag:s0] =	ssyncset.done @!p0 $0x0  }
0x3e: {  	[sflag:s0] =	ssyncadd.s32 @!p0 s1  }
0x3f: {  	[bflag:$0x3] =	sbarrier.arrive $0xFFFF  }
0x40: {  	_ =	shalt  }

// kernel: kernel.9.cloned.1.call-start
scs
__scs_entry_jumppad:
0x0: {  	(pc) =	sbr.rel $0x88, $3  }
0x1: {  	(tag) =	ssettag $0x0;
	lr =	simm.s32 $0x1  }
0x2: {  	[smem:$0x3F78] =	sst lr;
	_ =	strace $0xD0000000  }
0x3: {  	_ = 	snop  }
0x4: {  	_ = 	snop  }
0x5: {  	_ = 	snop  }
0x6: {  	_ = 	snop  }
0x7: {  	_ = 	snop  }
__scs_overlays_trampoline_lowered:
0x8: {  	[smem:$0x3F87] =	sst s0  }
0x9: {  	[smem:$0x3F88] =	sst s1  }
0xa: {  	[smem:$0x3F89] =	sst s2  }
0xb: {  	[smem:$0x3F8A] =	sst s3  }
0xc: {  	[smem:$0x3F8B] =	sst s4  }
0xd: {  	[smem:$0x3F8C] =	sst s5  }
0xe: {  	[smem:$0x3F8D] =	sst s6  }
0xf: {  	[smem:$0x3F8E] =	sst s7  }
0x10: {  	[smem:$0x3F8F] =	sst s8  }
0x11: {  	[smem:$0x3F90] =	sst s9;
	s0 =	simm.s32 @!p0 $0x0  }
0x12: {  	s1 =	sld [smem:$0x3F76];
	s0 =	simm.s32 @p0 $0x1  }
0x13: {  	[smem:$0x3F91] =	sst s0;
	s0 =	simm.s32 @!p1 $0x0  }
0x14: {  	s2 =	sld [smem:$0x3F75];
	s0 =	simm.s32 @p1 $0x1  }
0x15: {  	[smem:$0x3F92] =	sst s0;
	s0 =	simm.s32 @!p2 $0x0  }
0x16: {  	s3 =	sld [smem:$0x3FDB];
	s0 =	simm.s32 @p2 $0x1  }
0x17: {  	s4 =	simm.s32 $0x1BF5;
	[smem:$0x3F94] =	sst s0  }
0x18: {  	s0 =	sld [smem:$0x3F77];
	_ =	swait.ge [sflag:s4], $0x0  }
0x19: {  	s7 =	sld [smem:$0x3F78]  }
0x1a: {  	s8 =	sadd.s32 $0xFFFFE003, lr  }
0x1b: {  	s9 =	sadd.s32 $0xFFFFFEF7, lr;
	s5 =	simm.s32 $0xFFFFFFFF;
	p2 =	slt.u32 s8, $0xFFFFF086  }
0x1c: {  	p1 =	slt.u32 s9, $0xF7A;
	s5 =	simm.s32 @!p2 $0x0  }
0x1d: {  	s5 =	simm.s32 @p1 $0x1;
	p0 =	seq.s32 s7, s2  }
0x1e: {  	s7 =	smul.u32 @!p0 $0xF7A, s2;
	p2 =	seq.s32 @!p0 s5, $0x0  }
0x1f: {  	s9 =	smul.u32 $0xF7A, s1;
	s8 =	simm.s32 @!p0 $0x1BF5;
	p2 =	por !p2, p0  }
0x20: {  	[sflag:s8] =	ssyncset.s32 @!p0 $0xFFFFF086;
	s6 =	sadd.s32 @!p0 s3, s7;
	s7 =	simm.s32 @!p0 $0x108  }
0x21: {  	s3 =	sadd.s32 s3, s9;
	s6 =	sadd.s32 @!p0 $0x88, s6;
	s7 =	simm.s32 @p2 $0x1082  }
0x22: {  	[simem:s7], [sflag:s8] =	dma.local @!p0 [hbm:s6], $0xF7A  }
0x23: {  	s9 =	sor.u32 $0xD0000000, s2;
	s6 =	simm.s32 $0x108;
	_ =	swait.ge @!p0 [sflag:s8], $0x0  }
0x24: {  	s3 =	sadd.s32 $0x88, s3;
	s6 =	simm.s32 @!p1 $0x1082;
	[sflag:s4] =	ssyncset.s32 $0xFFFFF086  }
0x25: {  	[simem:s6], [sflag:s4] =	dma.local [hbm:s3], $0xF7A  }
0x26: {  	[smem:$0x3F78] =	sst s1;
	(tag) =	ssettag s2;
	_ =	strace s9  }
0x27: {  	s1 =	sld [smem:$0x3F88]  }
0x28: {  	s2 =	sld [smem:$0x3F89]  }
0x29: {  	s4 =	sld [smem:$0x3F8B]  }
0x2a: {  	p0 =	seq.s32 s5, $0x0;
	s5 =	sld [smem:$0x3F8C]  }
0x2b: {  	s6 =	sld [smem:$0x3F8D]  }
0x2c: {  	s7 =	sld [smem:$0x3F8E]  }
0x2d: {  	s3 =	simm.s32 $0x108;
	s8 =	sld [smem:$0x3F8F]  }
0x2e: {  	s3 =	simm.s32 @!p0 $0x1082;
	s9 =	sld [smem:$0x3F90]  }
0x2f: {  	lr =	sadd.s32 s0, s3;
	s0 =	sld [smem:$0x3F87]  }
0x30: {  	s3 =	sld [smem:$0x3F8A]  }
0x31: {  	[smem:$0x3F93] =	sst s10  }
0x32: {  	s10 =	sld [smem:$0x3F91];
	_ =	sdelay $0x3  }
0x33: {  	p0 =	seq.s32 s10, $0x1;
	s10 =	sld [smem:$0x3F93];
	_ =	sdelay $0x3  }
0x34: {  	[smem:$0x3F93] =	sst s10  }
0x35: {  	s10 =	sld [smem:$0x3F92];
	_ =	sdelay $0x3  }
0x36: {  	p1 =	seq.s32 s10, $0x1;
	s10 =	sld [smem:$0x3F93];
	_ =	sdelay $0x3  }
0x37: {  	[smem:$0x3F93] =	sst s10  }
0x38: {  	s10 =	sld [smem:$0x3F94]  }
0x39: {  	_ = 	snop;
	(pc) =	sbr.ind lr, $3  }
0x3a: {  	_ = 	snop  }
0x3b: {  	_ = 	snop  }
0x3c: {  	p2 =	seq.s32 s10, $0x1;
	s10 =	sld [smem:$0x3F93]  }
0x3d: {  	_ =	shalt  }
0x3e: {  	_ =	shalt  }
0x3f: {  	_ =	shalt  }
0x40: {  	_ =	shalt  }
0x41: {  	_ =	shalt  }
0x42: {  	_ =	shalt  }
0x43: {  	_ =	shalt  }
0x44: {  	_ =	shalt  }
0x45: {  	_ =	shalt  }
0x46: {  	_ =	shalt  }
0x47: {  	_ =	shalt  }
0x48: {  	_ =	shalt  }
0x49: {  	_ =	shalt  }
0x4a: {  	_ =	shalt  }
0x4b: {  	_ =	shalt  }
0x4c: {  	_ =	shalt  }
0x4d: {  	_ =	shalt  }
0x4e: {  	_ =	shalt  }
0x4f: {  	_ =	shalt  }
0x50: {  	_ =	shalt  }
0x51: {  	_ =	shalt  }
0x52: {  	_ =	shalt  }
0x53: {  	_ =	shalt  }
0x54: {  	_ =	shalt  }
0x55: {  	_ =	shalt  }
0x56: {  	_ =	shalt  }
0x57: {  	_ =	shalt  }
0x58: {  	_ =	shalt  }
0x59: {  	_ =	shalt  }
0x5a: {  	_ =	shalt  }
0x5b: {  	_ =	shalt  }
0x5c: {  	_ =	shalt  }
0x5d: {  	_ =	shalt  }
0x5e: {  	_ =	shalt  }
0x5f: {  	_ =	shalt  }
0x60: {  	_ =	shalt  }
0x61: {  	_ =	shalt  }
0x62: {  	_ =	shalt  }
0x63: {  	_ =	shalt  }
0x64: {  	_ =	shalt  }
0x65: {  	_ =	shalt  }
0x66: {  	_ =	shalt  }
0x67: {  	_ =	shalt  }
0x68: {  	_ =	shalt  }
0x69: {  	_ =	shalt  }
0x6a: {  	_ =	shalt  }
0x6b: {  	_ =	shalt  }
0x6c: {  	_ =	shalt  }
0x6d: {  	_ =	shalt  }
0x6e: {  	_ =	shalt  }
0x6f: {  	_ =	shalt  }
0x70: {  	_ =	shalt  }
0x71: {  	_ =	shalt  }
0x72: {  	_ =	shalt  }
0x73: {  	_ =	shalt  }
0x74: {  	_ =	shalt  }
0x75: {  	_ =	shalt  }
0x76: {  	_ =	shalt  }
0x77: {  	_ =	shalt  }
0x78: {  	_ =	shalt  }
0x79: {  	_ =	shalt  }
0x7a: {  	_ =	shalt  }
0x7b: {  	_ =	shalt  }
0x7c: {  	_ =	shalt  }
0x7d: {  	_ =	shalt  }
0x7e: {  	_ =	shalt  }
0x7f: {  	_ =	shalt  }
0x80: {  	_ =	shalt  }
0x81: {  	_ =	shalt  }
0x82: {  	_ =	shalt  }
0x83: {  	_ =	shalt  }
0x84: {  	_ =	shalt  }
0x85: {  	_ =	shalt  }
0x86: {  	_ =	shalt  }
0x87: {  	_ =	shalt  }
.Lfunc_end0:
.L_simem_size_0:
called_computation_lowered:
.L_overlay_start_0:
0x88: {  	s2 =	sld [smem:$0x3FD9]  }
0x89: {  	s3 =	sld [smem:$0x3FFE];
	_ =	sdelay $0x1  }
0x8a: {  	s1 =	srdreg.scid  }
0x8b: {  	s0 =	sand.u32 $0x1, s1  }
0x8c: {  	s16 =	sshll.u32 s0, $0xA;
	s2 =	sadd.s32 s3, s2  }
0x8d: {  	s2 =	sadd.s32 s2, s16  }
0x8e: {  	[smem:$0x3F9F] =	sst s2  }
0x8f: {  	_ = 	snop  }
0x90: {  	(tm) =	ssettm $0x1  }
0x91: {  	s17 =	sld [smem:$0x3FFB];
	_ =	sdelay $0x3  }
0x92: {  	_ =	strace s17  }
0x93: {  	s2 =	sld [smem:$0x3FFC];
	_ =	sdelay $0x3  }
0x94: {  	_ =	strace s2  }
0x95: {  	s2 =	sld [smem:$0x3FFD];
	_ =	sdelay $0x3  }
0x96: {  	_ =	strace s2  }
0x97: {  	_ =	strace $0x8FFFFFFF  }
0x98: {  	s18 =	sld [smem:$0x3FDB];
	_ =	sdelay $0x1  }
0x99: {  	s19 =	simm.s32 $_scs_section_size  }
0x9a: {  	s4 =	simm.s32 $_size__tile_overlayer_lowered;
	s5 =	simm.s32 $_tile_overlayer_lowered  }
0x9b: {  	s22 =	simm.s32 $0x1BFF;
	s21 =	sshll.u32 s5, $0x1;
	s2 =	sadd.s32 s19, s18  }
0x9c: {  	s6 =	simm.s32 $0x0;
	s20 =	sshll.u32 s4, $0x1;
	s4 =	sadd.s32 s21, s2  }
0x9d: {  	[timem:s6], [sflag:s22] =	dma.local [hbm:s4], s20  }
0x9e: {  	_ =	swait.ge [sflag:s22], s20  }
0x9f: {  	s3 =	ssub.s32 $0x0, s20;
	[sflag:s22] =	ssyncset.done $0x0  }
0xa0: {  	[sflag:s22] =	ssyncadd.s32 s3;
	_ =	sdelay $0x1  }
0xa1: {  	s23 =	simm.s32 $0x1B8B  }
0xa2: {  	_ =	swait.ge [sflag:s23], $0x1  }
0xa3: {  	[sflag:s23] =	ssyncset.done $0x0  }
0xa4: {  	s25 =	simm.s32 $0x1B8E;
	s24 =	sld [smem:$0x3FFE];
	[sflag:s23] =	ssyncadd.s32 $0xFFFFFFFF  }
0xa5: {  	s26 =	simm.s32 $execute0_lowered;
	[smem:$0x3FD2] =	sst s25  }
0xa6: {  	s4 =	sshll.u32 s26, $0x1;
	_ =	strace $0x80000046;
	[dreg:$0x1] =	wrdreg $0xFFFFFFFF  }
0xa7: {  	s28 =	simm.s32 $_size_execute0_lowered;
	s2 =	sadd.s32 s2, s4;
	[dreg:$0x0] =	wrdreg $0x0  }
0xa8: {  	s4 =	sshll.u32 s28, $0x1;
	[dreg:$0x2] =	wrdreg s2  }
0xa9: {  	[dreg:$0x3] =	wrdreg s4  }
0xaa: {  	[dreg:$0x4] =	wrdreg $0xC0  }
0xab: {  	_ =	task [dreg:s6], $0x5FFFF  }
0xac: {  	[dreg:$0x1] =	wrdreg $0xFFFFFFFF  }
0xad: {  	[dreg:$0x0] =	wrdreg $0x60  }
0xae: {  	[dreg:$0x2] =	wrdreg s24  }
0xaf: {  	[dreg:$0x3] =	wrdreg $0x9  }
0xb0: {  	_ =	task.clear_ibuf [dreg:s6], $0x4FFFF;
	_ =	strace $0x90000046  }
0xb1: {  	s29 =	simm.s32 $0x9;
	_ =	strace $0x80000048  }
0xb2: {  	_ =	swait.ge [sflag:s29], $0x1  }
0xb3: {  	[sflag:s29] =	ssyncadd.s32 $0xFFFFFFFF  }
0xb4: {  	_ =	strace $0x90000048  }
0xb5: {  	_ =	sfence  }
0xb6: {  	s30 =	sld [smem:$0x0];
	_ =	sdelay $0x2  }
0xb7: {  	s31 =	sshll.u32 s1, $0xD;
	s1 =	sshrl.u32 s1, $0x2  }
0xb8: {  	s3 =	sand.u32 $0x4000, s31;
	s1 =	sadd.s32 s1, s30  }
0xb9: {  	s0 =	sor.u32 s3, s0;
	s1 =	sshll.u32 s1, $0x11  }
0xba: {  	s0 =	sor.u32 s1, s0  }
0xbb: {  	s0 =	sadd.s32 $0x8F2B, s0  }
0xbc: {  	[sflag:s0] =	ssyncadd.remote.s32 $0x1  }
0xbd: {  	_ =	sfence.sel $0xFFFF  }
0xbe: {  	[dreg:$0x0] =	wrdreg $0xFFFFFFFF;
	(pc) =	sbr.abs _section_cstart, $3  }
0xbf: {  	[dreg:$0x1] =	wrdreg $0xFFFFFFFF  }
0xc0: {  	_ =	task.clear_ibuf [dreg:s6], $0x2FFFF;
	_ =	strace $0x9FFFFFFF  }
0xc1: {  	(tm) =	ssettm $0x7FFFFFFF  }
tec
execute0_lowered:
.L_overlay_start_1:
0x0: {  	(tag) =	ssettag $0x1  }
0x1: {  	s4 =	rddreg [dreg:$0x0]  }
0x2: {  	s0 =	rddreg [dreg:$0x1];
	s2 =	simm.s32 $0x0;
	s1 =	stileid.u32  }
0x3: {  	s3 =	srdreg.scid;
	s10 =	simm.s32 $0x0;
	s6 =	smul.u32 $0x1200, s1  }
0x4: {  	[smem:$0x7FF] =	sst s2;
	s5 =	sand.u32 $0x1, s3;
	s8 =	smul.u32 $0x12000, s1  }
0x5: {  	s3 =	sadd.s32 $0x8400, s4;
	s7 =	smul.u32 $0x900, s5;
	s9 =	ssub.s32 $0x2, s5  }
0x6: {  	_ =	strace $0x80000047;
	s5 =	smul.u32 $0x9000, s5;
	s31 =	sshrl.u32 s9, $0x1  }
0x7: {  	s8 =	sadd.s32 s8, s4;
	s6 =	sadd.s32 s7, s6;
	s7 =	ssub.s32 s9, s31  }
0x8: {  	s5 =	sadd.s32 s5, s8;
	s8 =	simm.s32 $0x80;
	s6 =	sshrl.u32 s6, $0x3  }
0x9: {  	s9 =	simm.s32 $0x1;
	s5 =	sadd.s32 $0x28400, s5;
	s6 =	sadd.s32 s6, s4  }
0xa: {  	s4 =	smax.u32 s7, $0x1;
	s7 =	simm.s32 $0x2;
	s6 =	sadd.s32 $0x6000, s6  }
.LBB2_1:
0xb: {  	s11 =	sadd.s32 $0x0, s6  }
0xc: {  	[tilespmem:s2], [sflag:$0x2] =	stream.linear.gather [hbm4b:s11+s2], $0x80, $0x38;
	[tilespmem:$0x4080] =	vst v63  }
0xd: {  	_ =	swait.ge [sflag:s7], $0x80  }
0xe: {  	[sflag:s7] =	ssyncset.done $0x0  }
0xf: {  	[sflag:s7] =	ssyncadd.s32 $0xFFFFFF80  }
0x10: {  	[tilespmem:s8], [sflag:$0x1] =	stream.indirect.gather [hbm4b:s3+s8], $0x80, s2, s8, $0xb8;
	[tilespmem:$0x4080] =	vst v63  }
0x11: {  	_ =	swait.ge [sflag:s9], $0x4000  }
0x12: {  	[sflag:s9] =	ssyncset.done $0x0  }
0x13: {  	[sflag:s9] =	ssyncadd.s32 $0xFFFFC000  }
0x14: {  	[hbm4b:s5+s2] =	stream.linear.scatter [tilespmem:s8], [sflag:$0x2], $0x4000, $0x38;
	[tilespmem:$0x4080] =	vst v63  }
0x15: {  	s12 =	simm.s32 $0x10;
	_ =	swait.ge [sflag:s7], $0x4000  }
0x16: {  	s13 =	simm.s32 $0x20;
	s11 =	sadd.s32 $0x800, s5;
	[sflag:s7] =	ssyncset.done $0x0  }
.LBB2_2:
0x17: {  	s14 =	sadd.s32 s12, s6  }
0x18: {  	[sflag:s7] =	ssyncadd.s32 $0xFFFFC000;
	s12 =	smov.u32 s13;
	s15 =	sadd.s32 $0x10, s13  }
0x19: {  	[tilespmem:s2], [sflag:$0x2] =	stream.linear.gather [hbm4b:s14+s2], $0x80, $0x38;
	[tilespmem:$0x4080] =	vst v63  }
0x1a: {  	p0 =	sne.s32 s13, $0x110;
	_ =	swait.ge [sflag:s7], $0x80  }
0x1b: {  	[sflag:s7] =	ssyncset.done $0x0  }
0x1c: {  	[sflag:s7] =	ssyncadd.s32 $0xFFFFFF80  }
0x1d: {  	[tilespmem:s8], [sflag:$0x1] =	stream.indirect.gather [hbm4b:s3+s8], $0x80, s2, s8, $0xb8;
	[tilespmem:$0x4080] =	vst v63  }
0x1e: {  	_ =	swait.ge [sflag:s9], $0x4000  }
.Ltmp0:
0x1f: {  	[sflag:s9] =	ssyncset.done $0x0;
	(pc) =	sbr.rel @p0 .LBB2_2-.Ltmp0, $4  }
0x20: {  	[sflag:s9] =	ssyncadd.s32 $0xFFFFC000  }
0x21: {  	[hbm4b:s11+s2] =	stream.linear.scatter [tilespmem:s8], [sflag:$0x2], $0x4000, $0x38;
	[tilespmem:$0x4080] =	vst v63  }
0x22: {  	_ =	swait.ge [sflag:s7], $0x4000  }
0x23: {  	s13 =	smov.u32 s15;
	s11 =	sadd.s32 $0x800, s11;
	[sflag:s7] =	ssyncset.done $0x0  }
0x24: {  	s12 =	sadd.s32 s12, s6;
	[sflag:s7] =	ssyncadd.s32 $0xFFFFC000  }
0x25: {  	[tilespmem:s2], [sflag:$0x2] =	stream.linear.gather [hbm4b:s12+s2], $0x80, $0x38;
	[tilespmem:$0x4080] =	vst v63  }
0x26: {  	_ =	swait.ge [sflag:s7], $0x80  }
0x27: {  	[sflag:s7] =	ssyncset.done $0x0  }
0x28: {  	[sflag:s7] =	ssyncadd.s32 $0xFFFFFF80  }
0x29: {  	[tilespmem:s8], [sflag:$0x1] =	stream.indirect.gather [hbm4b:s3+s8], $0x80, s2, s8, $0xb8;
	[tilespmem:$0x4080] =	vst v63  }
0x2a: {  	s10 =	sadd.s32 $0x1, s10;
	_ =	swait.ge [sflag:s9], $0x4000  }
0x2b: {  	p0 =	sne.s32 s10, s4;
	[sflag:s9] =	ssyncset.done $0x0  }
.Ltmp1:
0x2c: {  	[sflag:s9] =	ssyncadd.s32 $0xFFFFC000;
	(pc) =	sbr.rel @p0 .LBB2_1-.Ltmp1, $4  }
0x2d: {  	[hbm4b:s11+s2] =	stream.linear.scatter [tilespmem:s8], [sflag:$0x2], $0x4000, $0x38;
	[tilespmem:$0x4080] =	vst v63  }
0x2e: {  	_ =	swait.ge [sflag:s7], $0x4000  }
0x2f: {  	[sflag:s7] =	ssyncset.done $0x0  }
0x30: {  	[sflag:s7] =	ssyncadd.s32 $0xFFFFC000  }
0x31: {  	_ =	sfence.sel $0x180000  }
0x32: {  	[bflag:$0x0] =	sbarrier.arrive $0xFFFF  }
0x33: {  	p0 =	sne.s32 s1, $0x0;
	_ =	strace $0x90000047  }
0x34: {  	s0 =	sadd.s32 @!p0 $0x100000, s0;
	[bflag:$0x2] =	sbarrier.arrive $0xFFFF  }
0x35: {  	[sflag:s0] =	ssyncadd.tile.s32 @!p0 $0x1;
	_ =	shalt  }
.Lfunc_end2:
_tile_overlayer_lowered:
.L_overlay_start_2:
0x36: {  	(tag) =	ssettag $0x2  }
0x37: {  	s0 =	rddreg [dreg:$0x0];
	s2 =	stileid.u32  }
0x38: {  	s1 =	rddreg [dreg:$0x1];
	p0 =	sne.s32 s2, $0x0  }
0x39: {  	s3 =	rddreg [dreg:$0x2];
	[bflag:$0x3] =	sbarrier.arrive $0xFFFF;
	s2 =	simm.s32 @!p0 $0x1C02  }
0x3a: {  	[timem:s3], [sflag:s2] =	dma.local @!p0 [hbm:s0], s1  }
0x3b: {  	s0 =	simm.s32 @!p0 $0x2  }
0x3c: {  	_ =	swait.ge @!p0 [sflag:s0], s1  }
0x3d: {  	s1 =	ssub.s32 @!p0 $0x0, s1;
	[sflag:s0] =	ssyncset.done @!p0 $0x0  }
0x3e: {  	[sflag:s0] =	ssyncadd.s32 @!p0 s1  }
0x3f: {  	[bflag:$0x3] =	sbarrier.arrive $0xFFFF  }
0x40: {  	_ =	shalt  }

</sc_bundles>
